<compile_context>
chip_gen: v7x
topology: tpu7x:2x2x1
jax: 0.10.2.dev20260603
libtpu: 0.0.44.dev20260713+nightly
codegen_flags: <defaults>
</compile_context>

<pallas_src>
import jax
import jax.numpy as jnp
import numpy as np
from jax import lax
from jax.experimental import pallas as pl
from jax.experimental.pallas import tpu as pltpu
from jax.experimental.pallas import tpu_sc as plsc

N = 10000
E = 320000
D = 128
AVG_NEIGH = 32.0

NC = 2
NS = 16
EW = E // (NC * NS)
K = 80
NCHUNK = EW // K
ZROWS = K
NZCHUNK = N // ZROWS
FROWS = 200
NFCHUNK = N // FROWS


_COLMAP = np.empty((D,), np.int32)
for _q in range(D // 32):
    for _i in range(16):
        _COLMAP[32 * _q + 2 * _i] = 32 * _q + _i
        _COLMAP[32 * _q + 2 * _i + 1] = 32 * _q + 16 + _i


def _h_body(x_ref, w_ref, o_ref):
    o_ref[...] = jnp.dot(x_ref[...], w_ref[...], preferred_element_type=jnp.float32)


def _radial_body(emb_ref, attr_ref, wr1_ref, wr2_ref, o_ref):
    t = jnp.dot(emb_ref[...], wr1_ref[...], preferred_element_type=jnp.float32)
    t = t * jax.nn.sigmoid(t)
    r = jnp.dot(t, wr2_ref[...], preferred_element_type=jnp.float32)
    o_ref[...] = pltpu.bitcast((r * attr_ref[...]).astype(jnp.bfloat16), jnp.int32)


def _post_body(x_ref, a0_ref, a1_ref, w2_ref, wsc_ref, o_ref):
    agg = (a0_ref[...] + a1_ref[...]) * (1.0 / AVG_NEIGH)
    conv = (jnp.dot(x_ref[...], wsc_ref[...], preferred_element_type=jnp.float32)
            + jnp.dot(agg, w2_ref[...], preferred_element_type=jnp.float32))
    o_ref[...] = x_ref[...] + conv * jax.nn.sigmoid(conv)


def _edge_body(h_hbm, src_hbm, dst_hbm, rad_hbm, out_hbm,
               srcb0, srcb1, dstb0, dstb1, rows0, rows1, radb0, radb1,
               acc,
               gsem0, gsem1, rsem0, rsem1, isem0, isem1):
    c = lax.axis_index("c")
    s = lax.axis_index("s")
    tbase = (c * NS + s) * EW
    rbase = (c * NS + s) * (EW // 2)

    srcb = (srcb0, srcb1)
    dstb = (dstb0, dstb1)
    rows = (rows0, rows1)
    radb = (radb0, radb1)
    gsem = (gsem0, gsem1)
    rsem = (rsem0, rsem1)
    isem = (isem0, isem1)

    def _zrow(j, _):
        for q in range(D // 16):
            rows0[j, pl.ds(q * 16, 16)] = jnp.zeros((16,), jnp.float32)
        return 0
    lax.fori_loop(0, ZROWS, _zrow, 0)
    for t in range((NZCHUNK + NS - 1) // NS):
        cid = t * NS + s
        @pl.when(cid < NZCHUNK)
        def _():
            pltpu.sync_copy(rows0, acc.at[pl.ds(cid * ZROWS, ZROWS)])
    plsc.subcore_barrier()

    def _issue_gr(i, sl):
        pltpu.async_copy(h_hbm.at[srcb[sl]], rows[sl], gsem[sl])
        pltpu.async_copy(rad_hbm.at[pl.ds(rbase + i * (K // 2), K // 2)], radb[sl], rsem[sl])

    def _issue_idx(i, sl):
        eb = tbase + i * K
        pltpu.async_copy(src_hbm.at[pl.ds(eb, K)], srcb[sl], isem[sl])
        pltpu.async_copy(dst_hbm.at[pl.ds(eb, K)], dstb[sl], isem[sl])

    pltpu.sync_copy(src_hbm.at[pl.ds(tbase, K)], srcb0)
    pltpu.sync_copy(dst_hbm.at[pl.ds(tbase, K)], dstb0)
    _issue_idx(1, 1)
    _issue_gr(0, 0)

    def _step(i, sl):
        nsl = 1 - sl
        pltpu.make_async_copy(h_hbm.at[srcb[sl]], rows[sl], gsem[sl]).wait()
        pltpu.make_async_copy(rad_hbm.at[pl.ds(rbase, K // 2)], radb[sl], rsem[sl]).wait()

        @pl.when(i + 1 < NCHUNK)
        def _():
            pltpu.make_async_copy(src_hbm.at[pl.ds(tbase, K)], srcb[nsl], isem[nsl]).wait()
            pltpu.make_async_copy(dst_hbm.at[pl.ds(tbase, K)], dstb[nsl], isem[nsl]).wait()
            _issue_gr(i + 1, nsl)

        @plsc.parallel_loop(0, K // 2, unroll=4)
        def _mul(jp):
            for q in range(D // 16):
                qs = pl.ds(q * 16, 16)
                rv = radb[sl][jp, qs]
                ra = jax.lax.bitcast_convert_type(jnp.left_shift(rv, 16), jnp.float32)
                rb = jax.lax.bitcast_convert_type(jnp.bitwise_and(rv, jnp.int32(-65536)), jnp.float32)
                rows[sl][2 * jp, qs] = rows[sl][2 * jp, qs] * ra
                rows[sl][2 * jp + 1, qs] = rows[sl][2 * jp + 1, qs] * rb
        pltpu.sync_copy(rows[sl], acc.at[dstb[sl]], add=True)

        @pl.when(i + 2 < NCHUNK)
        def _():
            _issue_idx(i + 2, sl)

    def _chunk(i, _):
        @pl.when(i % 2 == 0)
        def _():
            _step(i, 0)

        @pl.when(i % 2 == 1)
        def _():
            _step(i, 1)
        return 0
    lax.fori_loop(0, NCHUNK, _chunk, 0)

    plsc.subcore_barrier()
    for t in range((NFCHUNK + NS - 1) // NS):
        cid = t * NS + s
        @pl.when(cid < NFCHUNK)
        def _():
            r0 = cid * FROWS
            pltpu.sync_copy(acc.at[pl.ds(r0, FROWS)], out_hbm.at[pl.ds(c * N + r0, FROWS)])


def kernel(node_features, edge_index, edge_attrs, edge_embedding, W1, W2, W_sc, Wr1, Wr2):
    x = node_features
    src = edge_index[0]
    dst = edge_index[1]

    h = pl.pallas_call(
        _h_body,
        grid=(5,),
        in_specs=[pl.BlockSpec((2000, D), lambda i: (i, 0)),
                  pl.BlockSpec((D, D), lambda i: (0, 0))],
        out_specs=pl.BlockSpec((2000, D), lambda i: (i, 0)),
        out_shape=jax.ShapeDtypeStruct((N, D), jnp.float32),
    )(x, W1)

    BE = 8000
    radial = pl.pallas_call(
        _radial_body,
        grid=(E // BE,),
        in_specs=[pl.BlockSpec((BE, 16), lambda i: (i, 0)),
                  pl.BlockSpec((BE, 1), lambda i: (i, 0)),
                  pl.BlockSpec((16, 64), lambda i: (0, 0)),
                  pl.BlockSpec((64, D), lambda i: (0, 0))],
        out_specs=pl.BlockSpec((BE // 2, D), lambda i: (i, 0)),
        out_shape=jax.ShapeDtypeStruct((E // 2, D), jnp.int32),
    )(edge_embedding, edge_attrs, Wr1, Wr2)

    agg2 = pl.kernel(
        _edge_body,
        out_type=jax.ShapeDtypeStruct((2 * N, D), jnp.float32),
        mesh=plsc.VectorSubcoreMesh(core_axis_name="c", subcore_axis_name="s"),
        scratch_types=[
            pltpu.VMEM((K,), jnp.int32),
            pltpu.VMEM((K,), jnp.int32),
            pltpu.VMEM((K,), jnp.int32),
            pltpu.VMEM((K,), jnp.int32),
            pltpu.VMEM((K, D), jnp.float32),
            pltpu.VMEM((K, D), jnp.float32),
            pltpu.VMEM((K // 2, D), jnp.int32),
            pltpu.VMEM((K // 2, D), jnp.int32),
            pltpu.VMEM_SHARED((N, D), jnp.float32),
            pltpu.SemaphoreType.DMA,
            pltpu.SemaphoreType.DMA,
            pltpu.SemaphoreType.DMA,
            pltpu.SemaphoreType.DMA,
            pltpu.SemaphoreType.DMA,
            pltpu.SemaphoreType.DMA,
        ],
    )(h, src, dst, radial)

    out = pl.pallas_call(
        _post_body,
        grid=(5,),
        in_specs=[pl.BlockSpec((2000, D), lambda i: (i, 0)),
                  pl.BlockSpec((2000, D), lambda i: (i, 0)),
                  pl.BlockSpec((2000, D), lambda i: (i, 0)),
                  pl.BlockSpec((D, D), lambda i: (0, 0)),
                  pl.BlockSpec((D, D), lambda i: (0, 0))],
        out_specs=pl.BlockSpec((2000, D), lambda i: (i, 0)),
        out_shape=jax.ShapeDtypeStruct((N, D), jnp.float32),
    )(x, agg2[:N], agg2[N:], W2, W_sc)
    return out

# --- scband reference (transcript-rebuilt; emitter-appended) ---
"""Pipeline reference for scband-conv-net-layer-50697793962066 (READ-ONLY COPY).

The authoritative reference and input builder live on the scoring server;
editing this copy changes nothing except your own understanding.
"""

import jax, jax.numpy as jnp
import numpy as np

# ConvNetLayer (NequIP) specialized to scalar irreps: node_features=128x0e,
# edge_attrs=1x0e, edge_embedding=16x0e. With only l=0 irreps the Gate
# nonlinearity reduces to silu on the scalar channels, and the
# InteractionBlock tensor product reduces to a per-channel product of the
# gathered source features, the scalar edge attr, and radial-MLP weights,
# followed by scatter-sum to destination nodes, normalization by
# avg_num_neighbors, an output linear, and a linear self-connection.

N = 10000
E = 320000
D = 128
D_EDGE_EMB = 16
H_RADIAL = 64
AVG_NEIGH = 32.0


def setup_inputs(seed: int = 0) -> dict:
    key = jax.random.key(seed)
    ks = jax.random.split(key, 10)
    node_features = jax.random.normal(ks[0], (N, D), dtype=jnp.float32)
    edge_index = jax.random.randint(ks[1], (2, E), 0, N, dtype=jnp.int32)
    edge_attrs = jax.random.normal(ks[2], (E, 1), dtype=jnp.float32)
    edge_embedding = jax.random.uniform(ks[3], (E, D_EDGE_EMB), dtype=jnp.float32)
    # learned parameters
    W1 = jax.random.normal(ks[4], (D, D), dtype=jnp.float32) / np.sqrt(D)      # linear_1
    W2 = jax.random.normal(ks[5], (D, D), dtype=jnp.float32) / np.sqrt(D)      # linear_2
    W_sc = jax.random.normal(ks[6], (D, D), dtype=jnp.float32) / np.sqrt(D)    # self-connection
    Wr1 = jax.random.normal(ks[7], (D_EDGE_EMB, H_RADIAL), dtype=jnp.float32) / np.sqrt(D_EDGE_EMB)
    Wr2 = jax.random.normal(ks[8], (H_RADIAL, D), dtype=jnp.float32) / np.sqrt(H_RADIAL)
    return {
        "node_features": node_features,
        "edge_index": edge_index,
        "edge_attrs": edge_attrs,
        "edge_embedding": edge_embedding,
        "W1": W1,
        "W2": W2,
        "W_sc": W_sc,
        "Wr1": Wr1,
        "Wr2": Wr2,
    }


def reference(node_features, edge_index, edge_attrs, edge_embedding, W1, W2, W_sc, Wr1, Wr2):
    old_x = node_features
    src = edge_index[0]
    dst = edge_index[1]
    # InteractionBlock
    h = node_features @ W1                                  # linear_1
    radial = jax.nn.silu(edge_embedding @ Wr1) @ Wr2        # radial MLP -> per-channel tp weights [E, D]
    msgs = h[src] * edge_attrs * radial                     # scalar tensor product (gather)
    agg = jax.ops.segment_sum(msgs, dst, num_segments=N)    # scatter-add over edges
    agg = agg / AVG_NEIGH
    h2 = agg @ W2                                           # linear_2
    sc = node_features @ W_sc                               # self-connection
    conv_out = sc + h2
    # Gate nonlinearity (scalars-only -> silu)
    out = jax.nn.silu(conv_out)
    # resnet (irreps_layer_out == irreps_layer_out_prev, resnet=True)
    out = old_x + out
    return out

if __name__ == "__main__":
    import jax
    _d = setup_inputs()
    print(jax.jit(kernel)(*tuple(_d.values())))

</pallas_src>

<mosaic_0001>
#map = affine_map<(d0, d1) -> (0, 0)>
#map1 = affine_map<(d0, d1) -> (0)>
module attributes {stable_mosaic.version = 14 : i64} {
  func.func @_edge_body(%arg0: i32, %arg1: i32, %arg2: memref<10000x128xf32, #tpu.memory_space<hbm>>, %arg3: memref<320000xi32, #tpu.memory_space<hbm>>, %arg4: memref<320000xi32, #tpu.memory_space<hbm>>, %arg5: memref<160000x128xi32, #tpu.memory_space<hbm>>, %arg6: memref<20000x128xf32, #tpu.memory_space<hbm>>, %arg7: memref<80xi32, #tpu.memory_space<vmem>>, %arg8: memref<80xi32, #tpu.memory_space<vmem>>, %arg9: memref<80xi32, #tpu.memory_space<vmem>>, %arg10: memref<80xi32, #tpu.memory_space<vmem>>, %arg11: memref<80x128xf32, #tpu.memory_space<vmem>>, %arg12: memref<80x128xf32, #tpu.memory_space<vmem>>, %arg13: memref<40x128xi32, #tpu.memory_space<vmem>>, %arg14: memref<40x128xi32, #tpu.memory_space<vmem>>, %arg15: memref<10000x128xf32, #tpu.memory_space<vmem_shared>>, %arg16: memref<!tpu.dma_semaphore, #tpu.memory_space<semaphore_mem>>, %arg17: memref<!tpu.dma_semaphore, #tpu.memory_space<semaphore_mem>>, %arg18: memref<!tpu.dma_semaphore, #tpu.memory_space<semaphore_mem>>, %arg19: memref<!tpu.dma_semaphore, #tpu.memory_space<semaphore_mem>>, %arg20: memref<!tpu.dma_semaphore, #tpu.memory_space<semaphore_mem>>, %arg21: memref<!tpu.dma_semaphore, #tpu.memory_space<semaphore_mem>>) attributes {dimension_semantics = [#tpu.dimension_semantics<core_parallel>, #tpu.dimension_semantics<subcore_parallel>], iteration_bounds = array<i64: 2, 16>, scalar_prefetch = 0 : i64, scratch_operands = 15 : i64, tpu.core_type = #tpu.core_type<sc_vector_subcore>, window_params = [{transform_indices = #map}, {transform_indices = #map1}, {transform_indices = #map1}, {transform_indices = #map}, {transform_indices = #map}]} {
    %mul3A = arith.constant 16 : i32
    %mul3A_0 = arith.muli %arg0, %mul3A : i32
    %add3A = arith.addi %mul3A_0, %arg1 : i32
    %mul3A_1 = arith.constant 10000 : i32
    %mul3A_2 = arith.muli %add3A, %mul3A_1 : i32
    %mul3A_3 = arith.constant 16 : i32
    %mul3A_4 = arith.muli %arg0, %mul3A_3 : i32
    %add3A_5 = arith.addi %mul3A_4, %arg1 : i32
    %mul3A_6 = arith.constant 5000 : i32
    %mul3A_7 = arith.muli %add3A_5, %mul3A_6 : i32
    %scan3A = arith.constant 0 : i32
    %scan3A_8 = arith.constant 0 : i32
    %scan3A_9 = arith.constant 80 : i32
    %scan3A_10 = arith.addi %scan3A_8, %scan3A_9 : i32
    %scan3A_11 = arith.constant 1 : i32
    %scan3A_12 = scf.for %scan3A_117 = %scan3A_8 to %scan3A_10 step %scan3A_11 iter_args(%scan3A_118 = %scan3A) -> (i32)  : i32 {
      %broadcast_in_dim3A = arith.constant 0.000000e+00 : f32
      %broadcast_in_dim3A_119 = vector.broadcast %broadcast_in_dim3A : f32 to vector<16xf32>
      %swap3A = arith.index_cast %scan3A_117 : i32 to index
      %swap3A_120 = arith.constant 0 : index
      %swap3A_121 = tpu.vector_load %arg11[%swap3A, %swap3A_120] {strides = array<i32>} : memref<80x128xf32, #tpu.memory_space<vmem>>, vector<1x16xf32>,
      %swap3A_122 = vector.shape_cast %swap3A_121 : vector<1x16xf32> to vector<16xf32>
      %swap3A_123 = vector.shape_cast %broadcast_in_dim3A_119 : vector<16xf32> to vector<1x16xf32>
      tpu.vector_store %arg11[%swap3A, %swap3A_120], %swap3A_123 {strides = array<i32>} : memref<80x128xf32, #tpu.memory_space<vmem>>, vector<1x16xf32>,
      %broadcast_in_dim3A_124 = arith.constant 0.000000e+00 : f32
      %broadcast_in_dim3A_125 = vector.broadcast %broadcast_in_dim3A_124 : f32 to vector<16xf32>
      %swap3A_126 = arith.index_cast %scan3A_117 : i32 to index
      %swap3A_127 = arith.constant 16 : index
      %swap3A_128 = tpu.vector_load %arg11[%swap3A_126, %swap3A_127] {strides = array<i32>} : memref<80x128xf32, #tpu.memory_space<vmem>>, vector<1x16xf32>,
      %swap3A_129 = vector.shape_cast %swap3A_128 : vector<1x16xf32> to vector<16xf32>
      %swap3A_130 = vector.shape_cast %broadcast_in_dim3A_125 : vector<16xf32> to vector<1x16xf32>
      tpu.vector_store %arg11[%swap3A_126, %swap3A_127], %swap3A_130 {strides = array<i32>} : memref<80x128xf32, #tpu.memory_space<vmem>>, vector<1x16xf32>,
      %broadcast_in_dim3A_131 = arith.constant 0.000000e+00 : f32
      %broadcast_in_dim3A_132 = vector.broadcast %broadcast_in_dim3A_131 : f32 to vector<16xf32>
      %swap3A_133 = arith.index_cast %scan3A_117 : i32 to index
      %swap3A_134 = arith.constant 32 : index
      %swap3A_135 = tpu.vector_load %arg11[%swap3A_133, %swap3A_134] {strides = array<i32>} : memref<80x128xf32, #tpu.memory_space<vmem>>, vector<1x16xf32>,
      %swap3A_136 = vector.shape_cast %swap3A_135 : vector<1x16xf32> to vector<16xf32>
      %swap3A_137 = vector.shape_cast %broadcast_in_dim3A_132 : vector<16xf32> to vector<1x16xf32>
      tpu.vector_store %arg11[%swap3A_133, %swap3A_134], %swap3A_137 {strides = array<i32>} : memref<80x128xf32, #tpu.memory_space<vmem>>, vector<1x16xf32>,
      %broadcast_in_dim3A_138 = arith.constant 0.000000e+00 : f32
      %broadcast_in_dim3A_139 = vector.broadcast %broadcast_in_dim3A_138 : f32 to vector<16xf32>
      %swap3A_140 = arith.index_cast %scan3A_117 : i32 to index
      %swap3A_141 = arith.constant 48 : index
      %swap3A_142 = tpu.vector_load %arg11[%swap3A_140, %swap3A_141] {strides = array<i32>} : memref<80x128xf32, #tpu.memory_space<vmem>>, vector<1x16xf32>,
      %swap3A_143 = vector.shape_cast %swap3A_142 : vector<1x16xf32> to vector<16xf32>
      %swap3A_144 = vector.shape_cast %broadcast_in_dim3A_139 : vector<16xf32> to vector<1x16xf32>
      tpu.vector_store %arg11[%swap3A_140, %swap3A_141], %swap3A_144 {strides = array<i32>} : memref<80x128xf32, #tpu.memory_space<vmem>>, vector<1x16xf32>,
      %broadcast_in_dim3A_145 = arith.constant 0.000000e+00 : f32
      %broadcast_in_dim3A_146 = vector.broadcast %broadcast_in_dim3A_145 : f32 to vector<16xf32>
      %swap3A_147 = arith.index_cast %scan3A_117 : i32 to index
      %swap3A_148 = arith.constant 64 : index
      %swap3A_149 = tpu.vector_load %arg11[%swap3A_147, %swap3A_148] {strides = array<i32>} : memref<80x128xf32, #tpu.memory_space<vmem>>, vector<1x16xf32>,
      %swap3A_150 = vector.shape_cast %swap3A_149 : vector<1x16xf32> to vector<16xf32>
      %swap3A_151 = vector.shape_cast %broadcast_in_dim3A_146 : vector<16xf32> to vector<1x16xf32>
      tpu.vector_store %arg11[%swap3A_147, %swap3A_148], %swap3A_151 {strides = array<i32>} : memref<80x128xf32, #tpu.memory_space<vmem>>, vector<1x16xf32>,
      %broadcast_in_dim3A_152 = arith.constant 0.000000e+00 : f32
      %broadcast_in_dim3A_153 = vector.broadcast %broadcast_in_dim3A_152 : f32 to vector<16xf32>
      %swap3A_154 = arith.index_cast %scan3A_117 : i32 to index
      %swap3A_155 = arith.constant 80 : index
      %swap3A_156 = tpu.vector_load %arg11[%swap3A_154, %swap3A_155] {strides = array<i32>} : memref<80x128xf32, #tpu.memory_space<vmem>>, vector<1x16xf32>,
      %swap3A_157 = vector.shape_cast %swap3A_156 : vector<1x16xf32> to vector<16xf32>
      %swap3A_158 = vector.shape_cast %broadcast_in_dim3A_153 : vector<16xf32> to vector<1x16xf32>
      tpu.vector_store %arg11[%swap3A_154, %swap3A_155], %swap3A_158 {strides = array<i32>} : memref<80x128xf32, #tpu.memory_space<vmem>>, vector<1x16xf32>,
      %broadcast_in_dim3A_159 = arith.constant 0.000000e+00 : f32
      %broadcast_in_dim3A_160 = vector.broadcast %broadcast_in_dim3A_159 : f32 to vector<16xf32>
      %swap3A_161 = arith.index_cast %scan3A_117 : i32 to index
      %swap3A_162 = arith.constant 96 : index
      %swap3A_163 = tpu.vector_load %arg11[%swap3A_161, %swap3A_162] {strides = array<i32>} : memref<80x128xf32, #tpu.memory_space<vmem>>, vector<1x16xf32>,
      %swap3A_164 = vector.shape_cast %swap3A_163 : vector<1x16xf32> to vector<16xf32>
      %swap3A_165 = vector.shape_cast %broadcast_in_dim3A_160 : vector<16xf32> to vector<1x16xf32>
      tpu.vector_store %arg11[%swap3A_161, %swap3A_162], %swap3A_165 {strides = array<i32>} : memref<80x128xf32, #tpu.memory_space<vmem>>, vector<1x16xf32>,
      %broadcast_in_dim3A_166 = arith.constant 0.000000e+00 : f32
      %broadcast_in_dim3A_167 = vector.broadcast %broadcast_in_dim3A_166 : f32 to vector<16xf32>
      %swap3A_168 = arith.index_cast %scan3A_117 : i32 to index
      %swap3A_169 = arith.constant 112 : index
      %swap3A_170 = tpu.vector_load %arg11[%swap3A_168, %swap3A_169] {strides = array<i32>} : memref<80x128xf32, #tpu.memory_space<vmem>>, vector<1x16xf32>,
      %swap3A_171 = vector.shape_cast %swap3A_170 : vector<1x16xf32> to vector<16xf32>
      %swap3A_172 = vector.shape_cast %broadcast_in_dim3A_167 : vector<16xf32> to vector<1x16xf32>
      tpu.vector_store %arg11[%swap3A_168, %swap3A_169], %swap3A_172 {strides = array<i32>} : memref<80x128xf32, #tpu.memory_space<vmem>>, vector<1x16xf32>,
      %scan3A_173 = arith.constant 0 : i32
      scf.yield %scan3A_173 : i32
    }
    %scan3A_13 = arith.constant 80 : i32
    %add3A_14 = arith.constant 0 : i32
    %add3A_15 = arith.addi %add3A_14, %arg1 : i32
    %lt3A = arith.constant 125 : i32
    %lt3A_16 = arith.cmpi slt, %add3A_15, %lt3A : i32
    %convert_element_type3A = arith.extui %lt3A_16 : i1 to i32
    %cond3A = arith.constant 0 : i32
    %cond3A_17 = arith.cmpi ne, %convert_element_type3A, %cond3A : i32
    scf.if %cond3A_17 {
      %mul3A_117 = arith.constant 80 : i32
      %mul3A_118 = arith.muli %add3A_15, %mul3A_117 : i32
      "tpu.region"() ({
        %run_scoped3A = tpu.sem_alloc : memref<!tpu.dma_semaphore, #tpu.memory_space<semaphore_mem>>
        %dma_start3A_119 = arith.constant 0 : i32
        %dma_start3A_120 = tpu.memref_slice %arg15[%mul3A_118, %dma_start3A_119] : memref<10000x128xf32, #tpu.memory_space<vmem_shared>> -> memref<80x128xf32, #tpu.memory_space<vmem_shared>>
        %dma_start3A_121 = arith.constant 0 : i32
        %dma_start3A_122 = tpu.memref_slice %arg15[%mul3A_118, %dma_start3A_121] : memref<10000x128xf32, #tpu.memory_space<vmem_shared>> -> memref<80x128xf32, #tpu.memory_space<vmem_shared>>
        tpu.enqueue_dma source(%arg11 : memref<80x128xf32, #tpu.memory_space<vmem>>) target(%dma_start3A_122 : memref<80x128xf32, #tpu.memory_space<vmem_shared>>) target_semaphore(%run_scoped3A : memref<!tpu.dma_semaphore, #tpu.memory_space<semaphore_mem>>)
        %dma_wait3A = arith.constant 0 : i32
        %dma_wait3A_123 = tpu.memref_slice %arg15[%mul3A_118, %dma_wait3A] : memref<10000x128xf32, #tpu.memory_space<vmem_shared>> -> memref<80x128xf32, #tpu.memory_space<vmem_shared>>
        %dma_wait3A_124 = arith.constant 0 : i32
        %dma_wait3A_125 = tpu.memref_slice %arg15[%mul3A_118, %dma_wait3A_124] : memref<10000x128xf32, #tpu.memory_space<vmem_shared>> -> memref<80x128xf32, #tpu.memory_space<vmem_shared>>
        tpu.wait_dma2 semaphore(%run_scoped3A : memref<!tpu.dma_semaphore, #tpu.memory_space<semaphore_mem>>) src(%arg11 : memref<80x128xf32, #tpu.memory_space<vmem>>) dst(%dma_wait3A_125 : memref<80x128xf32, #tpu.memory_space<vmem_shared>>)
        tpu.yield
      }) : () -> ()
    } else {
    }
    %add3A_18 = arith.constant 16 : i32
    %add3A_19 = arith.addi %add3A_18, %arg1 : i32
    %lt3A_20 = arith.constant 125 : i32
    %lt3A_21 = arith.cmpi slt, %add3A_19, %lt3A_20 : i32
    %convert_element_type3A_22 = arith.extui %lt3A_21 : i1 to i32
    %cond3A_23 = arith.constant 0 : i32
    %cond3A_24 = arith.cmpi ne, %convert_element_type3A_22, %cond3A_23 : i32
    scf.if %cond3A_24 {
      %mul3A_117 = arith.constant 80 : i32
      %mul3A_118 = arith.muli %add3A_19, %mul3A_117 : i32
      "tpu.region"() ({
        %run_scoped3A = tpu.sem_alloc : memref<!tpu.dma_semaphore, #tpu.memory_space<semaphore_mem>>
        %dma_start3A_119 = arith.constant 0 : i32
        %dma_start3A_120 = tpu.memref_slice %arg15[%mul3A_118, %dma_start3A_119] : memref<10000x128xf32, #tpu.memory_space<vmem_shared>> -> memref<80x128xf32, #tpu.memory_space<vmem_shared>>
        %dma_start3A_121 = arith.constant 0 : i32
        %dma_start3A_122 = tpu.memref_slice %arg15[%mul3A_118, %dma_start3A_121] : memref<10000x128xf32, #tpu.memory_space<vmem_shared>> -> memref<80x128xf32, #tpu.memory_space<vmem_shared>>
        tpu.enqueue_dma source(%arg11 : memref<80x128xf32, #tpu.memory_space<vmem>>) target(%dma_start3A_122 : memref<80x128xf32, #tpu.memory_space<vmem_shared>>) target_semaphore(%run_scoped3A : memref<!tpu.dma_semaphore, #tpu.memory_space<semaphore_mem>>)
        %dma_wait3A = arith.constant 0 : i32
        %dma_wait3A_123 = tpu.memref_slice %arg15[%mul3A_118, %dma_wait3A] : memref<10000x128xf32, #tpu.memory_space<vmem_shared>> -> memref<80x128xf32, #tpu.memory_space<vmem_shared>>
        %dma_wait3A_124 = arith.constant 0 : i32
        %dma_wait3A_125 = tpu.memref_slice %arg15[%mul3A_118, %dma_wait3A_124] : memref<10000x128xf32, #tpu.memory_space<vmem_shared>> -> memref<80x128xf32, #tpu.memory_space<vmem_shared>>
        tpu.wait_dma2 semaphore(%run_scoped3A : memref<!tpu.dma_semaphore, #tpu.memory_space<semaphore_mem>>) src(%arg11 : memref<80x128xf32, #tpu.memory_space<vmem>>) dst(%dma_wait3A_125 : memref<80x128xf32, #tpu.memory_space<vmem_shared>>)
        tpu.yield
      }) : () -> ()
    } else {
    }
    %add3A_25 = arith.constant 32 : i32
    %add3A_26 = arith.addi %add3A_25, %arg1 : i32
    %lt3A_27 = arith.constant 125 : i32
    %lt3A_28 = arith.cmpi slt, %add3A_26, %lt3A_27 : i32
    %convert_element_type3A_29 = arith.extui %lt3A_28 : i1 to i32
    %cond3A_30 = arith.constant 0 : i32
    %cond3A_31 = arith.cmpi ne, %convert_element_type3A_29, %cond3A_30 : i32
    scf.if %cond3A_31 {
      %mul3A_117 = arith.constant 80 : i32
      %mul3A_118 = arith.muli %add3A_26, %mul3A_117 : i32
      "tpu.region"() ({
        %run_scoped3A = tpu.sem_alloc : memref<!tpu.dma_semaphore, #tpu.memory_space<semaphore_mem>>
        %dma_start3A_119 = arith.constant 0 : i32
        %dma_start3A_120 = tpu.memref_slice %arg15[%mul3A_118, %dma_start3A_119] : memref<10000x128xf32, #tpu.memory_space<vmem_shared>> -> memref<80x128xf32, #tpu.memory_space<vmem_shared>>
        %dma_start3A_121 = arith.constant 0 : i32
        %dma_start3A_122 = tpu.memref_slice %arg15[%mul3A_118, %dma_start3A_121] : memref<10000x128xf32, #tpu.memory_space<vmem_shared>> -> memref<80x128xf32, #tpu.memory_space<vmem_shared>>
        tpu.enqueue_dma source(%arg11 : memref<80x128xf32, #tpu.memory_space<vmem>>) target(%dma_start3A_122 : memref<80x128xf32, #tpu.memory_space<vmem_shared>>) target_semaphore(%run_scoped3A : memref<!tpu.dma_semaphore, #tpu.memory_space<semaphore_mem>>)
        %dma_wait3A = arith.constant 0 : i32
        %dma_wait3A_123 = tpu.memref_slice %arg15[%mul3A_118, %dma_wait3A] : memref<10000x128xf32, #tpu.memory_space<vmem_shared>> -> memref<80x128xf32, #tpu.memory_space<vmem_shared>>
        %dma_wait3A_124 = arith.constant 0 : i32
        %dma_wait3A_125 = tpu.memref_slice %arg15[%mul3A_118, %dma_wait3A_124] : memref<10000x128xf32, #tpu.memory_space<vmem_shared>> -> memref<80x128xf32, #tpu.memory_space<vmem_shared>>
        tpu.wait_dma2 semaphore(%run_scoped3A : memref<!tpu.dma_semaphore, #tpu.memory_space<semaphore_mem>>) src(%arg11 : memref<80x128xf32, #tpu.memory_space<vmem>>) dst(%dma_wait3A_125 : memref<80x128xf32, #tpu.memory_space<vmem_shared>>)
        tpu.yield
      }) : () -> ()
    } else {
    }
    %add3A_32 = arith.constant 48 : i32
    %add3A_33 = arith.addi %add3A_32, %arg1 : i32
    %lt3A_34 = arith.constant 125 : i32
    %lt3A_35 = arith.cmpi slt, %add3A_33, %lt3A_34 : i32
    %convert_element_type3A_36 = arith.extui %lt3A_35 : i1 to i32
    %cond3A_37 = arith.constant 0 : i32
    %cond3A_38 = arith.cmpi ne, %convert_element_type3A_36, %cond3A_37 : i32
    scf.if %cond3A_38 {
      %mul3A_117 = arith.constant 80 : i32
      %mul3A_118 = arith.muli %add3A_33, %mul3A_117 : i32
      "tpu.region"() ({
        %run_scoped3A = tpu.sem_alloc : memref<!tpu.dma_semaphore, #tpu.memory_space<semaphore_mem>>
        %dma_start3A_119 = arith.constant 0 : i32
        %dma_start3A_120 = tpu.memref_slice %arg15[%mul3A_118, %dma_start3A_119] : memref<10000x128xf32, #tpu.memory_space<vmem_shared>> -> memref<80x128xf32, #tpu.memory_space<vmem_shared>>
        %dma_start3A_121 = arith.constant 0 : i32
        %dma_start3A_122 = tpu.memref_slice %arg15[%mul3A_118, %dma_start3A_121] : memref<10000x128xf32, #tpu.memory_space<vmem_shared>> -> memref<80x128xf32, #tpu.memory_space<vmem_shared>>
        tpu.enqueue_dma source(%arg11 : memref<80x128xf32, #tpu.memory_space<vmem>>) target(%dma_start3A_122 : memref<80x128xf32, #tpu.memory_space<vmem_shared>>) target_semaphore(%run_scoped3A : memref<!tpu.dma_semaphore, #tpu.memory_space<semaphore_mem>>)
        %dma_wait3A = arith.constant 0 : i32
        %dma_wait3A_123 = tpu.memref_slice %arg15[%mul3A_118, %dma_wait3A] : memref<10000x128xf32, #tpu.memory_space<vmem_shared>> -> memref<80x128xf32, #tpu.memory_space<vmem_shared>>
        %dma_wait3A_124 = arith.constant 0 : i32
        %dma_wait3A_125 = tpu.memref_slice %arg15[%mul3A_118, %dma_wait3A_124] : memref<10000x128xf32, #tpu.memory_space<vmem_shared>> -> memref<80x128xf32, #tpu.memory_space<vmem_shared>>
        tpu.wait_dma2 semaphore(%run_scoped3A : memref<!tpu.dma_semaphore, #tpu.memory_space<semaphore_mem>>) src(%arg11 : memref<80x128xf32, #tpu.memory_space<vmem>>) dst(%dma_wait3A_125 : memref<80x128xf32, #tpu.memory_space<vmem_shared>>)
        tpu.yield
      }) : () -> ()
    } else {
    }
    %add3A_39 = arith.constant 64 : i32
    %add3A_40 = arith.addi %add3A_39, %arg1 : i32
    %lt3A_41 = arith.constant 125 : i32
    %lt3A_42 = arith.cmpi slt, %add3A_40, %lt3A_41 : i32
    %convert_element_type3A_43 = arith.extui %lt3A_42 : i1 to i32
    %cond3A_44 = arith.constant 0 : i32
    %cond3A_45 = arith.cmpi ne, %convert_element_type3A_43, %cond3A_44 : i32
    scf.if %cond3A_45 {
      %mul3A_117 = arith.constant 80 : i32
      %mul3A_118 = arith.muli %add3A_40, %mul3A_117 : i32
      "tpu.region"() ({
        %run_scoped3A = tpu.sem_alloc : memref<!tpu.dma_semaphore, #tpu.memory_space<semaphore_mem>>
        %dma_start3A_119 = arith.constant 0 : i32
        %dma_start3A_120 = tpu.memref_slice %arg15[%mul3A_118, %dma_start3A_119] : memref<10000x128xf32, #tpu.memory_space<vmem_shared>> -> memref<80x128xf32, #tpu.memory_space<vmem_shared>>
        %dma_start3A_121 = arith.constant 0 : i32
        %dma_start3A_122 = tpu.memref_slice %arg15[%mul3A_118, %dma_start3A_121] : memref<10000x128xf32, #tpu.memory_space<vmem_shared>> -> memref<80x128xf32, #tpu.memory_space<vmem_shared>>
        tpu.enqueue_dma source(%arg11 : memref<80x128xf32, #tpu.memory_space<vmem>>) target(%dma_start3A_122 : memref<80x128xf32, #tpu.memory_space<vmem_shared>>) target_semaphore(%run_scoped3A : memref<!tpu.dma_semaphore, #tpu.memory_space<semaphore_mem>>)
        %dma_wait3A = arith.constant 0 : i32
        %dma_wait3A_123 = tpu.memref_slice %arg15[%mul3A_118, %dma_wait3A] : memref<10000x128xf32, #tpu.memory_space<vmem_shared>> -> memref<80x128xf32, #tpu.memory_space<vmem_shared>>
        %dma_wait3A_124 = arith.constant 0 : i32
        %dma_wait3A_125 = tpu.memref_slice %arg15[%mul3A_118, %dma_wait3A_124] : memref<10000x128xf32, #tpu.memory_space<vmem_shared>> -> memref<80x128xf32, #tpu.memory_space<vmem_shared>>
        tpu.wait_dma2 semaphore(%run_scoped3A : memref<!tpu.dma_semaphore, #tpu.memory_space<semaphore_mem>>) src(%arg11 : memref<80x128xf32, #tpu.memory_space<vmem>>) dst(%dma_wait3A_125 : memref<80x128xf32, #tpu.memory_space<vmem_shared>>)
        tpu.yield
      }) : () -> ()
    } else {
    }
    %add3A_46 = arith.constant 80 : i32
    %add3A_47 = arith.addi %add3A_46, %arg1 : i32
    %lt3A_48 = arith.constant 125 : i32
    %lt3A_49 = arith.cmpi slt, %add3A_47, %lt3A_48 : i32
    %convert_element_type3A_50 = arith.extui %lt3A_49 : i1 to i32
    %cond3A_51 = arith.constant 0 : i32
    %cond3A_52 = arith.cmpi ne, %convert_element_type3A_50, %cond3A_51 : i32
    scf.if %cond3A_52 {
      %mul3A_117 = arith.constant 80 : i32
      %mul3A_118 = arith.muli %add3A_47, %mul3A_117 : i32
      "tpu.region"() ({
        %run_scoped3A = tpu.sem_alloc : memref<!tpu.dma_semaphore, #tpu.memory_space<semaphore_mem>>
        %dma_start3A_119 = arith.constant 0 : i32
        %dma_start3A_120 = tpu.memref_slice %arg15[%mul3A_118, %dma_start3A_119] : memref<10000x128xf32, #tpu.memory_space<vmem_shared>> -> memref<80x128xf32, #tpu.memory_space<vmem_shared>>
        %dma_start3A_121 = arith.constant 0 : i32
        %dma_start3A_122 = tpu.memref_slice %arg15[%mul3A_118, %dma_start3A_121] : memref<10000x128xf32, #tpu.memory_space<vmem_shared>> -> memref<80x128xf32, #tpu.memory_space<vmem_shared>>
        tpu.enqueue_dma source(%arg11 : memref<80x128xf32, #tpu.memory_space<vmem>>) target(%dma_start3A_122 : memref<80x128xf32, #tpu.memory_space<vmem_shared>>) target_semaphore(%run_scoped3A : memref<!tpu.dma_semaphore, #tpu.memory_space<semaphore_mem>>)
        %dma_wait3A = arith.constant 0 : i32
        %dma_wait3A_123 = tpu.memref_slice %arg15[%mul3A_118, %dma_wait3A] : memref<10000x128xf32, #tpu.memory_space<vmem_shared>> -> memref<80x128xf32, #tpu.memory_space<vmem_shared>>
        %dma_wait3A_124 = arith.constant 0 : i32
        %dma_wait3A_125 = tpu.memref_slice %arg15[%mul3A_118, %dma_wait3A_124] : memref<10000x128xf32, #tpu.memory_space<vmem_shared>> -> memref<80x128xf32, #tpu.memory_space<vmem_shared>>
        tpu.wait_dma2 semaphore(%run_scoped3A : memref<!tpu.dma_semaphore, #tpu.memory_space<semaphore_mem>>) src(%arg11 : memref<80x128xf32, #tpu.memory_space<vmem>>) dst(%dma_wait3A_125 : memref<80x128xf32, #tpu.memory_space<vmem_shared>>)
        tpu.yield
      }) : () -> ()
    } else {
    }
    %add3A_53 = arith.constant 96 : i32
    %add3A_54 = arith.addi %add3A_53, %arg1 : i32
    %lt3A_55 = arith.constant 125 : i32
    %lt3A_56 = arith.cmpi slt, %add3A_54, %lt3A_55 : i32
    %convert_element_type3A_57 = arith.extui %lt3A_56 : i1 to i32
    %cond3A_58 = arith.constant 0 : i32
    %cond3A_59 = arith.cmpi ne, %convert_element_type3A_57, %cond3A_58 : i32
    scf.if %cond3A_59 {
      %mul3A_117 = arith.constant 80 : i32
      %mul3A_118 = arith.muli %add3A_54, %mul3A_117 : i32
      "tpu.region"() ({
        %run_scoped3A = tpu.sem_alloc : memref<!tpu.dma_semaphore, #tpu.memory_space<semaphore_mem>>
        %dma_start3A_119 = arith.constant 0 : i32
        %dma_start3A_120 = tpu.memref_slice %arg15[%mul3A_118, %dma_start3A_119] : memref<10000x128xf32, #tpu.memory_space<vmem_shared>> -> memref<80x128xf32, #tpu.memory_space<vmem_shared>>
        %dma_start3A_121 = arith.constant 0 : i32
        %dma_start3A_122 = tpu.memref_slice %arg15[%mul3A_118, %dma_start3A_121] : memref<10000x128xf32, #tpu.memory_space<vmem_shared>> -> memref<80x128xf32, #tpu.memory_space<vmem_shared>>
        tpu.enqueue_dma source(%arg11 : memref<80x128xf32, #tpu.memory_space<vmem>>) target(%dma_start3A_122 : memref<80x128xf32, #tpu.memory_space<vmem_shared>>) target_semaphore(%run_scoped3A : memref<!tpu.dma_semaphore, #tpu.memory_space<semaphore_mem>>)
        %dma_wait3A = arith.constant 0 : i32
        %dma_wait3A_123 = tpu.memref_slice %arg15[%mul3A_118, %dma_wait3A] : memref<10000x128xf32, #tpu.memory_space<vmem_shared>> -> memref<80x128xf32, #tpu.memory_space<vmem_shared>>
        %dma_wait3A_124 = arith.constant 0 : i32
        %dma_wait3A_125 = tpu.memref_slice %arg15[%mul3A_118, %dma_wait3A_124] : memref<10000x128xf32, #tpu.memory_space<vmem_shared>> -> memref<80x128xf32, #tpu.memory_space<vmem_shared>>
        tpu.wait_dma2 semaphore(%run_scoped3A : memref<!tpu.dma_semaphore, #tpu.memory_space<semaphore_mem>>) src(%arg11 : memref<80x128xf32, #tpu.memory_space<vmem>>) dst(%dma_wait3A_125 : memref<80x128xf32, #tpu.memory_space<vmem_shared>>)
        tpu.yield
      }) : () -> ()
    } else {
    }
    %add3A_60 = arith.constant 112 : i32
    %add3A_61 = arith.addi %add3A_60, %arg1 : i32
    %lt3A_62 = arith.constant 125 : i32
    %lt3A_63 = arith.cmpi slt, %add3A_61, %lt3A_62 : i32
    %convert_element_type3A_64 = arith.extui %lt3A_63 : i1 to i32
    %cond3A_65 = arith.constant 0 : i32
    %cond3A_66 = arith.cmpi ne, %convert_element_type3A_64, %cond3A_65 : i32
    scf.if %cond3A_66 {
      %mul3A_117 = arith.constant 80 : i32
      %mul3A_118 = arith.muli %add3A_61, %mul3A_117 : i32
      "tpu.region"() ({
        %run_scoped3A = tpu.sem_alloc : memref<!tpu.dma_semaphore, #tpu.memory_space<semaphore_mem>>
        %dma_start3A_119 = arith.constant 0 : i32
        %dma_start3A_120 = tpu.memref_slice %arg15[%mul3A_118, %dma_start3A_119] : memref<10000x128xf32, #tpu.memory_space<vmem_shared>> -> memref<80x128xf32, #tpu.memory_space<vmem_shared>>
        %dma_start3A_121 = arith.constant 0 : i32
        %dma_start3A_122 = tpu.memref_slice %arg15[%mul3A_118, %dma_start3A_121] : memref<10000x128xf32, #tpu.memory_space<vmem_shared>> -> memref<80x128xf32, #tpu.memory_space<vmem_shared>>
        tpu.enqueue_dma source(%arg11 : memref<80x128xf32, #tpu.memory_space<vmem>>) target(%dma_start3A_122 : memref<80x128xf32, #tpu.memory_space<vmem_shared>>) target_semaphore(%run_scoped3A : memref<!tpu.dma_semaphore, #tpu.memory_space<semaphore_mem>>)
        %dma_wait3A = arith.constant 0 : i32
        %dma_wait3A_123 = tpu.memref_slice %arg15[%mul3A_118, %dma_wait3A] : memref<10000x128xf32, #tpu.memory_space<vmem_shared>> -> memref<80x128xf32, #tpu.memory_space<vmem_shared>>
        %dma_wait3A_124 = arith.constant 0 : i32
        %dma_wait3A_125 = tpu.memref_slice %arg15[%mul3A_118, %dma_wait3A_124] : memref<10000x128xf32, #tpu.memory_space<vmem_shared>> -> memref<80x128xf32, #tpu.memory_space<vmem_shared>>
        tpu.wait_dma2 semaphore(%run_scoped3A : memref<!tpu.dma_semaphore, #tpu.memory_space<semaphore_mem>>) src(%arg11 : memref<80x128xf32, #tpu.memory_space<vmem>>) dst(%dma_wait3A_125 : memref<80x128xf32, #tpu.memory_space<vmem_shared>>)
        tpu.yield
      }) : () -> ()
    } else {
    }
    %barrier3A = arith.constant 0 : index
    tpu.barrier barrier_id(%barrier3A)
    "tpu.region"() ({
      %run_scoped3A = tpu.sem_alloc : memref<!tpu.dma_semaphore, #tpu.memory_space<semaphore_mem>>
      %dma_start3A_117 = tpu.memref_slice %arg3[%mul3A_2] : memref<320000xi32, #tpu.memory_space<hbm>> -> memref<80xi32, #tpu.memory_space<hbm>>
      %dma_start3A_118 = tpu.memref_slice %arg3[%mul3A_2] : memref<320000xi32, #tpu.memory_space<hbm>> -> memref<80xi32, #tpu.memory_space<hbm>>
      tpu.enqueue_dma source(%dma_start3A_118 : memref<80xi32, #tpu.memory_space<hbm>>) target(%arg7 : memref<80xi32, #tpu.memory_space<vmem>>) target_semaphore(%run_scoped3A : memref<!tpu.dma_semaphore, #tpu.memory_space<semaphore_mem>>)
      %dma_wait3A = tpu.memref_slice %arg3[%mul3A_2] : memref<320000xi32, #tpu.memory_space<hbm>> -> memref<80xi32, #tpu.memory_space<hbm>>
      %dma_wait3A_119 = tpu.memref_slice %arg3[%mul3A_2] : memref<320000xi32, #tpu.memory_space<hbm>> -> memref<80xi32, #tpu.memory_space<hbm>>
      tpu.wait_dma2 semaphore(%run_scoped3A : memref<!tpu.dma_semaphore, #tpu.memory_space<semaphore_mem>>) src(%dma_wait3A_119 : memref<80xi32, #tpu.memory_space<hbm>>) dst(%arg7 : memref<80xi32, #tpu.memory_space<vmem>>)
      tpu.yield
    }) : () -> ()
    "tpu.region"() ({
      %run_scoped3A = tpu.sem_alloc : memref<!tpu.dma_semaphore, #tpu.memory_space<semaphore_mem>>
      %dma_start3A_117 = tpu.memref_slice %arg4[%mul3A_2] : memref<320000xi32, #tpu.memory_space<hbm>> -> memref<80xi32, #tpu.memory_space<hbm>>
      %dma_start3A_118 = tpu.memref_slice %arg4[%mul3A_2] : memref<320000xi32, #tpu.memory_space<hbm>> -> memref<80xi32, #tpu.memory_space<hbm>>
      tpu.enqueue_dma source(%dma_start3A_118 : memref<80xi32, #tpu.memory_space<hbm>>) target(%arg9 : memref<80xi32, #tpu.memory_space<vmem>>) target_semaphore(%run_scoped3A : memref<!tpu.dma_semaphore, #tpu.memory_space<semaphore_mem>>)
      %dma_wait3A = tpu.memref_slice %arg4[%mul3A_2] : memref<320000xi32, #tpu.memory_space<hbm>> -> memref<80xi32, #tpu.memory_space<hbm>>
      %dma_wait3A_119 = tpu.memref_slice %arg4[%mul3A_2] : memref<320000xi32, #tpu.memory_space<hbm>> -> memref<80xi32, #tpu.memory_space<hbm>>
      tpu.wait_dma2 semaphore(%run_scoped3A : memref<!tpu.dma_semaphore, #tpu.memory_space<semaphore_mem>>) src(%dma_wait3A_119 : memref<80xi32, #tpu.memory_space<hbm>>) dst(%arg9 : memref<80xi32, #tpu.memory_space<vmem>>)
      tpu.yield
    }) : () -> ()
    %add3A_67 = arith.constant 80 : i32
    %add3A_68 = arith.addi %mul3A_2, %add3A_67 : i32
    %dma_start3A = tpu.memref_slice %arg3[%add3A_68] : memref<320000xi32, #tpu.memory_space<hbm>> -> memref<80xi32, #tpu.memory_space<hbm>>
    %dma_start3A_69 = tpu.memref_slice %arg3[%add3A_68] : memref<320000xi32, #tpu.memory_space<hbm>> -> memref<80xi32, #tpu.memory_space<hbm>>
    tpu.enqueue_dma source(%dma_start3A_69 : memref<80xi32, #tpu.memory_space<hbm>>) target(%arg8 : memref<80xi32, #tpu.memory_space<vmem>>) target_semaphore(%arg21 : memref<!tpu.dma_semaphore, #tpu.memory_space<semaphore_mem>>)
    %dma_start3A_70 = tpu.memref_slice %arg4[%add3A_68] : memref<320000xi32, #tpu.memory_space<hbm>> -> memref<80xi32, #tpu.memory_space<hbm>>
    %dma_start3A_71 = tpu.memref_slice %arg4[%add3A_68] : memref<320000xi32, #tpu.memory_space<hbm>> -> memref<80xi32, #tpu.memory_space<hbm>>
    tpu.enqueue_dma source(%dma_start3A_71 : memref<80xi32, #tpu.memory_space<hbm>>) target(%arg10 : memref<80xi32, #tpu.memory_space<vmem>>) target_semaphore(%arg21 : memref<!tpu.dma_semaphore, #tpu.memory_space<semaphore_mem>>)
    %dma_start3A_72 = arith.constant 0 : i32
    %dma_start3A_73 = arith.constant 0 : i32
    %dma_start3A_74 = tpu.memref_slice %arg2[%dma_start3A_72, %dma_start3A_73] : memref<10000x128xf32, #tpu.memory_space<hbm>> -> memref<10000x128xf32, #tpu.memory_space<hbm>>
    tpu.enqueue_indirect_dma source(%dma_start3A_74 : memref<10000x128xf32, #tpu.memory_space<hbm>>) target(%arg11 : memref<80x128xf32, #tpu.memory_space<vmem>>) offsets(%arg7 : memref<80xi32, #tpu.memory_space<vmem>>) semaphore(%arg16 : memref<!tpu.dma_semaphore, #tpu.memory_space<semaphore_mem>>)
    %add3A_75 = arith.constant 0 : i32
    %add3A_76 = arith.addi %mul3A_7, %add3A_75 : i32
    %dma_start3A_77 = arith.constant 0 : i32
    %dma_start3A_78 = tpu.memref_slice %arg5[%add3A_76, %dma_start3A_77] : memref<160000x128xi32, #tpu.memory_space<hbm>> -> memref<40x128xi32, #tpu.memory_space<hbm>>
    %dma_start3A_79 = arith.constant 0 : i32
    %dma_start3A_80 = tpu.memref_slice %arg5[%add3A_76, %dma_start3A_79] : memref<160000x128xi32, #tpu.memory_space<hbm>> -> memref<40x128xi32, #tpu.memory_space<hbm>>
    tpu.enqueue_dma source(%dma_start3A_80 : memref<40x128xi32, #tpu.memory_space<hbm>>) target(%arg13 : memref<40x128xi32, #tpu.memory_space<vmem>>) target_semaphore(%arg18 : memref<!tpu.dma_semaphore, #tpu.memory_space<semaphore_mem>>)
    %scan3A_81 = arith.constant 0 : i32
    %scan3A_82 = arith.constant 0 : i32
    %scan3A_83 = arith.constant 125 : i32
    %scan3A_84 = arith.addi %scan3A_82, %scan3A_83 : i32
    %scan3A_85 = arith.constant 1 : i32
    %scan3A_86 = scf.for %scan3A_117 = %scan3A_82 to %scan3A_84 step %scan3A_85 iter_args(%scan3A_118 = %scan3A_81) -> (i32)  : i32 {
      %jit3A = arith.constant 2 : i32
      %eq3A = arith.constant 0 : i32
      %eq3A_119 = arith.cmpi eq, %jit3A, %eq3A : i32
      %jit3A_120 = arith.constant 1 : i32
      %select_n3A = arith.select %eq3A_119, %jit3A_120, %jit3A : i32
      %rem3A = arith.remsi %scan3A_117, %select_n3A : i32
      %ne3A = arith.constant 0 : i32
      %ne3A_121 = arith.cmpi ne, %rem3A, %ne3A : i32
      %lt3A_122 = arith.constant 0 : i32
      %lt3A_123 = arith.cmpi slt, %rem3A, %lt3A_122 : i32
      %lt3A_124 = arith.constant 0 : i32
      %lt3A_125 = arith.cmpi slt, %select_n3A, %lt3A_124 : i32
      %ne3A_126 = arith.xori %lt3A_123, %lt3A_125 : i1
      %and3A = arith.andi %ne3A_126, %ne3A_121 : i1
      %add3A_127 = arith.addi %rem3A, %select_n3A : i32
      %select_n3A_128 = arith.select %and3A, %add3A_127, %rem3A : i32
      %eq3A_129 = arith.constant 0 : i32
      %eq3A_130 = arith.cmpi eq, %select_n3A_128, %eq3A_129 : i32
      %convert_element_type3A_131 = arith.extui %eq3A_130 : i1 to i32
      %cond3A_132 = arith.constant 0 : i32
      %cond3A_133 = arith.cmpi ne, %convert_element_type3A_131, %cond3A_132 : i32
      scf.if %cond3A_133 {
        %dma_wait3A = arith.constant 0 : i32
        %dma_wait3A_156 = arith.constant 0 : i32
        %dma_wait3A_157 = tpu.memref_slice %arg2[%dma_wait3A, %dma_wait3A_156] : memref<10000x128xf32, #tpu.memory_space<hbm>> -> memref<10000x128xf32, #tpu.memory_space<hbm>>
        tpu.wait_indirect_dma semaphore(%arg16 : memref<!tpu.dma_semaphore, #tpu.memory_space<semaphore_mem>>) src(%dma_wait3A_157 : memref<10000x128xf32, #tpu.memory_space<hbm>>) dst(%arg11 : memref<80x128xf32, #tpu.memory_space<vmem>>)
        %dma_wait3A_158 = arith.constant 0 : i32
        %dma_wait3A_159 = tpu.memref_slice %arg5[%mul3A_7, %dma_wait3A_158] : memref<160000x128xi32, #tpu.memory_space<hbm>> -> memref<40x128xi32, #tpu.memory_space<hbm>>
        %dma_wait3A_160 = arith.constant 0 : i32
        %dma_wait3A_161 = tpu.memref_slice %arg5[%mul3A_7, %dma_wait3A_160] : memref<160000x128xi32, #tpu.memory_space<hbm>> -> memref<40x128xi32, #tpu.memory_space<hbm>>
        tpu.wait_dma2 semaphore(%arg18 : memref<!tpu.dma_semaphore, #tpu.memory_space<semaphore_mem>>) src(%dma_wait3A_161 : memref<40x128xi32, #tpu.memory_space<hbm>>) dst(%arg13 : memref<40x128xi32, #tpu.memory_space<vmem>>)
        %add3A_162 = arith.constant 1 : i32
        %add3A_163 = arith.addi %scan3A_117, %add3A_162 : i32
        %lt3A_164 = arith.constant 125 : i32
        %lt3A_165 = arith.cmpi slt, %add3A_163, %lt3A_164 : i32
        %convert_element_type3A_166 = arith.extui %lt3A_165 : i1 to i32
        %cond3A_167 = arith.constant 0 : i32
        %cond3A_168 = arith.cmpi ne, %convert_element_type3A_166, %cond3A_167 : i32
        scf.if %cond3A_168 {
          %dma_wait3A_178 = tpu.memref_slice %arg3[%mul3A_2] : memref<320000xi32, #tpu.memory_space<hbm>> -> memref<80xi32, #tpu.memory_space<hbm>>
          %dma_wait3A_179 = tpu.memref_slice %arg3[%mul3A_2] : memref<320000xi32, #tpu.memory_space<hbm>> -> memref<80xi32, #tpu.memory_space<hbm>>
          tpu.wait_dma2 semaphore(%arg21 : memref<!tpu.dma_semaphore, #tpu.memory_space<semaphore_mem>>) src(%dma_wait3A_179 : memref<80xi32, #tpu.memory_space<hbm>>) dst(%arg8 : memref<80xi32, #tpu.memory_space<vmem>>)
          %dma_wait3A_180 = tpu.memref_slice %arg4[%mul3A_2] : memref<320000xi32, #tpu.memory_space<hbm>> -> memref<80xi32, #tpu.memory_space<hbm>>
          %dma_wait3A_181 = tpu.memref_slice %arg4[%mul3A_2] : memref<320000xi32, #tpu.memory_space<hbm>> -> memref<80xi32, #tpu.memory_space<hbm>>
          tpu.wait_dma2 semaphore(%arg21 : memref<!tpu.dma_semaphore, #tpu.memory_space<semaphore_mem>>) src(%dma_wait3A_181 : memref<80xi32, #tpu.memory_space<hbm>>) dst(%arg10 : memref<80xi32, #tpu.memory_space<vmem>>)
          %add3A_182 = arith.constant 1 : i32
          %add3A_183 = arith.addi %scan3A_117, %add3A_182 : i32
          %dma_start3A_184 = arith.constant 0 : i32
          %dma_start3A_185 = arith.constant 0 : i32
          %dma_start3A_186 = tpu.memref_slice %arg2[%dma_start3A_184, %dma_start3A_185] : memref<10000x128xf32, #tpu.memory_space<hbm>> -> memref<10000x128xf32, #tpu.memory_space<hbm>>
          tpu.enqueue_indirect_dma source(%dma_start3A_186 : memref<10000x128xf32, #tpu.memory_space<hbm>>) target(%arg12 : memref<80x128xf32, #tpu.memory_space<vmem>>) offsets(%arg8 : memref<80xi32, #tpu.memory_space<vmem>>) semaphore(%arg17 : memref<!tpu.dma_semaphore, #tpu.memory_space<semaphore_mem>>)
          %mul3A_187 = arith.constant 40 : i32
          %mul3A_188 = arith.muli %add3A_183, %mul3A_187 : i32
          %add3A_189 = arith.addi %mul3A_7, %mul3A_188 : i32
          %dma_start3A_190 = arith.constant 0 : i32
          %dma_start3A_191 = tpu.memref_slice %arg5[%add3A_189, %dma_start3A_190] : memref<160000x128xi32, #tpu.memory_space<hbm>> -> memref<40x128xi32, #tpu.memory_space<hbm>>
          %dma_start3A_192 = arith.constant 0 : i32
          %dma_start3A_193 = tpu.memref_slice %arg5[%add3A_189, %dma_start3A_192] : memref<160000x128xi32, #tpu.memory_space<hbm>> -> memref<40x128xi32, #tpu.memory_space<hbm>>
          tpu.enqueue_dma source(%dma_start3A_193 : memref<40x128xi32, #tpu.memory_space<hbm>>) target(%arg14 : memref<40x128xi32, #tpu.memory_space<vmem>>) target_semaphore(%arg19 : memref<!tpu.dma_semaphore, #tpu.memory_space<semaphore_mem>>)
        } else {
        }
        %parallel_loop3A = arith.constant 0 : i32
        %parallel_loop3A_169 = arith.constant 40 : i32
        %parallel_loop3A_170 = arith.constant 1 : i32
        scf.for %parallel_loop3A_178 = %parallel_loop3A to %parallel_loop3A_169 step %parallel_loop3A_170  : i32 {
          %parallel_loop3A_179 = arith.index_cast %parallel_loop3A_178 : i32 to index
          %parallel_loop3A_180 = arith.constant 0 : index
          %parallel_loop3A_181 = tpu.vector_load %arg13[%parallel_loop3A_179, %parallel_loop3A_180] {strides = array<i32>} : memref<40x128xi32, #tpu.memory_space<vmem>>, vector<1x16xi32>,
          %parallel_loop3A_182 = vector.shape_cast %parallel_loop3A_181 : vector<1x16xi32> to vector<16xi32>
          %parallel_loop3A_183 = arith.constant 16 : i32
          %parallel_loop3A_184 = vector.broadcast %parallel_loop3A_183 : i32 to vector<16xi32>
          %parallel_loop3A_185 = arith.shli %parallel_loop3A_182, %parallel_loop3A_184 : vector<16xi32>
          %parallel_loop3A_186 = tpu.bitcast %parallel_loop3A_185 : vector<16xi32> -> vector<16xf32>
          %parallel_loop3A_187 = arith.constant -65536 : i32
          %parallel_loop3A_188 = vector.broadcast %parallel_loop3A_187 : i32 to vector<16xi32>
          %parallel_loop3A_189 = arith.andi %parallel_loop3A_182, %parallel_loop3A_188 : vector<16xi32>
          %parallel_loop3A_190 = tpu.bitcast %parallel_loop3A_189 : vector<16xi32> -> vector<16xf32>
          %parallel_loop3A_191 = arith.constant 2 : i32
          %parallel_loop3A_192 = arith.muli %parallel_loop3A_191, %parallel_loop3A_178 : i32
          %parallel_loop3A_193 = arith.index_cast %parallel_loop3A_192 : i32 to index
          %parallel_loop3A_194 = arith.constant 0 : index
          %parallel_loop3A_195 = tpu.vector_load %arg11[%parallel_loop3A_193, %parallel_loop3A_194] {strides = array<i32>} : memref<80x128xf32, #tpu.memory_space<vmem>>, vector<1x16xf32>,
          %parallel_loop3A_196 = vector.shape_cast %parallel_loop3A_195 : vector<1x16xf32> to vector<16xf32>
          %parallel_loop3A_197 = arith.mulf %parallel_loop3A_196, %parallel_loop3A_186 : vector<16xf32>
          %parallel_loop3A_198 = arith.constant 2 : i32
          %parallel_loop3A_199 = arith.muli %parallel_loop3A_198, %parallel_loop3A_178 : i32
          %parallel_loop3A_200 = arith.index_cast %parallel_loop3A_199 : i32 to index
          %parallel_loop3A_201 = arith.constant 0 : index
          %parallel_loop3A_202 = tpu.vector_load %arg11[%parallel_loop3A_200, %parallel_loop3A_201] {strides = array<i32>} : memref<80x128xf32, #tpu.memory_space<vmem>>, vector<1x16xf32>,
          %parallel_loop3A_203 = vector.shape_cast %parallel_loop3A_202 : vector<1x16xf32> to vector<16xf32>
          %parallel_loop3A_204 = vector.shape_cast %parallel_loop3A_197 : vector<16xf32> to vector<1x16xf32>
          tpu.vector_store %arg11[%parallel_loop3A_200, %parallel_loop3A_201], %parallel_loop3A_204 {strides = array<i32>} : memref<80x128xf32, #tpu.memory_space<vmem>>, vector<1x16xf32>,
          %parallel_loop3A_205 = arith.constant 2 : i32
          %parallel_loop3A_206 = arith.muli %parallel_loop3A_205, %parallel_loop3A_178 : i32
          %parallel_loop3A_207 = arith.constant 1 : i32
          %parallel_loop3A_208 = arith.addi %parallel_loop3A_206, %parallel_loop3A_207 : i32
          %parallel_loop3A_209 = arith.index_cast %parallel_loop3A_208 : i32 to index
          %parallel_loop3A_210 = arith.constant 0 : index
          %parallel_loop3A_211 = tpu.vector_load %arg11[%parallel_loop3A_209, %parallel_loop3A_210] {strides = array<i32>} : memref<80x128xf32, #tpu.memory_space<vmem>>, vector<1x16xf32>,
          %parallel_loop3A_212 = vector.shape_cast %parallel_loop3A_211 : vector<1x16xf32> to vector<16xf32>
          %parallel_loop3A_213 = arith.mulf %parallel_loop3A_212, %parallel_loop3A_190 : vector<16xf32>
          %parallel_loop3A_214 = arith.constant 2 : i32
          %parallel_loop3A_215 = arith.muli %parallel_loop3A_214, %parallel_loop3A_178 : i32
          %parallel_loop3A_216 = arith.constant 1 : i32
          %parallel_loop3A_217 = arith.addi %parallel_loop3A_215, %parallel_loop3A_216 : i32
          %parallel_loop3A_218 = arith.index_cast %parallel_loop3A_217 : i32 to index
          %parallel_loop3A_219 = arith.constant 0 : index
          %parallel_loop3A_220 = tpu.vector_load %arg11[%parallel_loop3A_218, %parallel_loop3A_219] {strides = array<i32>} : memref<80x128xf32, #tpu.memory_space<vmem>>, vector<1x16xf32>,
          %parallel_loop3A_221 = vector.shape_cast %parallel_loop3A_220 : vector<1x16xf32> to vector<16xf32>
          %parallel_loop3A_222 = vector.shape_cast %parallel_loop3A_213 : vector<16xf32> to vector<1x16xf32>
          tpu.vector_store %arg11[%parallel_loop3A_218, %parallel_loop3A_219], %parallel_loop3A_222 {strides = array<i32>} : memref<80x128xf32, #tpu.memory_space<vmem>>, vector<1x16xf32>,
          %parallel_loop3A_223 = arith.index_cast %parallel_loop3A_178 : i32 to index
          %parallel_loop3A_224 = arith.constant 16 : index
          %parallel_loop3A_225 = tpu.vector_load %arg13[%parallel_loop3A_223, %parallel_loop3A_224] {strides = array<i32>} : memref<40x128xi32, #tpu.memory_space<vmem>>, vector<1x16xi32>,
          %parallel_loop3A_226 = vector.shape_cast %parallel_loop3A_225 : vector<1x16xi32> to vector<16xi32>
          %parallel_loop3A_227 = arith.constant 16 : i32
          %parallel_loop3A_228 = vector.broadcast %parallel_loop3A_227 : i32 to vector<16xi32>
          %parallel_loop3A_229 = arith.shli %parallel_loop3A_226, %parallel_loop3A_228 : vector<16xi32>
          %parallel_loop3A_230 = tpu.bitcast %parallel_loop3A_229 : vector<16xi32> -> vector<16xf32>
          %parallel_loop3A_231 = arith.constant -65536 : i32
          %parallel_loop3A_232 = vector.broadcast %parallel_loop3A_231 : i32 to vector<16xi32>
          %parallel_loop3A_233 = arith.andi %parallel_loop3A_226, %parallel_loop3A_232 : vector<16xi32>
          %parallel_loop3A_234 = tpu.bitcast %parallel_loop3A_233 : vector<16xi32> -> vector<16xf32>
          %parallel_loop3A_235 = arith.constant 2 : i32
          %parallel_loop3A_236 = arith.muli %parallel_loop3A_235, %parallel_loop3A_178 : i32
          %parallel_loop3A_237 = arith.index_cast %parallel_loop3A_236 : i32 to index
          %parallel_loop3A_238 = arith.constant 16 : index
          %parallel_loop3A_239 = tpu.vector_load %arg11[%parallel_loop3A_237, %parallel_loop3A_238] {strides = array<i32>} : memref<80x128xf32, #tpu.memory_space<vmem>>, vector<1x16xf32>,
          %parallel_loop3A_240 = vector.shape_cast %parallel_loop3A_239 : vector<1x16xf32> to vector<16xf32>
          %parallel_loop3A_241 = arith.mulf %parallel_loop3A_240, %parallel_loop3A_230 : vector<16xf32>
          %parallel_loop3A_242 = arith.constant 2 : i32
          %parallel_loop3A_243 = arith.muli %parallel_loop3A_242, %parallel_loop3A_178 : i32
          %parallel_loop3A_244 = arith.index_cast %parallel_loop3A_243 : i32 to index
          %parallel_loop3A_245 = arith.constant 16 : index
          %parallel_loop3A_246 = tpu.vector_load %arg11[%parallel_loop3A_244, %parallel_loop3A_245] {strides = array<i32>} : memref<80x128xf32, #tpu.memory_space<vmem>>, vector<1x16xf32>,
          %parallel_loop3A_247 = vector.shape_cast %parallel_loop3A_246 : vector<1x16xf32> to vector<16xf32>
          %parallel_loop3A_248 = vector.shape_cast %parallel_loop3A_241 : vector<16xf32> to vector<1x16xf32>
          tpu.vector_store %arg11[%parallel_loop3A_244, %parallel_loop3A_245], %parallel_loop3A_248 {strides = array<i32>} : memref<80x128xf32, #tpu.memory_space<vmem>>, vector<1x16xf32>,
          %parallel_loop3A_249 = arith.constant 2 : i32
          %parallel_loop3A_250 = arith.muli %parallel_loop3A_249, %parallel_loop3A_178 : i32
          %parallel_loop3A_251 = arith.constant 1 : i32
          %parallel_loop3A_252 = arith.addi %parallel_loop3A_250, %parallel_loop3A_251 : i32
          %parallel_loop3A_253 = arith.index_cast %parallel_loop3A_252 : i32 to index
          %parallel_loop3A_254 = arith.constant 16 : index
          %parallel_loop3A_255 = tpu.vector_load %arg11[%parallel_loop3A_253, %parallel_loop3A_254] {strides = array<i32>} : memref<80x128xf32, #tpu.memory_space<vmem>>, vector<1x16xf32>,
          %parallel_loop3A_256 = vector.shape_cast %parallel_loop3A_255 : vector<1x16xf32> to vector<16xf32>
          %parallel_loop3A_257 = arith.mulf %parallel_loop3A_256, %parallel_loop3A_234 : vector<16xf32>
          %parallel_loop3A_258 = arith.constant 2 : i32
          %parallel_loop3A_259 = arith.muli %parallel_loop3A_258, %parallel_loop3A_178 : i32
          %parallel_loop3A_260 = arith.constant 1 : i32
          %parallel_loop3A_261 = arith.addi %parallel_loop3A_259, %parallel_loop3A_260 : i32
          %parallel_loop3A_262 = arith.index_cast %parallel_loop3A_261 : i32 to index
          %parallel_loop3A_263 = arith.constant 16 : index
          %parallel_loop3A_264 = tpu.vector_load %arg11[%parallel_loop3A_262, %parallel_loop3A_263] {strides = array<i32>} : memref<80x128xf32, #tpu.memory_space<vmem>>, vector<1x16xf32>,
          %parallel_loop3A_265 = vector.shape_cast %parallel_loop3A_264 : vector<1x16xf32> to vector<16xf32>
          %parallel_loop3A_266 = vector.shape_cast %parallel_loop3A_257 : vector<16xf32> to vector<1x16xf32>
          tpu.vector_store %arg11[%parallel_loop3A_262, %parallel_loop3A_263], %parallel_loop3A_266 {strides = array<i32>} : memref<80x128xf32, #tpu.memory_space<vmem>>, vector<1x16xf32>,
          %parallel_loop3A_267 = arith.index_cast %parallel_loop3A_178 : i32 to index
          %parallel_loop3A_268 = arith.constant 32 : index
          %parallel_loop3A_269 = tpu.vector_load %arg13[%parallel_loop3A_267, %parallel_loop3A_268] {strides = array<i32>} : memref<40x128xi32, #tpu.memory_space<vmem>>, vector<1x16xi32>,
          %parallel_loop3A_270 = vector.shape_cast %parallel_loop3A_269 : vector<1x16xi32> to vector<16xi32>
          %parallel_loop3A_271 = arith.constant 16 : i32
          %parallel_loop3A_272 = vector.broadcast %parallel_loop3A_271 : i32 to vector<16xi32>
          %parallel_loop3A_273 = arith.shli %parallel_loop3A_270, %parallel_loop3A_272 : vector<16xi32>
          %parallel_loop3A_274 = tpu.bitcast %parallel_loop3A_273 : vector<16xi32> -> vector<16xf32>
          %parallel_loop3A_275 = arith.constant -65536 : i32
          %parallel_loop3A_276 = vector.broadcast %parallel_loop3A_275 : i32 to vector<16xi32>
          %parallel_loop3A_277 = arith.andi %parallel_loop3A_270, %parallel_loop3A_276 : vector<16xi32>
          %parallel_loop3A_278 = tpu.bitcast %parallel_loop3A_277 : vector<16xi32> -> vector<16xf32>
          %parallel_loop3A_279 = arith.constant 2 : i32
          %parallel_loop3A_280 = arith.muli %parallel_loop3A_279, %parallel_loop3A_178 : i32
          %parallel_loop3A_281 = arith.index_cast %parallel_loop3A_280 : i32 to index
          %parallel_loop3A_282 = arith.constant 32 : index
          %parallel_loop3A_283 = tpu.vector_load %arg11[%parallel_loop3A_281, %parallel_loop3A_282] {strides = array<i32>} : memref<80x128xf32, #tpu.memory_space<vmem>>, vector<1x16xf32>,
          %parallel_loop3A_284 = vector.shape_cast %parallel_loop3A_283 : vector<1x16xf32> to vector<16xf32>
          %parallel_loop3A_285 = arith.mulf %parallel_loop3A_284, %parallel_loop3A_274 : vector<16xf32>
          %parallel_loop3A_286 = arith.constant 2 : i32
          %parallel_loop3A_287 = arith.muli %parallel_loop3A_286, %parallel_loop3A_178 : i32
          %parallel_loop3A_288 = arith.index_cast %parallel_loop3A_287 : i32 to index
          %parallel_loop3A_289 = arith.constant 32 : index
          %parallel_loop3A_290 = tpu.vector_load %arg11[%parallel_loop3A_288, %parallel_loop3A_289] {strides = array<i32>} : memref<80x128xf32, #tpu.memory_space<vmem>>, vector<1x16xf32>,
          %parallel_loop3A_291 = vector.shape_cast %parallel_loop3A_290 : vector<1x16xf32> to vector<16xf32>
          %parallel_loop3A_292 = vector.shape_cast %parallel_loop3A_285 : vector<16xf32> to vector<1x16xf32>
          tpu.vector_store %arg11[%parallel_loop3A_288, %parallel_loop3A_289], %parallel_loop3A_292 {strides = array<i32>} : memref<80x128xf32, #tpu.memory_space<vmem>>, vector<1x16xf32>,
          %parallel_loop3A_293 = arith.constant 2 : i32
          %parallel_loop3A_294 = arith.muli %parallel_loop3A_293, %parallel_loop3A_178 : i32
          %parallel_loop3A_295 = arith.constant 1 : i32
          %parallel_loop3A_296 = arith.addi %parallel_loop3A_294, %parallel_loop3A_295 : i32
          %parallel_loop3A_297 = arith.index_cast %parallel_loop3A_296 : i32 to index
          %parallel_loop3A_298 = arith.constant 32 : index
          %parallel_loop3A_299 = tpu.vector_load %arg11[%parallel_loop3A_297, %parallel_loop3A_298] {strides = array<i32>} : memref<80x128xf32, #tpu.memory_space<vmem>>, vector<1x16xf32>,
          %parallel_loop3A_300 = vector.shape_cast %parallel_loop3A_299 : vector<1x16xf32> to vector<16xf32>
          %parallel_loop3A_301 = arith.mulf %parallel_loop3A_300, %parallel_loop3A_278 : vector<16xf32>
          %parallel_loop3A_302 = arith.constant 2 : i32
          %parallel_loop3A_303 = arith.muli %parallel_loop3A_302, %parallel_loop3A_178 : i32
          %parallel_loop3A_304 = arith.constant 1 : i32
          %parallel_loop3A_305 = arith.addi %parallel_loop3A_303, %parallel_loop3A_304 : i32
          %parallel_loop3A_306 = arith.index_cast %parallel_loop3A_305 : i32 to index
          %parallel_loop3A_307 = arith.constant 32 : index
          %parallel_loop3A_308 = tpu.vector_load %arg11[%parallel_loop3A_306, %parallel_loop3A_307] {strides = array<i32>} : memref<80x128xf32, #tpu.memory_space<vmem>>, vector<1x16xf32>,
          %parallel_loop3A_309 = vector.shape_cast %parallel_loop3A_308 : vector<1x16xf32> to vector<16xf32>
          %parallel_loop3A_310 = vector.shape_cast %parallel_loop3A_301 : vector<16xf32> to vector<1x16xf32>
          tpu.vector_store %arg11[%parallel_loop3A_306, %parallel_loop3A_307], %parallel_loop3A_310 {strides = array<i32>} : memref<80x128xf32, #tpu.memory_space<vmem>>, vector<1x16xf32>,
          %parallel_loop3A_311 = arith.index_cast %parallel_loop3A_178 : i32 to index
          %parallel_loop3A_312 = arith.constant 48 : index
          %parallel_loop3A_313 = tpu.vector_load %arg13[%parallel_loop3A_311, %parallel_loop3A_312] {strides = array<i32>} : memref<40x128xi32, #tpu.memory_space<vmem>>, vector<1x16xi32>,
          %parallel_loop3A_314 = vector.shape_cast %parallel_loop3A_313 : vector<1x16xi32> to vector<16xi32>
          %parallel_loop3A_315 = arith.constant 16 : i32
          %parallel_loop3A_316 = vector.broadcast %parallel_loop3A_315 : i32 to vector<16xi32>
          %parallel_loop3A_317 = arith.shli %parallel_loop3A_314, %parallel_loop3A_316 : vector<16xi32>
          %parallel_loop3A_318 = tpu.bitcast %parallel_loop3A_317 : vector<16xi32> -> vector<16xf32>
          %parallel_loop3A_319 = arith.constant -65536 : i32
          %parallel_loop3A_320 = vector.broadcast %parallel_loop3A_319 : i32 to vector<16xi32>
          %parallel_loop3A_321 = arith.andi %parallel_loop3A_314, %parallel_loop3A_320 : vector<16xi32>
          %parallel_loop3A_322 = tpu.bitcast %parallel_loop3A_321 : vector<16xi32> -> vector<16xf32>
          %parallel_loop3A_323 = arith.constant 2 : i32
          %parallel_loop3A_324 = arith.muli %parallel_loop3A_323, %parallel_loop3A_178 : i32
          %parallel_loop3A_325 = arith.index_cast %parallel_loop3A_324 : i32 to index
          %parallel_loop3A_326 = arith.constant 48 : index
          %parallel_loop3A_327 = tpu.vector_load %arg11[%parallel_loop3A_325, %parallel_loop3A_326] {strides = array<i32>} : memref<80x128xf32, #tpu.memory_space<vmem>>, vector<1x16xf32>,
          %parallel_loop3A_328 = vector.shape_cast %parallel_loop3A_327 : vector<1x16xf32> to vector<16xf32>
          %parallel_loop3A_329 = arith.mulf %parallel_loop3A_328, %parallel_loop3A_318 : vector<16xf32>
          %parallel_loop3A_330 = arith.constant 2 : i32
          %parallel_loop3A_331 = arith.muli %parallel_loop3A_330, %parallel_loop3A_178 : i32
          %parallel_loop3A_332 = arith.index_cast %parallel_loop3A_331 : i32 to index
          %parallel_loop3A_333 = arith.constant 48 : index
          %parallel_loop3A_334 = tpu.vector_load %arg11[%parallel_loop3A_332, %parallel_loop3A_333] {strides = array<i32>} : memref<80x128xf32, #tpu.memory_space<vmem>>, vector<1x16xf32>,
          %parallel_loop3A_335 = vector.shape_cast %parallel_loop3A_334 : vector<1x16xf32> to vector<16xf32>
          %parallel_loop3A_336 = vector.shape_cast %parallel_loop3A_329 : vector<16xf32> to vector<1x16xf32>
          tpu.vector_store %arg11[%parallel_loop3A_332, %parallel_loop3A_333], %parallel_loop3A_336 {strides = array<i32>} : memref<80x128xf32, #tpu.memory_space<vmem>>, vector<1x16xf32>,
          %parallel_loop3A_337 = arith.constant 2 : i32
          %parallel_loop3A_338 = arith.muli %parallel_loop3A_337, %parallel_loop3A_178 : i32
          %parallel_loop3A_339 = arith.constant 1 : i32
          %parallel_loop3A_340 = arith.addi %parallel_loop3A_338, %parallel_loop3A_339 : i32
          %parallel_loop3A_341 = arith.index_cast %parallel_loop3A_340 : i32 to index
          %parallel_loop3A_342 = arith.constant 48 : index
          %parallel_loop3A_343 = tpu.vector_load %arg11[%parallel_loop3A_341, %parallel_loop3A_342] {strides = array<i32>} : memref<80x128xf32, #tpu.memory_space<vmem>>, vector<1x16xf32>,
          %parallel_loop3A_344 = vector.shape_cast %parallel_loop3A_343 : vector<1x16xf32> to vector<16xf32>
          %parallel_loop3A_345 = arith.mulf %parallel_loop3A_344, %parallel_loop3A_322 : vector<16xf32>
          %parallel_loop3A_346 = arith.constant 2 : i32
          %parallel_loop3A_347 = arith.muli %parallel_loop3A_346, %parallel_loop3A_178 : i32
          %parallel_loop3A_348 = arith.constant 1 : i32
          %parallel_loop3A_349 = arith.addi %parallel_loop3A_347, %parallel_loop3A_348 : i32
          %parallel_loop3A_350 = arith.index_cast %parallel_loop3A_349 : i32 to index
          %parallel_loop3A_351 = arith.constant 48 : index
          %parallel_loop3A_352 = tpu.vector_load %arg11[%parallel_loop3A_350, %parallel_loop3A_351] {strides = array<i32>} : memref<80x128xf32, #tpu.memory_space<vmem>>, vector<1x16xf32>,
          %parallel_loop3A_353 = vector.shape_cast %parallel_loop3A_352 : vector<1x16xf32> to vector<16xf32>
          %parallel_loop3A_354 = vector.shape_cast %parallel_loop3A_345 : vector<16xf32> to vector<1x16xf32>
          tpu.vector_store %arg11[%parallel_loop3A_350, %parallel_loop3A_351], %parallel_loop3A_354 {strides = array<i32>} : memref<80x128xf32, #tpu.memory_space<vmem>>, vector<1x16xf32>,
          %parallel_loop3A_355 = arith.index_cast %parallel_loop3A_178 : i32 to index
          %parallel_loop3A_356 = arith.constant 64 : index
          %parallel_loop3A_357 = tpu.vector_load %arg13[%parallel_loop3A_355, %parallel_loop3A_356] {strides = array<i32>} : memref<40x128xi32, #tpu.memory_space<vmem>>, vector<1x16xi32>,
          %parallel_loop3A_358 = vector.shape_cast %parallel_loop3A_357 : vector<1x16xi32> to vector<16xi32>
          %parallel_loop3A_359 = arith.constant 16 : i32
          %parallel_loop3A_360 = vector.broadcast %parallel_loop3A_359 : i32 to vector<16xi32>
          %parallel_loop3A_361 = arith.shli %parallel_loop3A_358, %parallel_loop3A_360 : vector<16xi32>
          %parallel_loop3A_362 = tpu.bitcast %parallel_loop3A_361 : vector<16xi32> -> vector<16xf32>
          %parallel_loop3A_363 = arith.constant -65536 : i32
          %parallel_loop3A_364 = vector.broadcast %parallel_loop3A_363 : i32 to vector<16xi32>
          %parallel_loop3A_365 = arith.andi %parallel_loop3A_358, %parallel_loop3A_364 : vector<16xi32>
          %parallel_loop3A_366 = tpu.bitcast %parallel_loop3A_365 : vector<16xi32> -> vector<16xf32>
          %parallel_loop3A_367 = arith.constant 2 : i32
          %parallel_loop3A_368 = arith.muli %parallel_loop3A_367, %parallel_loop3A_178 : i32
          %parallel_loop3A_369 = arith.index_cast %parallel_loop3A_368 : i32 to index
          %parallel_loop3A_370 = arith.constant 64 : index
          %parallel_loop3A_371 = tpu.vector_load %arg11[%parallel_loop3A_369, %parallel_loop3A_370] {strides = array<i32>} : memref<80x128xf32, #tpu.memory_space<vmem>>, vector<1x16xf32>,
          %parallel_loop3A_372 = vector.shape_cast %parallel_loop3A_371 : vector<1x16xf32> to vector<16xf32>
          %parallel_loop3A_373 = arith.mulf %parallel_loop3A_372, %parallel_loop3A_362 : vector<16xf32>
          %parallel_loop3A_374 = arith.constant 2 : i32
          %parallel_loop3A_375 = arith.muli %parallel_loop3A_374, %parallel_loop3A_178 : i32
          %parallel_loop3A_376 = arith.index_cast %parallel_loop3A_375 : i32 to index
          %parallel_loop3A_377 = arith.constant 64 : index
          %parallel_loop3A_378 = tpu.vector_load %arg11[%parallel_loop3A_376, %parallel_loop3A_377] {strides = array<i32>} : memref<80x128xf32, #tpu.memory_space<vmem>>, vector<1x16xf32>,
          %parallel_loop3A_379 = vector.shape_cast %parallel_loop3A_378 : vector<1x16xf32> to vector<16xf32>
          %parallel_loop3A_380 = vector.shape_cast %parallel_loop3A_373 : vector<16xf32> to vector<1x16xf32>
          tpu.vector_store %arg11[%parallel_loop3A_376, %parallel_loop3A_377], %parallel_loop3A_380 {strides = array<i32>} : memref<80x128xf32, #tpu.memory_space<vmem>>, vector<1x16xf32>,
          %parallel_loop3A_381 = arith.constant 2 : i32
          %parallel_loop3A_382 = arith.muli %parallel_loop3A_381, %parallel_loop3A_178 : i32
          %parallel_loop3A_383 = arith.constant 1 : i32
          %parallel_loop3A_384 = arith.addi %parallel_loop3A_382, %parallel_loop3A_383 : i32
          %parallel_loop3A_385 = arith.index_cast %parallel_loop3A_384 : i32 to index
          %parallel_loop3A_386 = arith.constant 64 : index
          %parallel_loop3A_387 = tpu.vector_load %arg11[%parallel_loop3A_385, %parallel_loop3A_386] {strides = array<i32>} : memref<80x128xf32, #tpu.memory_space<vmem>>, vector<1x16xf32>,
          %parallel_loop3A_388 = vector.shape_cast %parallel_loop3A_387 : vector<1x16xf32> to vector<16xf32>
          %parallel_loop3A_389 = arith.mulf %parallel_loop3A_388, %parallel_loop3A_366 : vector<16xf32>
          %parallel_loop3A_390 = arith.constant 2 : i32
          %parallel_loop3A_391 = arith.muli %parallel_loop3A_390, %parallel_loop3A_178 : i32
          %parallel_loop3A_392 = arith.constant 1 : i32
          %parallel_loop3A_393 = arith.addi %parallel_loop3A_391, %parallel_loop3A_392 : i32
          %parallel_loop3A_394 = arith.index_cast %parallel_loop3A_393 : i32 to index
          %parallel_loop3A_395 = arith.constant 64 : index
          %parallel_loop3A_396 = tpu.vector_load %arg11[%parallel_loop3A_394, %parallel_loop3A_395] {strides = array<i32>} : memref<80x128xf32, #tpu.memory_space<vmem>>, vector<1x16xf32>,
          %parallel_loop3A_397 = vector.shape_cast %parallel_loop3A_396 : vector<1x16xf32> to vector<16xf32>
          %parallel_loop3A_398 = vector.shape_cast %parallel_loop3A_389 : vector<16xf32> to vector<1x16xf32>
          tpu.vector_store %arg11[%parallel_loop3A_394, %parallel_loop3A_395], %parallel_loop3A_398 {strides = array<i32>} : memref<80x128xf32, #tpu.memory_space<vmem>>, vector<1x16xf32>,
          %parallel_loop3A_399 = arith.index_cast %parallel_loop3A_178 : i32 to index
          %parallel_loop3A_400 = arith.constant 80 : index
          %parallel_loop3A_401 = tpu.vector_load %arg13[%parallel_loop3A_399, %parallel_loop3A_400] {strides = array<i32>} : memref<40x128xi32, #tpu.memory_space<vmem>>, vector<1x16xi32>,
          %parallel_loop3A_402 = vector.shape_cast %parallel_loop3A_401 : vector<1x16xi32> to vector<16xi32>
          %parallel_loop3A_403 = arith.constant 16 : i32
          %parallel_loop3A_404 = vector.broadcast %parallel_loop3A_403 : i32 to vector<16xi32>
          %parallel_loop3A_405 = arith.shli %parallel_loop3A_402, %parallel_loop3A_404 : vector<16xi32>
          %parallel_loop3A_406 = tpu.bitcast %parallel_loop3A_405 : vector<16xi32> -> vector<16xf32>
          %parallel_loop3A_407 = arith.constant -65536 : i32
          %parallel_loop3A_408 = vector.broadcast %parallel_loop3A_407 : i32 to vector<16xi32>
          %parallel_loop3A_409 = arith.andi %parallel_loop3A_402, %parallel_loop3A_408 : vector<16xi32>
          %parallel_loop3A_410 = tpu.bitcast %parallel_loop3A_409 : vector<16xi32> -> vector<16xf32>
          %parallel_loop3A_411 = arith.constant 2 : i32
          %parallel_loop3A_412 = arith.muli %parallel_loop3A_411, %parallel_loop3A_178 : i32
          %parallel_loop3A_413 = arith.index_cast %parallel_loop3A_412 : i32 to index
          %parallel_loop3A_414 = arith.constant 80 : index
          %parallel_loop3A_415 = tpu.vector_load %arg11[%parallel_loop3A_413, %parallel_loop3A_414] {strides = array<i32>} : memref<80x128xf32, #tpu.memory_space<vmem>>, vector<1x16xf32>,
          %parallel_loop3A_416 = vector.shape_cast %parallel_loop3A_415 : vector<1x16xf32> to vector<16xf32>
          %parallel_loop3A_417 = arith.mulf %parallel_loop3A_416, %parallel_loop3A_406 : vector<16xf32>
          %parallel_loop3A_418 = arith.constant 2 : i32
          %parallel_loop3A_419 = arith.muli %parallel_loop3A_418, %parallel_loop3A_178 : i32
          %parallel_loop3A_420 = arith.index_cast %parallel_loop3A_419 : i32 to index
          %parallel_loop3A_421 = arith.constant 80 : index
          %parallel_loop3A_422 = tpu.vector_load %arg11[%parallel_loop3A_420, %parallel_loop3A_421] {strides = array<i32>} : memref<80x128xf32, #tpu.memory_space<vmem>>, vector<1x16xf32>,
          %parallel_loop3A_423 = vector.shape_cast %parallel_loop3A_422 : vector<1x16xf32> to vector<16xf32>
          %parallel_loop3A_424 = vector.shape_cast %parallel_loop3A_417 : vector<16xf32> to vector<1x16xf32>
          tpu.vector_store %arg11[%parallel_loop3A_420, %parallel_loop3A_421], %parallel_loop3A_424 {strides = array<i32>} : memref<80x128xf32, #tpu.memory_space<vmem>>, vector<1x16xf32>,
          %parallel_loop3A_425 = arith.constant 2 : i32
          %parallel_loop3A_426 = arith.muli %parallel_loop3A_425, %parallel_loop3A_178 : i32
          %parallel_loop3A_427 = arith.constant 1 : i32
          %parallel_loop3A_428 = arith.addi %parallel_loop3A_426, %parallel_loop3A_427 : i32
          %parallel_loop3A_429 = arith.index_cast %parallel_loop3A_428 : i32 to index
          %parallel_loop3A_430 = arith.constant 80 : index
          %parallel_loop3A_431 = tpu.vector_load %arg11[%parallel_loop3A_429, %parallel_loop3A_430] {strides = array<i32>} : memref<80x128xf32, #tpu.memory_space<vmem>>, vector<1x16xf32>,
          %parallel_loop3A_432 = vector.shape_cast %parallel_loop3A_431 : vector<1x16xf32> to vector<16xf32>
          %parallel_loop3A_433 = arith.mulf %parallel_loop3A_432, %parallel_loop3A_410 : vector<16xf32>
          %parallel_loop3A_434 = arith.constant 2 : i32
          %parallel_loop3A_435 = arith.muli %parallel_loop3A_434, %parallel_loop3A_178 : i32
          %parallel_loop3A_436 = arith.constant 1 : i32
          %parallel_loop3A_437 = arith.addi %parallel_loop3A_435, %parallel_loop3A_436 : i32
          %parallel_loop3A_438 = arith.index_cast %parallel_loop3A_437 : i32 to index
          %parallel_loop3A_439 = arith.constant 80 : index
          %parallel_loop3A_440 = tpu.vector_load %arg11[%parallel_loop3A_438, %parallel_loop3A_439] {strides = array<i32>} : memref<80x128xf32, #tpu.memory_space<vmem>>, vector<1x16xf32>,
          %parallel_loop3A_441 = vector.shape_cast %parallel_loop3A_440 : vector<1x16xf32> to vector<16xf32>
          %parallel_loop3A_442 = vector.shape_cast %parallel_loop3A_433 : vector<16xf32> to vector<1x16xf32>
          tpu.vector_store %arg11[%parallel_loop3A_438, %parallel_loop3A_439], %parallel_loop3A_442 {strides = array<i32>} : memref<80x128xf32, #tpu.memory_space<vmem>>, vector<1x16xf32>,
          %parallel_loop3A_443 = arith.index_cast %parallel_loop3A_178 : i32 to index
          %parallel_loop3A_444 = arith.constant 96 : index
          %parallel_loop3A_445 = tpu.vector_load %arg13[%parallel_loop3A_443, %parallel_loop3A_444] {strides = array<i32>} : memref<40x128xi32, #tpu.memory_space<vmem>>, vector<1x16xi32>,
          %parallel_loop3A_446 = vector.shape_cast %parallel_loop3A_445 : vector<1x16xi32> to vector<16xi32>
          %parallel_loop3A_447 = arith.constant 16 : i32
          %parallel_loop3A_448 = vector.broadcast %parallel_loop3A_447 : i32 to vector<16xi32>
          %parallel_loop3A_449 = arith.shli %parallel_loop3A_446, %parallel_loop3A_448 : vector<16xi32>
          %parallel_loop3A_450 = tpu.bitcast %parallel_loop3A_449 : vector<16xi32> -> vector<16xf32>
          %parallel_loop3A_451 = arith.constant -65536 : i32
          %parallel_loop3A_452 = vector.broadcast %parallel_loop3A_451 : i32 to vector<16xi32>
          %parallel_loop3A_453 = arith.andi %parallel_loop3A_446, %parallel_loop3A_452 : vector<16xi32>
          %parallel_loop3A_454 = tpu.bitcast %parallel_loop3A_453 : vector<16xi32> -> vector<16xf32>
          %parallel_loop3A_455 = arith.constant 2 : i32
          %parallel_loop3A_456 = arith.muli %parallel_loop3A_455, %parallel_loop3A_178 : i32
          %parallel_loop3A_457 = arith.index_cast %parallel_loop3A_456 : i32 to index
          %parallel_loop3A_458 = arith.constant 96 : index
          %parallel_loop3A_459 = tpu.vector_load %arg11[%parallel_loop3A_457, %parallel_loop3A_458] {strides = array<i32>} : memref<80x128xf32, #tpu.memory_space<vmem>>, vector<1x16xf32>,
          %parallel_loop3A_460 = vector.shape_cast %parallel_loop3A_459 : vector<1x16xf32> to vector<16xf32>
          %parallel_loop3A_461 = arith.mulf %parallel_loop3A_460, %parallel_loop3A_450 : vector<16xf32>
          %parallel_loop3A_462 = arith.constant 2 : i32
          %parallel_loop3A_463 = arith.muli %parallel_loop3A_462, %parallel_loop3A_178 : i32
          %parallel_loop3A_464 = arith.index_cast %parallel_loop3A_463 : i32 to index
          %parallel_loop3A_465 = arith.constant 96 : index
          %parallel_loop3A_466 = tpu.vector_load %arg11[%parallel_loop3A_464, %parallel_loop3A_465] {strides = array<i32>} : memref<80x128xf32, #tpu.memory_space<vmem>>, vector<1x16xf32>,
          %parallel_loop3A_467 = vector.shape_cast %parallel_loop3A_466 : vector<1x16xf32> to vector<16xf32>
          %parallel_loop3A_468 = vector.shape_cast %parallel_loop3A_461 : vector<16xf32> to vector<1x16xf32>
          tpu.vector_store %arg11[%parallel_loop3A_464, %parallel_loop3A_465], %parallel_loop3A_468 {strides = array<i32>} : memref<80x128xf32, #tpu.memory_space<vmem>>, vector<1x16xf32>,
          %parallel_loop3A_469 = arith.constant 2 : i32
          %parallel_loop3A_470 = arith.muli %parallel_loop3A_469, %parallel_loop3A_178 : i32
          %parallel_loop3A_471 = arith.constant 1 : i32
          %parallel_loop3A_472 = arith.addi %parallel_loop3A_470, %parallel_loop3A_471 : i32
          %parallel_loop3A_473 = arith.index_cast %parallel_loop3A_472 : i32 to index
          %parallel_loop3A_474 = arith.constant 96 : index
          %parallel_loop3A_475 = tpu.vector_load %arg11[%parallel_loop3A_473, %parallel_loop3A_474] {strides = array<i32>} : memref<80x128xf32, #tpu.memory_space<vmem>>, vector<1x16xf32>,
          %parallel_loop3A_476 = vector.shape_cast %parallel_loop3A_475 : vector<1x16xf32> to vector<16xf32>
          %parallel_loop3A_477 = arith.mulf %parallel_loop3A_476, %parallel_loop3A_454 : vector<16xf32>
          %parallel_loop3A_478 = arith.constant 2 : i32
          %parallel_loop3A_479 = arith.muli %parallel_loop3A_478, %parallel_loop3A_178 : i32
          %parallel_loop3A_480 = arith.constant 1 : i32
          %parallel_loop3A_481 = arith.addi %parallel_loop3A_479, %parallel_loop3A_480 : i32
          %parallel_loop3A_482 = arith.index_cast %parallel_loop3A_481 : i32 to index
          %parallel_loop3A_483 = arith.constant 96 : index
          %parallel_loop3A_484 = tpu.vector_load %arg11[%parallel_loop3A_482, %parallel_loop3A_483] {strides = array<i32>} : memref<80x128xf32, #tpu.memory_space<vmem>>, vector<1x16xf32>,
          %parallel_loop3A_485 = vector.shape_cast %parallel_loop3A_484 : vector<1x16xf32> to vector<16xf32>
          %parallel_loop3A_486 = vector.shape_cast %parallel_loop3A_477 : vector<16xf32> to vector<1x16xf32>
          tpu.vector_store %arg11[%parallel_loop3A_482, %parallel_loop3A_483], %parallel_loop3A_486 {strides = array<i32>} : memref<80x128xf32, #tpu.memory_space<vmem>>, vector<1x16xf32>,
          %parallel_loop3A_487 = arith.index_cast %parallel_loop3A_178 : i32 to index
          %parallel_loop3A_488 = arith.constant 112 : index
          %parallel_loop3A_489 = tpu.vector_load %arg13[%parallel_loop3A_487, %parallel_loop3A_488] {strides = array<i32>} : memref<40x128xi32, #tpu.memory_space<vmem>>, vector<1x16xi32>,
          %parallel_loop3A_490 = vector.shape_cast %parallel_loop3A_489 : vector<1x16xi32> to vector<16xi32>
          %parallel_loop3A_491 = arith.constant 16 : i32
          %parallel_loop3A_492 = vector.broadcast %parallel_loop3A_491 : i32 to vector<16xi32>
          %parallel_loop3A_493 = arith.shli %parallel_loop3A_490, %parallel_loop3A_492 : vector<16xi32>
          %parallel_loop3A_494 = tpu.bitcast %parallel_loop3A_493 : vector<16xi32> -> vector<16xf32>
          %parallel_loop3A_495 = arith.constant -65536 : i32
          %parallel_loop3A_496 = vector.broadcast %parallel_loop3A_495 : i32 to vector<16xi32>
          %parallel_loop3A_497 = arith.andi %parallel_loop3A_490, %parallel_loop3A_496 : vector<16xi32>
          %parallel_loop3A_498 = tpu.bitcast %parallel_loop3A_497 : vector<16xi32> -> vector<16xf32>
          %parallel_loop3A_499 = arith.constant 2 : i32
          %parallel_loop3A_500 = arith.muli %parallel_loop3A_499, %parallel_loop3A_178 : i32
          %parallel_loop3A_501 = arith.index_cast %parallel_loop3A_500 : i32 to index
          %parallel_loop3A_502 = arith.constant 112 : index
          %parallel_loop3A_503 = tpu.vector_load %arg11[%parallel_loop3A_501, %parallel_loop3A_502] {strides = array<i32>} : memref<80x128xf32, #tpu.memory_space<vmem>>, vector<1x16xf32>,
          %parallel_loop3A_504 = vector.shape_cast %parallel_loop3A_503 : vector<1x16xf32> to vector<16xf32>
          %parallel_loop3A_505 = arith.mulf %parallel_loop3A_504, %parallel_loop3A_494 : vector<16xf32>
          %parallel_loop3A_506 = arith.constant 2 : i32
          %parallel_loop3A_507 = arith.muli %parallel_loop3A_506, %parallel_loop3A_178 : i32
          %parallel_loop3A_508 = arith.index_cast %parallel_loop3A_507 : i32 to index
          %parallel_loop3A_509 = arith.constant 112 : index
          %parallel_loop3A_510 = tpu.vector_load %arg11[%parallel_loop3A_508, %parallel_loop3A_509] {strides = array<i32>} : memref<80x128xf32, #tpu.memory_space<vmem>>, vector<1x16xf32>,
          %parallel_loop3A_511 = vector.shape_cast %parallel_loop3A_510 : vector<1x16xf32> to vector<16xf32>
          %parallel_loop3A_512 = vector.shape_cast %parallel_loop3A_505 : vector<16xf32> to vector<1x16xf32>
          tpu.vector_store %arg11[%parallel_loop3A_508, %parallel_loop3A_509], %parallel_loop3A_512 {strides = array<i32>} : memref<80x128xf32, #tpu.memory_space<vmem>>, vector<1x16xf32>,
          %parallel_loop3A_513 = arith.constant 2 : i32
          %parallel_loop3A_514 = arith.muli %parallel_loop3A_513, %parallel_loop3A_178 : i32
          %parallel_loop3A_515 = arith.constant 1 : i32
          %parallel_loop3A_516 = arith.addi %parallel_loop3A_514, %parallel_loop3A_515 : i32
          %parallel_loop3A_517 = arith.index_cast %parallel_loop3A_516 : i32 to index
          %parallel_loop3A_518 = arith.constant 112 : index
          %parallel_loop3A_519 = tpu.vector_load %arg11[%parallel_loop3A_517, %parallel_loop3A_518] {strides = array<i32>} : memref<80x128xf32, #tpu.memory_space<vmem>>, vector<1x16xf32>,
          %parallel_loop3A_520 = vector.shape_cast %parallel_loop3A_519 : vector<1x16xf32> to vector<16xf32>
          %parallel_loop3A_521 = arith.mulf %parallel_loop3A_520, %parallel_loop3A_498 : vector<16xf32>
          %parallel_loop3A_522 = arith.constant 2 : i32
          %parallel_loop3A_523 = arith.muli %parallel_loop3A_522, %parallel_loop3A_178 : i32
          %parallel_loop3A_524 = arith.constant 1 : i32
          %parallel_loop3A_525 = arith.addi %parallel_loop3A_523, %parallel_loop3A_524 : i32
          %parallel_loop3A_526 = arith.index_cast %parallel_loop3A_525 : i32 to index
          %parallel_loop3A_527 = arith.constant 112 : index
          %parallel_loop3A_528 = tpu.vector_load %arg11[%parallel_loop3A_526, %parallel_loop3A_527] {strides = array<i32>} : memref<80x128xf32, #tpu.memory_space<vmem>>, vector<1x16xf32>,
          %parallel_loop3A_529 = vector.shape_cast %parallel_loop3A_528 : vector<1x16xf32> to vector<16xf32>
          %parallel_loop3A_530 = vector.shape_cast %parallel_loop3A_521 : vector<16xf32> to vector<1x16xf32>
          tpu.vector_store %arg11[%parallel_loop3A_526, %parallel_loop3A_527], %parallel_loop3A_530 {strides = array<i32>} : memref<80x128xf32, #tpu.memory_space<vmem>>, vector<1x16xf32>,
        } {sc.loop_unroll_factor = 4 : i64, sc.parallel_access}
        "tpu.region"() ({
          %run_scoped3A = tpu.sem_alloc : memref<!tpu.dma_semaphore, #tpu.memory_space<semaphore_mem>>
          %dma_start3A_178 = arith.constant 0 : i32
          %dma_start3A_179 = arith.constant 0 : i32
          %dma_start3A_180 = tpu.memref_slice %arg15[%dma_start3A_178, %dma_start3A_179] : memref<10000x128xf32, #tpu.memory_space<vmem_shared>> -> memref<10000x128xf32, #tpu.memory_space<vmem_shared>>
          tpu.enqueue_indirect_dma source(%arg11 : memref<80x128xf32, #tpu.memory_space<vmem>>) target(%dma_start3A_180 : memref<10000x128xf32, #tpu.memory_space<vmem_shared>>) offsets(%arg9 : memref<80xi32, #tpu.memory_space<vmem>>) semaphore(%run_scoped3A : memref<!tpu.dma_semaphore, #tpu.memory_space<semaphore_mem>>) {add = true}
          %dma_wait3A_181 = arith.constant 0 : i32
          %dma_wait3A_182 = arith.constant 0 : i32
          %dma_wait3A_183 = tpu.memref_slice %arg15[%dma_wait3A_181, %dma_wait3A_182] : memref<10000x128xf32, #tpu.memory_space<vmem_shared>> -> memref<10000x128xf32, #tpu.memory_space<vmem_shared>>
          tpu.wait_indirect_dma semaphore(%run_scoped3A : memref<!tpu.dma_semaphore, #tpu.memory_space<semaphore_mem>>) src(%arg11 : memref<80x128xf32, #tpu.memory_space<vmem>>) dst(%dma_wait3A_183 : memref<10000x128xf32, #tpu.memory_space<vmem_shared>>)
          tpu.yield
        }) : () -> ()
        %add3A_171 = arith.constant 2 : i32
        %add3A_172 = arith.addi %scan3A_117, %add3A_171 : i32
        %lt3A_173 = arith.constant 125 : i32
        %lt3A_174 = arith.cmpi slt, %add3A_172, %lt3A_173 : i32
        %convert_element_type3A_175 = arith.extui %lt3A_174 : i1 to i32
        %cond3A_176 = arith.constant 0 : i32
        %cond3A_177 = arith.cmpi ne, %convert_element_type3A_175, %cond3A_176 : i32
        scf.if %cond3A_177 {
          %add3A_178 = arith.constant 2 : i32
          %add3A_179 = arith.addi %scan3A_117, %add3A_178 : i32
          %mul3A_180 = arith.constant 80 : i32
          %mul3A_181 = arith.muli %add3A_179, %mul3A_180 : i32
          %add3A_182 = arith.addi %mul3A_2, %mul3A_181 : i32
          %dma_start3A_183 = tpu.memref_slice %arg3[%add3A_182] : memref<320000xi32, #tpu.memory_space<hbm>> -> memref<80xi32, #tpu.memory_space<hbm>>
          %dma_start3A_184 = tpu.memref_slice %arg3[%add3A_182] : memref<320000xi32, #tpu.memory_space<hbm>> -> memref<80xi32, #tpu.memory_space<hbm>>
          tpu.enqueue_dma source(%dma_start3A_184 : memref<80xi32, #tpu.memory_space<hbm>>) target(%arg7 : memref<80xi32, #tpu.memory_space<vmem>>) target_semaphore(%arg20 : memref<!tpu.dma_semaphore, #tpu.memory_space<semaphore_mem>>)
          %dma_start3A_185 = tpu.memref_slice %arg4[%add3A_182] : memref<320000xi32, #tpu.memory_space<hbm>> -> memref<80xi32, #tpu.memory_space<hbm>>
          %dma_start3A_186 = tpu.memref_slice %arg4[%add3A_182] : memref<320000xi32, #tpu.memory_space<hbm>> -> memref<80xi32, #tpu.memory_space<hbm>>
          tpu.enqueue_dma source(%dma_start3A_186 : memref<80xi32, #tpu.memory_space<hbm>>) target(%arg9 : memref<80xi32, #tpu.memory_space<vmem>>) target_semaphore(%arg20 : memref<!tpu.dma_semaphore, #tpu.memory_space<semaphore_mem>>)
        } else {
        }
      } else {
      }
      %jit3A_134 = arith.constant 2 : i32
      %eq3A_135 = arith.constant 0 : i32
      %eq3A_136 = arith.cmpi eq, %jit3A_134, %eq3A_135 : i32
      %jit3A_137 = arith.constant 1 : i32
      %select_n3A_138 = arith.select %eq3A_136, %jit3A_137, %jit3A_134 : i32
      %rem3A_139 = arith.remsi %scan3A_117, %select_n3A_138 : i32
      %ne3A_140 = arith.constant 0 : i32
      %ne3A_141 = arith.cmpi ne, %rem3A_139, %ne3A_140 : i32
      %lt3A_142 = arith.constant 0 : i32
      %lt3A_143 = arith.cmpi slt, %rem3A_139, %lt3A_142 : i32
      %lt3A_144 = arith.constant 0 : i32
      %lt3A_145 = arith.cmpi slt, %select_n3A_138, %lt3A_144 : i32
      %ne3A_146 = arith.xori %lt3A_143, %lt3A_145 : i1
      %and3A_147 = arith.andi %ne3A_146, %ne3A_141 : i1
      %add3A_148 = arith.addi %rem3A_139, %select_n3A_138 : i32
      %select_n3A_149 = arith.select %and3A_147, %add3A_148, %rem3A_139 : i32
      %eq3A_150 = arith.constant 1 : i32
      %eq3A_151 = arith.cmpi eq, %select_n3A_149, %eq3A_150 : i32
      %convert_element_type3A_152 = arith.extui %eq3A_151 : i1 to i32
      %cond3A_153 = arith.constant 0 : i32
      %cond3A_154 = arith.cmpi ne, %convert_element_type3A_152, %cond3A_153 : i32
      scf.if %cond3A_154 {
        %dma_wait3A = arith.constant 0 : i32
        %dma_wait3A_156 = arith.constant 0 : i32
        %dma_wait3A_157 = tpu.memref_slice %arg2[%dma_wait3A, %dma_wait3A_156] : memref<10000x128xf32, #tpu.memory_space<hbm>> -> memref<10000x128xf32, #tpu.memory_space<hbm>>
        tpu.wait_indirect_dma semaphore(%arg17 : memref<!tpu.dma_semaphore, #tpu.memory_space<semaphore_mem>>) src(%dma_wait3A_157 : memref<10000x128xf32, #tpu.memory_space<hbm>>) dst(%arg12 : memref<80x128xf32, #tpu.memory_space<vmem>>)
        %dma_wait3A_158 = arith.constant 0 : i32
        %dma_wait3A_159 = tpu.memref_slice %arg5[%mul3A_7, %dma_wait3A_158] : memref<160000x128xi32, #tpu.memory_space<hbm>> -> memref<40x128xi32, #tpu.memory_space<hbm>>
        %dma_wait3A_160 = arith.constant 0 : i32
        %dma_wait3A_161 = tpu.memref_slice %arg5[%mul3A_7, %dma_wait3A_160] : memref<160000x128xi32, #tpu.memory_space<hbm>> -> memref<40x128xi32, #tpu.memory_space<hbm>>
        tpu.wait_dma2 semaphore(%arg19 : memref<!tpu.dma_semaphore, #tpu.memory_space<semaphore_mem>>) src(%dma_wait3A_161 : memref<40x128xi32, #tpu.memory_space<hbm>>) dst(%arg14 : memref<40x128xi32, #tpu.memory_space<vmem>>)
        %add3A_162 = arith.constant 1 : i32
        %add3A_163 = arith.addi %scan3A_117, %add3A_162 : i32
        %lt3A_164 = arith.constant 125 : i32
        %lt3A_165 = arith.cmpi slt, %add3A_163, %lt3A_164 : i32
        %convert_element_type3A_166 = arith.extui %lt3A_165 : i1 to i32
        %cond3A_167 = arith.constant 0 : i32
        %cond3A_168 = arith.cmpi ne, %convert_element_type3A_166, %cond3A_167 : i32
        scf.if %cond3A_168 {
          %dma_wait3A_178 = tpu.memref_slice %arg3[%mul3A_2] : memref<320000xi32, #tpu.memory_space<hbm>> -> memref<80xi32, #tpu.memory_space<hbm>>
          %dma_wait3A_179 = tpu.memref_slice %arg3[%mul3A_2] : memref<320000xi32, #tpu.memory_space<hbm>> -> memref<80xi32, #tpu.memory_space<hbm>>
          tpu.wait_dma2 semaphore(%arg20 : memref<!tpu.dma_semaphore, #tpu.memory_space<semaphore_mem>>) src(%dma_wait3A_179 : memref<80xi32, #tpu.memory_space<hbm>>) dst(%arg7 : memref<80xi32, #tpu.memory_space<vmem>>)
          %dma_wait3A_180 = tpu.memref_slice %arg4[%mul3A_2] : memref<320000xi32, #tpu.memory_space<hbm>> -> memref<80xi32, #tpu.memory_space<hbm>>
          %dma_wait3A_181 = tpu.memref_slice %arg4[%mul3A_2] : memref<320000xi32, #tpu.memory_space<hbm>> -> memref<80xi32, #tpu.memory_space<hbm>>
          tpu.wait_dma2 semaphore(%arg20 : memref<!tpu.dma_semaphore, #tpu.memory_space<semaphore_mem>>) src(%dma_wait3A_181 : memref<80xi32, #tpu.memory_space<hbm>>) dst(%arg9 : memref<80xi32, #tpu.memory_space<vmem>>)
          %add3A_182 = arith.constant 1 : i32
          %add3A_183 = arith.addi %scan3A_117, %add3A_182 : i32
          %dma_start3A_184 = arith.constant 0 : i32
          %dma_start3A_185 = arith.constant 0 : i32
          %dma_start3A_186 = tpu.memref_slice %arg2[%dma_start3A_184, %dma_start3A_185] : memref<10000x128xf32, #tpu.memory_space<hbm>> -> memref<10000x128xf32, #tpu.memory_space<hbm>>
          tpu.enqueue_indirect_dma source(%dma_start3A_186 : memref<10000x128xf32, #tpu.memory_space<hbm>>) target(%arg11 : memref<80x128xf32, #tpu.memory_space<vmem>>) offsets(%arg7 : memref<80xi32, #tpu.memory_space<vmem>>) semaphore(%arg16 : memref<!tpu.dma_semaphore, #tpu.memory_space<semaphore_mem>>)
          %mul3A_187 = arith.constant 40 : i32
          %mul3A_188 = arith.muli %add3A_183, %mul3A_187 : i32
          %add3A_189 = arith.addi %mul3A_7, %mul3A_188 : i32
          %dma_start3A_190 = arith.constant 0 : i32
          %dma_start3A_191 = tpu.memref_slice %arg5[%add3A_189, %dma_start3A_190] : memref<160000x128xi32, #tpu.memory_space<hbm>> -> memref<40x128xi32, #tpu.memory_space<hbm>>
          %dma_start3A_192 = arith.constant 0 : i32
          %dma_start3A_193 = tpu.memref_slice %arg5[%add3A_189, %dma_start3A_192] : memref<160000x128xi32, #tpu.memory_space<hbm>> -> memref<40x128xi32, #tpu.memory_space<hbm>>
          tpu.enqueue_dma source(%dma_start3A_193 : memref<40x128xi32, #tpu.memory_space<hbm>>) target(%arg13 : memref<40x128xi32, #tpu.memory_space<vmem>>) target_semaphore(%arg18 : memref<!tpu.dma_semaphore, #tpu.memory_space<semaphore_mem>>)
        } else {
        }
        %parallel_loop3A = arith.constant 0 : i32
        %parallel_loop3A_169 = arith.constant 40 : i32
        %parallel_loop3A_170 = arith.constant 1 : i32
        scf.for %parallel_loop3A_178 = %parallel_loop3A to %parallel_loop3A_169 step %parallel_loop3A_170  : i32 {
          %parallel_loop3A_179 = arith.index_cast %parallel_loop3A_178 : i32 to index
          %parallel_loop3A_180 = arith.constant 0 : index
          %parallel_loop3A_181 = tpu.vector_load %arg14[%parallel_loop3A_179, %parallel_loop3A_180] {strides = array<i32>} : memref<40x128xi32, #tpu.memory_space<vmem>>, vector<1x16xi32>,
          %parallel_loop3A_182 = vector.shape_cast %parallel_loop3A_181 : vector<1x16xi32> to vector<16xi32>
          %parallel_loop3A_183 = arith.constant 16 : i32
          %parallel_loop3A_184 = vector.broadcast %parallel_loop3A_183 : i32 to vector<16xi32>
          %parallel_loop3A_185 = arith.shli %parallel_loop3A_182, %parallel_loop3A_184 : vector<16xi32>
          %parallel_loop3A_186 = tpu.bitcast %parallel_loop3A_185 : vector<16xi32> -> vector<16xf32>
          %parallel_loop3A_187 = arith.constant -65536 : i32
          %parallel_loop3A_188 = vector.broadcast %parallel_loop3A_187 : i32 to vector<16xi32>
          %parallel_loop3A_189 = arith.andi %parallel_loop3A_182, %parallel_loop3A_188 : vector<16xi32>
          %parallel_loop3A_190 = tpu.bitcast %parallel_loop3A_189 : vector<16xi32> -> vector<16xf32>
          %parallel_loop3A_191 = arith.constant 2 : i32
          %parallel_loop3A_192 = arith.muli %parallel_loop3A_191, %parallel_loop3A_178 : i32
          %parallel_loop3A_193 = arith.index_cast %parallel_loop3A_192 : i32 to index
          %parallel_loop3A_194 = arith.constant 0 : index
          %parallel_loop3A_195 = tpu.vector_load %arg12[%parallel_loop3A_193, %parallel_loop3A_194] {strides = array<i32>} : memref<80x128xf32, #tpu.memory_space<vmem>>, vector<1x16xf32>,
          %parallel_loop3A_196 = vector.shape_cast %parallel_loop3A_195 : vector<1x16xf32> to vector<16xf32>
          %parallel_loop3A_197 = arith.mulf %parallel_loop3A_196, %parallel_loop3A_186 : vector<16xf32>
          %parallel_loop3A_198 = arith.constant 2 : i32
          %parallel_loop3A_199 = arith.muli %parallel_loop3A_198, %parallel_loop3A_178 : i32
          %parallel_loop3A_200 = arith.index_cast %parallel_loop3A_199 : i32 to index
          %parallel_loop3A_201 = arith.constant 0 : index
          %parallel_loop3A_202 = tpu.vector_load %arg12[%parallel_loop3A_200, %parallel_loop3A_201] {strides = array<i32>} : memref<80x128xf32, #tpu.memory_space<vmem>>, vector<1x16xf32>,
          %parallel_loop3A_203 = vector.shape_cast %parallel_loop3A_202 : vector<1x16xf32> to vector<16xf32>
          %parallel_loop3A_204 = vector.shape_cast %parallel_loop3A_197 : vector<16xf32> to vector<1x16xf32>
          tpu.vector_store %arg12[%parallel_loop3A_200, %parallel_loop3A_201], %parallel_loop3A_204 {strides = array<i32>} : memref<80x128xf32, #tpu.memory_space<vmem>>, vector<1x16xf32>,
          %parallel_loop3A_205 = arith.constant 2 : i32
          %parallel_loop3A_206 = arith.muli %parallel_loop3A_205, %parallel_loop3A_178 : i32
          %parallel_loop3A_207 = arith.constant 1 : i32
          %parallel_loop3A_208 = arith.addi %parallel_loop3A_206, %parallel_loop3A_207 : i32
          %parallel_loop3A_209 = arith.index_cast %parallel_loop3A_208 : i32 to index
          %parallel_loop3A_210 = arith.constant 0 : index
          %parallel_loop3A_211 = tpu.vector_load %arg12[%parallel_loop3A_209, %parallel_loop3A_210] {strides = array<i32>} : memref<80x128xf32, #tpu.memory_space<vmem>>, vector<1x16xf32>,
          %parallel_loop3A_212 = vector.shape_cast %parallel_loop3A_211 : vector<1x16xf32> to vector<16xf32>
          %parallel_loop3A_213 = arith.mulf %parallel_loop3A_212, %parallel_loop3A_190 : vector<16xf32>
          %parallel_loop3A_214 = arith.constant 2 : i32
          %parallel_loop3A_215 = arith.muli %parallel_loop3A_214, %parallel_loop3A_178 : i32
          %parallel_loop3A_216 = arith.constant 1 : i32
          %parallel_loop3A_217 = arith.addi %parallel_loop3A_215, %parallel_loop3A_216 : i32
          %parallel_loop3A_218 = arith.index_cast %parallel_loop3A_217 : i32 to index
          %parallel_loop3A_219 = arith.constant 0 : index
          %parallel_loop3A_220 = tpu.vector_load %arg12[%parallel_loop3A_218, %parallel_loop3A_219] {strides = array<i32>} : memref<80x128xf32, #tpu.memory_space<vmem>>, vector<1x16xf32>,
          %parallel_loop3A_221 = vector.shape_cast %parallel_loop3A_220 : vector<1x16xf32> to vector<16xf32>
          %parallel_loop3A_222 = vector.shape_cast %parallel_loop3A_213 : vector<16xf32> to vector<1x16xf32>
          tpu.vector_store %arg12[%parallel_loop3A_218, %parallel_loop3A_219], %parallel_loop3A_222 {strides = array<i32>} : memref<80x128xf32, #tpu.memory_space<vmem>>, vector<1x16xf32>,
          %parallel_loop3A_223 = arith.index_cast %parallel_loop3A_178 : i32 to index
          %parallel_loop3A_224 = arith.constant 16 : index
          %parallel_loop3A_225 = tpu.vector_load %arg14[%parallel_loop3A_223, %parallel_loop3A_224] {strides = array<i32>} : memref<40x128xi32, #tpu.memory_space<vmem>>, vector<1x16xi32>,
          %parallel_loop3A_226 = vector.shape_cast %parallel_loop3A_225 : vector<1x16xi32> to vector<16xi32>
          %parallel_loop3A_227 = arith.constant 16 : i32
          %parallel_loop3A_228 = vector.broadcast %parallel_loop3A_227 : i32 to vector<16xi32>
          %parallel_loop3A_229 = arith.shli %parallel_loop3A_226, %parallel_loop3A_228 : vector<16xi32>
          %parallel_loop3A_230 = tpu.bitcast %parallel_loop3A_229 : vector<16xi32> -> vector<16xf32>
          %parallel_loop3A_231 = arith.constant -65536 : i32
          %parallel_loop3A_232 = vector.broadcast %parallel_loop3A_231 : i32 to vector<16xi32>
          %parallel_loop3A_233 = arith.andi %parallel_loop3A_226, %parallel_loop3A_232 : vector<16xi32>
          %parallel_loop3A_234 = tpu.bitcast %parallel_loop3A_233 : vector<16xi32> -> vector<16xf32>
          %parallel_loop3A_235 = arith.constant 2 : i32
          %parallel_loop3A_236 = arith.muli %parallel_loop3A_235, %parallel_loop3A_178 : i32
          %parallel_loop3A_237 = arith.index_cast %parallel_loop3A_236 : i32 to index
          %parallel_loop3A_238 = arith.constant 16 : index
          %parallel_loop3A_239 = tpu.vector_load %arg12[%parallel_loop3A_237, %parallel_loop3A_238] {strides = array<i32>} : memref<80x128xf32, #tpu.memory_space<vmem>>, vector<1x16xf32>,
          %parallel_loop3A_240 = vector.shape_cast %parallel_loop3A_239 : vector<1x16xf32> to vector<16xf32>
          %parallel_loop3A_241 = arith.mulf %parallel_loop3A_240, %parallel_loop3A_230 : vector<16xf32>
          %parallel_loop3A_242 = arith.constant 2 : i32
          %parallel_loop3A_243 = arith.muli %parallel_loop3A_242, %parallel_loop3A_178 : i32
          %parallel_loop3A_244 = arith.index_cast %parallel_loop3A_243 : i32 to index
          %parallel_loop3A_245 = arith.constant 16 : index
          %parallel_loop3A_246 = tpu.vector_load %arg12[%parallel_loop3A_244, %parallel_loop3A_245] {strides = array<i32>} : memref<80x128xf32, #tpu.memory_space<vmem>>, vector<1x16xf32>,
          %parallel_loop3A_247 = vector.shape_cast %parallel_loop3A_246 : vector<1x16xf32> to vector<16xf32>
          %parallel_loop3A_248 = vector.shape_cast %parallel_loop3A_241 : vector<16xf32> to vector<1x16xf32>
          tpu.vector_store %arg12[%parallel_loop3A_244, %parallel_loop3A_245], %parallel_loop3A_248 {strides = array<i32>} : memref<80x128xf32, #tpu.memory_space<vmem>>, vector<1x16xf32>,
          %parallel_loop3A_249 = arith.constant 2 : i32
          %parallel_loop3A_250 = arith.muli %parallel_loop3A_249, %parallel_loop3A_178 : i32
          %parallel_loop3A_251 = arith.constant 1 : i32
          %parallel_loop3A_252 = arith.addi %parallel_loop3A_250, %parallel_loop3A_251 : i32
          %parallel_loop3A_253 = arith.index_cast %parallel_loop3A_252 : i32 to index
          %parallel_loop3A_254 = arith.constant 16 : index
          %parallel_loop3A_255 = tpu.vector_load %arg12[%parallel_loop3A_253, %parallel_loop3A_254] {strides = array<i32>} : memref<80x128xf32, #tpu.memory_space<vmem>>, vector<1x16xf32>,
          %parallel_loop3A_256 = vector.shape_cast %parallel_loop3A_255 : vector<1x16xf32> to vector<16xf32>
          %parallel_loop3A_257 = arith.mulf %parallel_loop3A_256, %parallel_loop3A_234 : vector<16xf32>
          %parallel_loop3A_258 = arith.constant 2 : i32
          %parallel_loop3A_259 = arith.muli %parallel_loop3A_258, %parallel_loop3A_178 : i32
          %parallel_loop3A_260 = arith.constant 1 : i32
          %parallel_loop3A_261 = arith.addi %parallel_loop3A_259, %parallel_loop3A_260 : i32
          %parallel_loop3A_262 = arith.index_cast %parallel_loop3A_261 : i32 to index
          %parallel_loop3A_263 = arith.constant 16 : index
          %parallel_loop3A_264 = tpu.vector_load %arg12[%parallel_loop3A_262, %parallel_loop3A_263] {strides = array<i32>} : memref<80x128xf32, #tpu.memory_space<vmem>>, vector<1x16xf32>,
          %parallel_loop3A_265 = vector.shape_cast %parallel_loop3A_264 : vector<1x16xf32> to vector<16xf32>
          %parallel_loop3A_266 = vector.shape_cast %parallel_loop3A_257 : vector<16xf32> to vector<1x16xf32>
          tpu.vector_store %arg12[%parallel_loop3A_262, %parallel_loop3A_263], %parallel_loop3A_266 {strides = array<i32>} : memref<80x128xf32, #tpu.memory_space<vmem>>, vector<1x16xf32>,
          %parallel_loop3A_267 = arith.index_cast %parallel_loop3A_178 : i32 to index
          %parallel_loop3A_268 = arith.constant 32 : index
          %parallel_loop3A_269 = tpu.vector_load %arg14[%parallel_loop3A_267, %parallel_loop3A_268] {strides = array<i32>} : memref<40x128xi32, #tpu.memory_space<vmem>>, vector<1x16xi32>,
          %parallel_loop3A_270 = vector.shape_cast %parallel_loop3A_269 : vector<1x16xi32> to vector<16xi32>
          %parallel_loop3A_271 = arith.constant 16 : i32
          %parallel_loop3A_272 = vector.broadcast %parallel_loop3A_271 : i32 to vector<16xi32>
          %parallel_loop3A_273 = arith.shli %parallel_loop3A_270, %parallel_loop3A_272 : vector<16xi32>
          %parallel_loop3A_274 = tpu.bitcast %parallel_loop3A_273 : vector<16xi32> -> vector<16xf32>
          %parallel_loop3A_275 = arith.constant -65536 : i32
          %parallel_loop3A_276 = vector.broadcast %parallel_loop3A_275 : i32 to vector<16xi32>
          %parallel_loop3A_277 = arith.andi %parallel_loop3A_270, %parallel_loop3A_276 : vector<16xi32>
          %parallel_loop3A_278 = tpu.bitcast %parallel_loop3A_277 : vector<16xi32> -> vector<16xf32>
          %parallel_loop3A_279 = arith.constant 2 : i32
          %parallel_loop3A_280 = arith.muli %parallel_loop3A_279, %parallel_loop3A_178 : i32
          %parallel_loop3A_281 = arith.index_cast %parallel_loop3A_280 : i32 to index
          %parallel_loop3A_282 = arith.constant 32 : index
          %parallel_loop3A_283 = tpu.vector_load %arg12[%parallel_loop3A_281, %parallel_loop3A_282] {strides = array<i32>} : memref<80x128xf32, #tpu.memory_space<vmem>>, vector<1x16xf32>,
          %parallel_loop3A_284 = vector.shape_cast %parallel_loop3A_283 : vector<1x16xf32> to vector<16xf32>
          %parallel_loop3A_285 = arith.mulf %parallel_loop3A_284, %parallel_loop3A_274 : vector<16xf32>
          %parallel_loop3A_286 = arith.constant 2 : i32
          %parallel_loop3A_287 = arith.muli %parallel_loop3A_286, %parallel_loop3A_178 : i32
          %parallel_loop3A_288 = arith.index_cast %parallel_loop3A_287 : i32 to index
          %parallel_loop3A_289 = arith.constant 32 : index
          %parallel_loop3A_290 = tpu.vector_load %arg12[%parallel_loop3A_288, %parallel_loop3A_289] {strides = array<i32>} : memref<80x128xf32, #tpu.memory_space<vmem>>, vector<1x16xf32>,
          %parallel_loop3A_291 = vector.shape_cast %parallel_loop3A_290 : vector<1x16xf32> to vector<16xf32>
          %parallel_loop3A_292 = vector.shape_cast %parallel_loop3A_285 : vector<16xf32> to vector<1x16xf32>
          tpu.vector_store %arg12[%parallel_loop3A_288, %parallel_loop3A_289], %parallel_loop3A_292 {strides = array<i32>} : memref<80x128xf32, #tpu.memory_space<vmem>>, vector<1x16xf32>,
          %parallel_loop3A_293 = arith.constant 2 : i32
          %parallel_loop3A_294 = arith.muli %parallel_loop3A_293, %parallel_loop3A_178 : i32
          %parallel_loop3A_295 = arith.constant 1 : i32
          %parallel_loop3A_296 = arith.addi %parallel_loop3A_294, %parallel_loop3A_295 : i32
          %parallel_loop3A_297 = arith.index_cast %parallel_loop3A_296 : i32 to index
          %parallel_loop3A_298 = arith.constant 32 : index
          %parallel_loop3A_299 = tpu.vector_load %arg12[%parallel_loop3A_297, %parallel_loop3A_298] {strides = array<i32>} : memref<80x128xf32, #tpu.memory_space<vmem>>, vector<1x16xf32>,
          %parallel_loop3A_300 = vector.shape_cast %parallel_loop3A_299 : vector<1x16xf32> to vector<16xf32>
          %parallel_loop3A_301 = arith.mulf %parallel_loop3A_300, %parallel_loop3A_278 : vector<16xf32>
          %parallel_loop3A_302 = arith.constant 2 : i32
          %parallel_loop3A_303 = arith.muli %parallel_loop3A_302, %parallel_loop3A_178 : i32
          %parallel_loop3A_304 = arith.constant 1 : i32
          %parallel_loop3A_305 = arith.addi %parallel_loop3A_303, %parallel_loop3A_304 : i32
          %parallel_loop3A_306 = arith.index_cast %parallel_loop3A_305 : i32 to index
          %parallel_loop3A_307 = arith.constant 32 : index
          %parallel_loop3A_308 = tpu.vector_load %arg12[%parallel_loop3A_306, %parallel_loop3A_307] {strides = array<i32>} : memref<80x128xf32, #tpu.memory_space<vmem>>, vector<1x16xf32>,
          %parallel_loop3A_309 = vector.shape_cast %parallel_loop3A_308 : vector<1x16xf32> to vector<16xf32>
          %parallel_loop3A_310 = vector.shape_cast %parallel_loop3A_301 : vector<16xf32> to vector<1x16xf32>
          tpu.vector_store %arg12[%parallel_loop3A_306, %parallel_loop3A_307], %parallel_loop3A_310 {strides = array<i32>} : memref<80x128xf32, #tpu.memory_space<vmem>>, vector<1x16xf32>,
          %parallel_loop3A_311 = arith.index_cast %parallel_loop3A_178 : i32 to index
          %parallel_loop3A_312 = arith.constant 48 : index
          %parallel_loop3A_313 = tpu.vector_load %arg14[%parallel_loop3A_311, %parallel_loop3A_312] {strides = array<i32>} : memref<40x128xi32, #tpu.memory_space<vmem>>, vector<1x16xi32>,
          %parallel_loop3A_314 = vector.shape_cast %parallel_loop3A_313 : vector<1x16xi32> to vector<16xi32>
          %parallel_loop3A_315 = arith.constant 16 : i32
          %parallel_loop3A_316 = vector.broadcast %parallel_loop3A_315 : i32 to vector<16xi32>
          %parallel_loop3A_317 = arith.shli %parallel_loop3A_314, %parallel_loop3A_316 : vector<16xi32>
          %parallel_loop3A_318 = tpu.bitcast %parallel_loop3A_317 : vector<16xi32> -> vector<16xf32>
          %parallel_loop3A_319 = arith.constant -65536 : i32
          %parallel_loop3A_320 = vector.broadcast %parallel_loop3A_319 : i32 to vector<16xi32>
          %parallel_loop3A_321 = arith.andi %parallel_loop3A_314, %parallel_loop3A_320 : vector<16xi32>
          %parallel_loop3A_322 = tpu.bitcast %parallel_loop3A_321 : vector<16xi32> -> vector<16xf32>
          %parallel_loop3A_323 = arith.constant 2 : i32
          %parallel_loop3A_324 = arith.muli %parallel_loop3A_323, %parallel_loop3A_178 : i32
          %parallel_loop3A_325 = arith.index_cast %parallel_loop3A_324 : i32 to index
          %parallel_loop3A_326 = arith.constant 48 : index
          %parallel_loop3A_327 = tpu.vector_load %arg12[%parallel_loop3A_325, %parallel_loop3A_326] {strides = array<i32>} : memref<80x128xf32, #tpu.memory_space<vmem>>, vector<1x16xf32>,
          %parallel_loop3A_328 = vector.shape_cast %parallel_loop3A_327 : vector<1x16xf32> to vector<16xf32>
          %parallel_loop3A_329 = arith.mulf %parallel_loop3A_328, %parallel_loop3A_318 : vector<16xf32>
          %parallel_loop3A_330 = arith.constant 2 : i32
          %parallel_loop3A_331 = arith.muli %parallel_loop3A_330, %parallel_loop3A_178 : i32
          %parallel_loop3A_332 = arith.index_cast %parallel_loop3A_331 : i32 to index
          %parallel_loop3A_333 = arith.constant 48 : index
          %parallel_loop3A_334 = tpu.vector_load %arg12[%parallel_loop3A_332, %parallel_loop3A_333] {strides = array<i32>} : memref<80x128xf32, #tpu.memory_space<vmem>>, vector<1x16xf32>,
          %parallel_loop3A_335 = vector.shape_cast %parallel_loop3A_334 : vector<1x16xf32> to vector<16xf32>
          %parallel_loop3A_336 = vector.shape_cast %parallel_loop3A_329 : vector<16xf32> to vector<1x16xf32>
          tpu.vector_store %arg12[%parallel_loop3A_332, %parallel_loop3A_333], %parallel_loop3A_336 {strides = array<i32>} : memref<80x128xf32, #tpu.memory_space<vmem>>, vector<1x16xf32>,
          %parallel_loop3A_337 = arith.constant 2 : i32
          %parallel_loop3A_338 = arith.muli %parallel_loop3A_337, %parallel_loop3A_178 : i32
          %parallel_loop3A_339 = arith.constant 1 : i32
          %parallel_loop3A_340 = arith.addi %parallel_loop3A_338, %parallel_loop3A_339 : i32
          %parallel_loop3A_341 = arith.index_cast %parallel_loop3A_340 : i32 to index
          %parallel_loop3A_342 = arith.constant 48 : index
          %parallel_loop3A_343 = tpu.vector_load %arg12[%parallel_loop3A_341, %parallel_loop3A_342] {strides = array<i32>} : memref<80x128xf32, #tpu.memory_space<vmem>>, vector<1x16xf32>,
          %parallel_loop3A_344 = vector.shape_cast %parallel_loop3A_343 : vector<1x16xf32> to vector<16xf32>
          %parallel_loop3A_345 = arith.mulf %parallel_loop3A_344, %parallel_loop3A_322 : vector<16xf32>
          %parallel_loop3A_346 = arith.constant 2 : i32
          %parallel_loop3A_347 = arith.muli %parallel_loop3A_346, %parallel_loop3A_178 : i32
          %parallel_loop3A_348 = arith.constant 1 : i32
          %parallel_loop3A_349 = arith.addi %parallel_loop3A_347, %parallel_loop3A_348 : i32
          %parallel_loop3A_350 = arith.index_cast %parallel_loop3A_349 : i32 to index
          %parallel_loop3A_351 = arith.constant 48 : index
          %parallel_loop3A_352 = tpu.vector_load %arg12[%parallel_loop3A_350, %parallel_loop3A_351] {strides = array<i32>} : memref<80x128xf32, #tpu.memory_space<vmem>>, vector<1x16xf32>,
          %parallel_loop3A_353 = vector.shape_cast %parallel_loop3A_352 : vector<1x16xf32> to vector<16xf32>
          %parallel_loop3A_354 = vector.shape_cast %parallel_loop3A_345 : vector<16xf32> to vector<1x16xf32>
          tpu.vector_store %arg12[%parallel_loop3A_350, %parallel_loop3A_351], %parallel_loop3A_354 {strides = array<i32>} : memref<80x128xf32, #tpu.memory_space<vmem>>, vector<1x16xf32>,
          %parallel_loop3A_355 = arith.index_cast %parallel_loop3A_178 : i32 to index
          %parallel_loop3A_356 = arith.constant 64 : index
          %parallel_loop3A_357 = tpu.vector_load %arg14[%parallel_loop3A_355, %parallel_loop3A_356] {strides = array<i32>} : memref<40x128xi32, #tpu.memory_space<vmem>>, vector<1x16xi32>,
          %parallel_loop3A_358 = vector.shape_cast %parallel_loop3A_357 : vector<1x16xi32> to vector<16xi32>
          %parallel_loop3A_359 = arith.constant 16 : i32
          %parallel_loop3A_360 = vector.broadcast %parallel_loop3A_359 : i32 to vector<16xi32>
          %parallel_loop3A_361 = arith.shli %parallel_loop3A_358, %parallel_loop3A_360 : vector<16xi32>
          %parallel_loop3A_362 = tpu.bitcast %parallel_loop3A_361 : vector<16xi32> -> vector<16xf32>
          %parallel_loop3A_363 = arith.constant -65536 : i32
          %parallel_loop3A_364 = vector.broadcast %parallel_loop3A_363 : i32 to vector<16xi32>
          %parallel_loop3A_365 = arith.andi %parallel_loop3A_358, %parallel_loop3A_364 : vector<16xi32>
          %parallel_loop3A_366 = tpu.bitcast %parallel_loop3A_365 : vector<16xi32> -> vector<16xf32>
          %parallel_loop3A_367 = arith.constant 2 : i32
          %parallel_loop3A_368 = arith.muli %parallel_loop3A_367, %parallel_loop3A_178 : i32
          %parallel_loop3A_369 = arith.index_cast %parallel_loop3A_368 : i32 to index
          %parallel_loop3A_370 = arith.constant 64 : index
          %parallel_loop3A_371 = tpu.vector_load %arg12[%parallel_loop3A_369, %parallel_loop3A_370] {strides = array<i32>} : memref<80x128xf32, #tpu.memory_space<vmem>>, vector<1x16xf32>,
          %parallel_loop3A_372 = vector.shape_cast %parallel_loop3A_371 : vector<1x16xf32> to vector<16xf32>
          %parallel_loop3A_373 = arith.mulf %parallel_loop3A_372, %parallel_loop3A_362 : vector<16xf32>
          %parallel_loop3A_374 = arith.constant 2 : i32
          %parallel_loop3A_375 = arith.muli %parallel_loop3A_374, %parallel_loop3A_178 : i32
          %parallel_loop3A_376 = arith.index_cast %parallel_loop3A_375 : i32 to index
          %parallel_loop3A_377 = arith.constant 64 : index
          %parallel_loop3A_378 = tpu.vector_load %arg12[%parallel_loop3A_376, %parallel_loop3A_377] {strides = array<i32>} : memref<80x128xf32, #tpu.memory_space<vmem>>, vector<1x16xf32>,
          %parallel_loop3A_379 = vector.shape_cast %parallel_loop3A_378 : vector<1x16xf32> to vector<16xf32>
          %parallel_loop3A_380 = vector.shape_cast %parallel_loop3A_373 : vector<16xf32> to vector<1x16xf32>
          tpu.vector_store %arg12[%parallel_loop3A_376, %parallel_loop3A_377], %parallel_loop3A_380 {strides = array<i32>} : memref<80x128xf32, #tpu.memory_space<vmem>>, vector<1x16xf32>,
          %parallel_loop3A_381 = arith.constant 2 : i32
          %parallel_loop3A_382 = arith.muli %parallel_loop3A_381, %parallel_loop3A_178 : i32
          %parallel_loop3A_383 = arith.constant 1 : i32
          %parallel_loop3A_384 = arith.addi %parallel_loop3A_382, %parallel_loop3A_383 : i32
          %parallel_loop3A_385 = arith.index_cast %parallel_loop3A_384 : i32 to index
          %parallel_loop3A_386 = arith.constant 64 : index
          %parallel_loop3A_387 = tpu.vector_load %arg12[%parallel_loop3A_385, %parallel_loop3A_386] {strides = array<i32>} : memref<80x128xf32, #tpu.memory_space<vmem>>, vector<1x16xf32>,
          %parallel_loop3A_388 = vector.shape_cast %parallel_loop3A_387 : vector<1x16xf32> to vector<16xf32>
          %parallel_loop3A_389 = arith.mulf %parallel_loop3A_388, %parallel_loop3A_366 : vector<16xf32>
          %parallel_loop3A_390 = arith.constant 2 : i32
          %parallel_loop3A_391 = arith.muli %parallel_loop3A_390, %parallel_loop3A_178 : i32
          %parallel_loop3A_392 = arith.constant 1 : i32
          %parallel_loop3A_393 = arith.addi %parallel_loop3A_391, %parallel_loop3A_392 : i32
          %parallel_loop3A_394 = arith.index_cast %parallel_loop3A_393 : i32 to index
          %parallel_loop3A_395 = arith.constant 64 : index
          %parallel_loop3A_396 = tpu.vector_load %arg12[%parallel_loop3A_394, %parallel_loop3A_395] {strides = array<i32>} : memref<80x128xf32, #tpu.memory_space<vmem>>, vector<1x16xf32>,
          %parallel_loop3A_397 = vector.shape_cast %parallel_loop3A_396 : vector<1x16xf32> to vector<16xf32>
          %parallel_loop3A_398 = vector.shape_cast %parallel_loop3A_389 : vector<16xf32> to vector<1x16xf32>
          tpu.vector_store %arg12[%parallel_loop3A_394, %parallel_loop3A_395], %parallel_loop3A_398 {strides = array<i32>} : memref<80x128xf32, #tpu.memory_space<vmem>>, vector<1x16xf32>,
          %parallel_loop3A_399 = arith.index_cast %parallel_loop3A_178 : i32 to index
          %parallel_loop3A_400 = arith.constant 80 : index
          %parallel_loop3A_401 = tpu.vector_load %arg14[%parallel_loop3A_399, %parallel_loop3A_400] {strides = array<i32>} : memref<40x128xi32, #tpu.memory_space<vmem>>, vector<1x16xi32>,
          %parallel_loop3A_402 = vector.shape_cast %parallel_loop3A_401 : vector<1x16xi32> to vector<16xi32>
          %parallel_loop3A_403 = arith.constant 16 : i32
          %parallel_loop3A_404 = vector.broadcast %parallel_loop3A_403 : i32 to vector<16xi32>
          %parallel_loop3A_405 = arith.shli %parallel_loop3A_402, %parallel_loop3A_404 : vector<16xi32>
          %parallel_loop3A_406 = tpu.bitcast %parallel_loop3A_405 : vector<16xi32> -> vector<16xf32>
          %parallel_loop3A_407 = arith.constant -65536 : i32
          %parallel_loop3A_408 = vector.broadcast %parallel_loop3A_407 : i32 to vector<16xi32>
          %parallel_loop3A_409 = arith.andi %parallel_loop3A_402, %parallel_loop3A_408 : vector<16xi32>
          %parallel_loop3A_410 = tpu.bitcast %parallel_loop3A_409 : vector<16xi32> -> vector<16xf32>
          %parallel_loop3A_411 = arith.constant 2 : i32
          %parallel_loop3A_412 = arith.muli %parallel_loop3A_411, %parallel_loop3A_178 : i32
          %parallel_loop3A_413 = arith.index_cast %parallel_loop3A_412 : i32 to index
          %parallel_loop3A_414 = arith.constant 80 : index
          %parallel_loop3A_415 = tpu.vector_load %arg12[%parallel_loop3A_413, %parallel_loop3A_414] {strides = array<i32>} : memref<80x128xf32, #tpu.memory_space<vmem>>, vector<1x16xf32>,
          %parallel_loop3A_416 = vector.shape_cast %parallel_loop3A_415 : vector<1x16xf32> to vector<16xf32>
          %parallel_loop3A_417 = arith.mulf %parallel_loop3A_416, %parallel_loop3A_406 : vector<16xf32>
          %parallel_loop3A_418 = arith.constant 2 : i32
          %parallel_loop3A_419 = arith.muli %parallel_loop3A_418, %parallel_loop3A_178 : i32
          %parallel_loop3A_420 = arith.index_cast %parallel_loop3A_419 : i32 to index
          %parallel_loop3A_421 = arith.constant 80 : index
          %parallel_loop3A_422 = tpu.vector_load %arg12[%parallel_loop3A_420, %parallel_loop3A_421] {strides = array<i32>} : memref<80x128xf32, #tpu.memory_space<vmem>>, vector<1x16xf32>,
          %parallel_loop3A_423 = vector.shape_cast %parallel_loop3A_422 : vector<1x16xf32> to vector<16xf32>
          %parallel_loop3A_424 = vector.shape_cast %parallel_loop3A_417 : vector<16xf32> to vector<1x16xf32>
          tpu.vector_store %arg12[%parallel_loop3A_420, %parallel_loop3A_421], %parallel_loop3A_424 {strides = array<i32>} : memref<80x128xf32, #tpu.memory_space<vmem>>, vector<1x16xf32>,
          %parallel_loop3A_425 = arith.constant 2 : i32
          %parallel_loop3A_426 = arith.muli %parallel_loop3A_425, %parallel_loop3A_178 : i32
          %parallel_loop3A_427 = arith.constant 1 : i32
          %parallel_loop3A_428 = arith.addi %parallel_loop3A_426, %parallel_loop3A_427 : i32
          %parallel_loop3A_429 = arith.index_cast %parallel_loop3A_428 : i32 to index
          %parallel_loop3A_430 = arith.constant 80 : index
          %parallel_loop3A_431 = tpu.vector_load %arg12[%parallel_loop3A_429, %parallel_loop3A_430] {strides = array<i32>} : memref<80x128xf32, #tpu.memory_space<vmem>>, vector<1x16xf32>,
          %parallel_loop3A_432 = vector.shape_cast %parallel_loop3A_431 : vector<1x16xf32> to vector<16xf32>
          %parallel_loop3A_433 = arith.mulf %parallel_loop3A_432, %parallel_loop3A_410 : vector<16xf32>
          %parallel_loop3A_434 = arith.constant 2 : i32
          %parallel_loop3A_435 = arith.muli %parallel_loop3A_434, %parallel_loop3A_178 : i32
          %parallel_loop3A_436 = arith.constant 1 : i32
          %parallel_loop3A_437 = arith.addi %parallel_loop3A_435, %parallel_loop3A_436 : i32
          %parallel_loop3A_438 = arith.index_cast %parallel_loop3A_437 : i32 to index
          %parallel_loop3A_439 = arith.constant 80 : index
          %parallel_loop3A_440 = tpu.vector_load %arg12[%parallel_loop3A_438, %parallel_loop3A_439] {strides = array<i32>} : memref<80x128xf32, #tpu.memory_space<vmem>>, vector<1x16xf32>,
          %parallel_loop3A_441 = vector.shape_cast %parallel_loop3A_440 : vector<1x16xf32> to vector<16xf32>
          %parallel_loop3A_442 = vector.shape_cast %parallel_loop3A_433 : vector<16xf32> to vector<1x16xf32>
          tpu.vector_store %arg12[%parallel_loop3A_438, %parallel_loop3A_439], %parallel_loop3A_442 {strides = array<i32>} : memref<80x128xf32, #tpu.memory_space<vmem>>, vector<1x16xf32>,
          %parallel_loop3A_443 = arith.index_cast %parallel_loop3A_178 : i32 to index
          %parallel_loop3A_444 = arith.constant 96 : index
          %parallel_loop3A_445 = tpu.vector_load %arg14[%parallel_loop3A_443, %parallel_loop3A_444] {strides = array<i32>} : memref<40x128xi32, #tpu.memory_space<vmem>>, vector<1x16xi32>,
          %parallel_loop3A_446 = vector.shape_cast %parallel_loop3A_445 : vector<1x16xi32> to vector<16xi32>
          %parallel_loop3A_447 = arith.constant 16 : i32
          %parallel_loop3A_448 = vector.broadcast %parallel_loop3A_447 : i32 to vector<16xi32>
          %parallel_loop3A_449 = arith.shli %parallel_loop3A_446, %parallel_loop3A_448 : vector<16xi32>
          %parallel_loop3A_450 = tpu.bitcast %parallel_loop3A_449 : vector<16xi32> -> vector<16xf32>
          %parallel_loop3A_451 = arith.constant -65536 : i32
          %parallel_loop3A_452 = vector.broadcast %parallel_loop3A_451 : i32 to vector<16xi32>
          %parallel_loop3A_453 = arith.andi %parallel_loop3A_446, %parallel_loop3A_452 : vector<16xi32>
          %parallel_loop3A_454 = tpu.bitcast %parallel_loop3A_453 : vector<16xi32> -> vector<16xf32>
          %parallel_loop3A_455 = arith.constant 2 : i32
          %parallel_loop3A_456 = arith.muli %parallel_loop3A_455, %parallel_loop3A_178 : i32
          %parallel_loop3A_457 = arith.index_cast %parallel_loop3A_456 : i32 to index
          %parallel_loop3A_458 = arith.constant 96 : index
          %parallel_loop3A_459 = tpu.vector_load %arg12[%parallel_loop3A_457, %parallel_loop3A_458] {strides = array<i32>} : memref<80x128xf32, #tpu.memory_space<vmem>>, vector<1x16xf32>,
          %parallel_loop3A_460 = vector.shape_cast %parallel_loop3A_459 : vector<1x16xf32> to vector<16xf32>
          %parallel_loop3A_461 = arith.mulf %parallel_loop3A_460, %parallel_loop3A_450 : vector<16xf32>
          %parallel_loop3A_462 = arith.constant 2 : i32
          %parallel_loop3A_463 = arith.muli %parallel_loop3A_462, %parallel_loop3A_178 : i32
          %parallel_loop3A_464 = arith.index_cast %parallel_loop3A_463 : i32 to index
          %parallel_loop3A_465 = arith.constant 96 : index
          %parallel_loop3A_466 = tpu.vector_load %arg12[%parallel_loop3A_464, %parallel_loop3A_465] {strides = array<i32>} : memref<80x128xf32, #tpu.memory_space<vmem>>, vector<1x16xf32>,
          %parallel_loop3A_467 = vector.shape_cast %parallel_loop3A_466 : vector<1x16xf32> to vector<16xf32>
          %parallel_loop3A_468 = vector.shape_cast %parallel_loop3A_461 : vector<16xf32> to vector<1x16xf32>
          tpu.vector_store %arg12[%parallel_loop3A_464, %parallel_loop3A_465], %parallel_loop3A_468 {strides = array<i32>} : memref<80x128xf32, #tpu.memory_space<vmem>>, vector<1x16xf32>,
          %parallel_loop3A_469 = arith.constant 2 : i32
          %parallel_loop3A_470 = arith.muli %parallel_loop3A_469, %parallel_loop3A_178 : i32
          %parallel_loop3A_471 = arith.constant 1 : i32
          %parallel_loop3A_472 = arith.addi %parallel_loop3A_470, %parallel_loop3A_471 : i32
          %parallel_loop3A_473 = arith.index_cast %parallel_loop3A_472 : i32 to index
          %parallel_loop3A_474 = arith.constant 96 : index
          %parallel_loop3A_475 = tpu.vector_load %arg12[%parallel_loop3A_473, %parallel_loop3A_474] {strides = array<i32>} : memref<80x128xf32, #tpu.memory_space<vmem>>, vector<1x16xf32>,
          %parallel_loop3A_476 = vector.shape_cast %parallel_loop3A_475 : vector<1x16xf32> to vector<16xf32>
          %parallel_loop3A_477 = arith.mulf %parallel_loop3A_476, %parallel_loop3A_454 : vector<16xf32>
          %parallel_loop3A_478 = arith.constant 2 : i32
          %parallel_loop3A_479 = arith.muli %parallel_loop3A_478, %parallel_loop3A_178 : i32
          %parallel_loop3A_480 = arith.constant 1 : i32
          %parallel_loop3A_481 = arith.addi %parallel_loop3A_479, %parallel_loop3A_480 : i32
          %parallel_loop3A_482 = arith.index_cast %parallel_loop3A_481 : i32 to index
          %parallel_loop3A_483 = arith.constant 96 : index
          %parallel_loop3A_484 = tpu.vector_load %arg12[%parallel_loop3A_482, %parallel_loop3A_483] {strides = array<i32>} : memref<80x128xf32, #tpu.memory_space<vmem>>, vector<1x16xf32>,
          %parallel_loop3A_485 = vector.shape_cast %parallel_loop3A_484 : vector<1x16xf32> to vector<16xf32>
          %parallel_loop3A_486 = vector.shape_cast %parallel_loop3A_477 : vector<16xf32> to vector<1x16xf32>
          tpu.vector_store %arg12[%parallel_loop3A_482, %parallel_loop3A_483], %parallel_loop3A_486 {strides = array<i32>} : memref<80x128xf32, #tpu.memory_space<vmem>>, vector<1x16xf32>,
          %parallel_loop3A_487 = arith.index_cast %parallel_loop3A_178 : i32 to index
          %parallel_loop3A_488 = arith.constant 112 : index
          %parallel_loop3A_489 = tpu.vector_load %arg14[%parallel_loop3A_487, %parallel_loop3A_488] {strides = array<i32>} : memref<40x128xi32, #tpu.memory_space<vmem>>, vector<1x16xi32>,
          %parallel_loop3A_490 = vector.shape_cast %parallel_loop3A_489 : vector<1x16xi32> to vector<16xi32>
          %parallel_loop3A_491 = arith.constant 16 : i32
          %parallel_loop3A_492 = vector.broadcast %parallel_loop3A_491 : i32 to vector<16xi32>
          %parallel_loop3A_493 = arith.shli %parallel_loop3A_490, %parallel_loop3A_492 : vector<16xi32>
          %parallel_loop3A_494 = tpu.bitcast %parallel_loop3A_493 : vector<16xi32> -> vector<16xf32>
          %parallel_loop3A_495 = arith.constant -65536 : i32
          %parallel_loop3A_496 = vector.broadcast %parallel_loop3A_495 : i32 to vector<16xi32>
          %parallel_loop3A_497 = arith.andi %parallel_loop3A_490, %parallel_loop3A_496 : vector<16xi32>
          %parallel_loop3A_498 = tpu.bitcast %parallel_loop3A_497 : vector<16xi32> -> vector<16xf32>
          %parallel_loop3A_499 = arith.constant 2 : i32
          %parallel_loop3A_500 = arith.muli %parallel_loop3A_499, %parallel_loop3A_178 : i32
          %parallel_loop3A_501 = arith.index_cast %parallel_loop3A_500 : i32 to index
          %parallel_loop3A_502 = arith.constant 112 : index
          %parallel_loop3A_503 = tpu.vector_load %arg12[%parallel_loop3A_501, %parallel_loop3A_502] {strides = array<i32>} : memref<80x128xf32, #tpu.memory_space<vmem>>, vector<1x16xf32>,
          %parallel_loop3A_504 = vector.shape_cast %parallel_loop3A_503 : vector<1x16xf32> to vector<16xf32>
          %parallel_loop3A_505 = arith.mulf %parallel_loop3A_504, %parallel_loop3A_494 : vector<16xf32>
          %parallel_loop3A_506 = arith.constant 2 : i32
          %parallel_loop3A_507 = arith.muli %parallel_loop3A_506, %parallel_loop3A_178 : i32
          %parallel_loop3A_508 = arith.index_cast %parallel_loop3A_507 : i32 to index
          %parallel_loop3A_509 = arith.constant 112 : index
          %parallel_loop3A_510 = tpu.vector_load %arg12[%parallel_loop3A_508, %parallel_loop3A_509] {strides = array<i32>} : memref<80x128xf32, #tpu.memory_space<vmem>>, vector<1x16xf32>,
          %parallel_loop3A_511 = vector.shape_cast %parallel_loop3A_510 : vector<1x16xf32> to vector<16xf32>
          %parallel_loop3A_512 = vector.shape_cast %parallel_loop3A_505 : vector<16xf32> to vector<1x16xf32>
          tpu.vector_store %arg12[%parallel_loop3A_508, %parallel_loop3A_509], %parallel_loop3A_512 {strides = array<i32>} : memref<80x128xf32, #tpu.memory_space<vmem>>, vector<1x16xf32>,
          %parallel_loop3A_513 = arith.constant 2 : i32
          %parallel_loop3A_514 = arith.muli %parallel_loop3A_513, %parallel_loop3A_178 : i32
          %parallel_loop3A_515 = arith.constant 1 : i32
          %parallel_loop3A_516 = arith.addi %parallel_loop3A_514, %parallel_loop3A_515 : i32
          %parallel_loop3A_517 = arith.index_cast %parallel_loop3A_516 : i32 to index
          %parallel_loop3A_518 = arith.constant 112 : index
          %parallel_loop3A_519 = tpu.vector_load %arg12[%parallel_loop3A_517, %parallel_loop3A_518] {strides = array<i32>} : memref<80x128xf32, #tpu.memory_space<vmem>>, vector<1x16xf32>,
          %parallel_loop3A_520 = vector.shape_cast %parallel_loop3A_519 : vector<1x16xf32> to vector<16xf32>
          %parallel_loop3A_521 = arith.mulf %parallel_loop3A_520, %parallel_loop3A_498 : vector<16xf32>
          %parallel_loop3A_522 = arith.constant 2 : i32
          %parallel_loop3A_523 = arith.muli %parallel_loop3A_522, %parallel_loop3A_178 : i32
          %parallel_loop3A_524 = arith.constant 1 : i32
          %parallel_loop3A_525 = arith.addi %parallel_loop3A_523, %parallel_loop3A_524 : i32
          %parallel_loop3A_526 = arith.index_cast %parallel_loop3A_525 : i32 to index
          %parallel_loop3A_527 = arith.constant 112 : index
          %parallel_loop3A_528 = tpu.vector_load %arg12[%parallel_loop3A_526, %parallel_loop3A_527] {strides = array<i32>} : memref<80x128xf32, #tpu.memory_space<vmem>>, vector<1x16xf32>,
          %parallel_loop3A_529 = vector.shape_cast %parallel_loop3A_528 : vector<1x16xf32> to vector<16xf32>
          %parallel_loop3A_530 = vector.shape_cast %parallel_loop3A_521 : vector<16xf32> to vector<1x16xf32>
          tpu.vector_store %arg12[%parallel_loop3A_526, %parallel_loop3A_527], %parallel_loop3A_530 {strides = array<i32>} : memref<80x128xf32, #tpu.memory_space<vmem>>, vector<1x16xf32>,
        } {sc.loop_unroll_factor = 4 : i64, sc.parallel_access}
        "tpu.region"() ({
          %run_scoped3A = tpu.sem_alloc : memref<!tpu.dma_semaphore, #tpu.memory_space<semaphore_mem>>
          %dma_start3A_178 = arith.constant 0 : i32
          %dma_start3A_179 = arith.constant 0 : i32
          %dma_start3A_180 = tpu.memref_slice %arg15[%dma_start3A_178, %dma_start3A_179] : memref<10000x128xf32, #tpu.memory_space<vmem_shared>> -> memref<10000x128xf32, #tpu.memory_space<vmem_shared>>
          tpu.enqueue_indirect_dma source(%arg12 : memref<80x128xf32, #tpu.memory_space<vmem>>) target(%dma_start3A_180 : memref<10000x128xf32, #tpu.memory_space<vmem_shared>>) offsets(%arg10 : memref<80xi32, #tpu.memory_space<vmem>>) semaphore(%run_scoped3A : memref<!tpu.dma_semaphore, #tpu.memory_space<semaphore_mem>>) {add = true}
          %dma_wait3A_181 = arith.constant 0 : i32
          %dma_wait3A_182 = arith.constant 0 : i32
          %dma_wait3A_183 = tpu.memref_slice %arg15[%dma_wait3A_181, %dma_wait3A_182] : memref<10000x128xf32, #tpu.memory_space<vmem_shared>> -> memref<10000x128xf32, #tpu.memory_space<vmem_shared>>
          tpu.wait_indirect_dma semaphore(%run_scoped3A : memref<!tpu.dma_semaphore, #tpu.memory_space<semaphore_mem>>) src(%arg12 : memref<80x128xf32, #tpu.memory_space<vmem>>) dst(%dma_wait3A_183 : memref<10000x128xf32, #tpu.memory_space<vmem_shared>>)
          tpu.yield
        }) : () -> ()
        %add3A_171 = arith.constant 2 : i32
        %add3A_172 = arith.addi %scan3A_117, %add3A_171 : i32
        %lt3A_173 = arith.constant 125 : i32
        %lt3A_174 = arith.cmpi slt, %add3A_172, %lt3A_173 : i32
        %convert_element_type3A_175 = arith.extui %lt3A_174 : i1 to i32
        %cond3A_176 = arith.constant 0 : i32
        %cond3A_177 = arith.cmpi ne, %convert_element_type3A_175, %cond3A_176 : i32
        scf.if %cond3A_177 {
          %add3A_178 = arith.constant 2 : i32
          %add3A_179 = arith.addi %scan3A_117, %add3A_178 : i32
          %mul3A_180 = arith.constant 80 : i32
          %mul3A_181 = arith.muli %add3A_179, %mul3A_180 : i32
          %add3A_182 = arith.addi %mul3A_2, %mul3A_181 : i32
          %dma_start3A_183 = tpu.memref_slice %arg3[%add3A_182] : memref<320000xi32, #tpu.memory_space<hbm>> -> memref<80xi32, #tpu.memory_space<hbm>>
          %dma_start3A_184 = tpu.memref_slice %arg3[%add3A_182] : memref<320000xi32, #tpu.memory_space<hbm>> -> memref<80xi32, #tpu.memory_space<hbm>>
          tpu.enqueue_dma source(%dma_start3A_184 : memref<80xi32, #tpu.memory_space<hbm>>) target(%arg8 : memref<80xi32, #tpu.memory_space<vmem>>) target_semaphore(%arg21 : memref<!tpu.dma_semaphore, #tpu.memory_space<semaphore_mem>>)
          %dma_start3A_185 = tpu.memref_slice %arg4[%add3A_182] : memref<320000xi32, #tpu.memory_space<hbm>> -> memref<80xi32, #tpu.memory_space<hbm>>
          %dma_start3A_186 = tpu.memref_slice %arg4[%add3A_182] : memref<320000xi32, #tpu.memory_space<hbm>> -> memref<80xi32, #tpu.memory_space<hbm>>
          tpu.enqueue_dma source(%dma_start3A_186 : memref<80xi32, #tpu.memory_space<hbm>>) target(%arg10 : memref<80xi32, #tpu.memory_space<vmem>>) target_semaphore(%arg21 : memref<!tpu.dma_semaphore, #tpu.memory_space<semaphore_mem>>)
        } else {
        }
      } else {
      }
      %scan3A_155 = arith.constant 0 : i32
      scf.yield %scan3A_155 : i32
    }
    %scan3A_87 = arith.constant 125 : i32
    %barrier3A_88 = arith.constant 0 : index
    tpu.barrier barrier_id(%barrier3A_88)
    %add3A_89 = arith.constant 0 : i32
    %add3A_90 = arith.addi %add3A_89, %arg1 : i32
    %lt3A_91 = arith.constant 50 : i32
    %lt3A_92 = arith.cmpi slt, %add3A_90, %lt3A_91 : i32
    %convert_element_type3A_93 = arith.extui %lt3A_92 : i1 to i32
    %cond3A_94 = arith.constant 0 : i32
    %cond3A_95 = arith.cmpi ne, %convert_element_type3A_93, %cond3A_94 : i32
    scf.if %cond3A_95 {
      %mul3A_117 = arith.constant 200 : i32
      %mul3A_118 = arith.muli %add3A_90, %mul3A_117 : i32
      %mul3A_119 = arith.constant 10000 : i32
      %mul3A_120 = arith.muli %arg0, %mul3A_119 : i32
      %add3A_121 = arith.addi %mul3A_120, %mul3A_118 : i32
      "tpu.region"() ({
        %run_scoped3A = tpu.sem_alloc : memref<!tpu.dma_semaphore, #tpu.memory_space<semaphore_mem>>
        %dma_start3A_122 = arith.constant 0 : i32
        %dma_start3A_123 = tpu.memref_slice %arg6[%add3A_121, %dma_start3A_122] : memref<20000x128xf32, #tpu.memory_space<hbm>> -> memref<200x128xf32, #tpu.memory_space<hbm>>
        %dma_start3A_124 = arith.constant 0 : i32
        %dma_start3A_125 = tpu.memref_slice %arg15[%mul3A_118, %dma_start3A_124] : memref<10000x128xf32, #tpu.memory_space<vmem_shared>> -> memref<200x128xf32, #tpu.memory_space<vmem_shared>>
        tpu.enqueue_dma source(%dma_start3A_125 : memref<200x128xf32, #tpu.memory_space<vmem_shared>>) target(%dma_start3A_123 : memref<200x128xf32, #tpu.memory_space<hbm>>) target_semaphore(%run_scoped3A : memref<!tpu.dma_semaphore, #tpu.memory_space<semaphore_mem>>)
        %dma_wait3A = arith.constant 0 : i32
        %dma_wait3A_126 = tpu.memref_slice %arg6[%add3A_121, %dma_wait3A] : memref<20000x128xf32, #tpu.memory_space<hbm>> -> memref<200x128xf32, #tpu.memory_space<hbm>>
        %dma_wait3A_127 = arith.constant 0 : i32
        %dma_wait3A_128 = tpu.memref_slice %arg15[%mul3A_118, %dma_wait3A_127] : memref<10000x128xf32, #tpu.memory_space<vmem_shared>> -> memref<200x128xf32, #tpu.memory_space<vmem_shared>>
        tpu.wait_dma2 semaphore(%run_scoped3A : memref<!tpu.dma_semaphore, #tpu.memory_space<semaphore_mem>>) src(%dma_wait3A_128 : memref<200x128xf32, #tpu.memory_space<vmem_shared>>) dst(%dma_wait3A_126 : memref<200x128xf32, #tpu.memory_space<hbm>>)
        tpu.yield
      }) : () -> ()
    } else {
    }
    %add3A_96 = arith.constant 16 : i32
    %add3A_97 = arith.addi %add3A_96, %arg1 : i32
    %lt3A_98 = arith.constant 50 : i32
    %lt3A_99 = arith.cmpi slt, %add3A_97, %lt3A_98 : i32
    %convert_element_type3A_100 = arith.extui %lt3A_99 : i1 to i32
    %cond3A_101 = arith.constant 0 : i32
    %cond3A_102 = arith.cmpi ne, %convert_element_type3A_100, %cond3A_101 : i32
    scf.if %cond3A_102 {
      %mul3A_117 = arith.constant 200 : i32
      %mul3A_118 = arith.muli %add3A_97, %mul3A_117 : i32
      %mul3A_119 = arith.constant 10000 : i32
      %mul3A_120 = arith.muli %arg0, %mul3A_119 : i32
      %add3A_121 = arith.addi %mul3A_120, %mul3A_118 : i32
      "tpu.region"() ({
        %run_scoped3A = tpu.sem_alloc : memref<!tpu.dma_semaphore, #tpu.memory_space<semaphore_mem>>
        %dma_start3A_122 = arith.constant 0 : i32
        %dma_start3A_123 = tpu.memref_slice %arg6[%add3A_121, %dma_start3A_122] : memref<20000x128xf32, #tpu.memory_space<hbm>> -> memref<200x128xf32, #tpu.memory_space<hbm>>
        %dma_start3A_124 = arith.constant 0 : i32
        %dma_start3A_125 = tpu.memref_slice %arg15[%mul3A_118, %dma_start3A_124] : memref<10000x128xf32, #tpu.memory_space<vmem_shared>> -> memref<200x128xf32, #tpu.memory_space<vmem_shared>>
        tpu.enqueue_dma source(%dma_start3A_125 : memref<200x128xf32, #tpu.memory_space<vmem_shared>>) target(%dma_start3A_123 : memref<200x128xf32, #tpu.memory_space<hbm>>) target_semaphore(%run_scoped3A : memref<!tpu.dma_semaphore, #tpu.memory_space<semaphore_mem>>)
        %dma_wait3A = arith.constant 0 : i32
        %dma_wait3A_126 = tpu.memref_slice %arg6[%add3A_121, %dma_wait3A] : memref<20000x128xf32, #tpu.memory_space<hbm>> -> memref<200x128xf32, #tpu.memory_space<hbm>>
        %dma_wait3A_127 = arith.constant 0 : i32
        %dma_wait3A_128 = tpu.memref_slice %arg15[%mul3A_118, %dma_wait3A_127] : memref<10000x128xf32, #tpu.memory_space<vmem_shared>> -> memref<200x128xf32, #tpu.memory_space<vmem_shared>>
        tpu.wait_dma2 semaphore(%run_scoped3A : memref<!tpu.dma_semaphore, #tpu.memory_space<semaphore_mem>>) src(%dma_wait3A_128 : memref<200x128xf32, #tpu.memory_space<vmem_shared>>) dst(%dma_wait3A_126 : memref<200x128xf32, #tpu.memory_space<hbm>>)
        tpu.yield
      }) : () -> ()
    } else {
    }
    %add3A_103 = arith.constant 32 : i32
    %add3A_104 = arith.addi %add3A_103, %arg1 : i32
    %lt3A_105 = arith.constant 50 : i32
    %lt3A_106 = arith.cmpi slt, %add3A_104, %lt3A_105 : i32
    %convert_element_type3A_107 = arith.extui %lt3A_106 : i1 to i32
    %cond3A_108 = arith.constant 0 : i32
    %cond3A_109 = arith.cmpi ne, %convert_element_type3A_107, %cond3A_108 : i32
    scf.if %cond3A_109 {
      %mul3A_117 = arith.constant 200 : i32
      %mul3A_118 = arith.muli %add3A_104, %mul3A_117 : i32
      %mul3A_119 = arith.constant 10000 : i32
      %mul3A_120 = arith.muli %arg0, %mul3A_119 : i32
      %add3A_121 = arith.addi %mul3A_120, %mul3A_118 : i32
      "tpu.region"() ({
        %run_scoped3A = tpu.sem_alloc : memref<!tpu.dma_semaphore, #tpu.memory_space<semaphore_mem>>
        %dma_start3A_122 = arith.constant 0 : i32
        %dma_start3A_123 = tpu.memref_slice %arg6[%add3A_121, %dma_start3A_122] : memref<20000x128xf32, #tpu.memory_space<hbm>> -> memref<200x128xf32, #tpu.memory_space<hbm>>
        %dma_start3A_124 = arith.constant 0 : i32
        %dma_start3A_125 = tpu.memref_slice %arg15[%mul3A_118, %dma_start3A_124] : memref<10000x128xf32, #tpu.memory_space<vmem_shared>> -> memref<200x128xf32, #tpu.memory_space<vmem_shared>>
        tpu.enqueue_dma source(%dma_start3A_125 : memref<200x128xf32, #tpu.memory_space<vmem_shared>>) target(%dma_start3A_123 : memref<200x128xf32, #tpu.memory_space<hbm>>) target_semaphore(%run_scoped3A : memref<!tpu.dma_semaphore, #tpu.memory_space<semaphore_mem>>)
        %dma_wait3A = arith.constant 0 : i32
        %dma_wait3A_126 = tpu.memref_slice %arg6[%add3A_121, %dma_wait3A] : memref<20000x128xf32, #tpu.memory_space<hbm>> -> memref<200x128xf32, #tpu.memory_space<hbm>>
        %dma_wait3A_127 = arith.constant 0 : i32
        %dma_wait3A_128 = tpu.memref_slice %arg15[%mul3A_118, %dma_wait3A_127] : memref<10000x128xf32, #tpu.memory_space<vmem_shared>> -> memref<200x128xf32, #tpu.memory_space<vmem_shared>>
        tpu.wait_dma2 semaphore(%run_scoped3A : memref<!tpu.dma_semaphore, #tpu.memory_space<semaphore_mem>>) src(%dma_wait3A_128 : memref<200x128xf32, #tpu.memory_space<vmem_shared>>) dst(%dma_wait3A_126 : memref<200x128xf32, #tpu.memory_space<hbm>>)
        tpu.yield
      }) : () -> ()
    } else {
    }
    %add3A_110 = arith.constant 48 : i32
    %add3A_111 = arith.addi %add3A_110, %arg1 : i32
    %lt3A_112 = arith.constant 50 : i32
    %lt3A_113 = arith.cmpi slt, %add3A_111, %lt3A_112 : i32
    %convert_element_type3A_114 = arith.extui %lt3A_113 : i1 to i32
    %cond3A_115 = arith.constant 0 : i32
    %cond3A_116 = arith.cmpi ne, %convert_element_type3A_114, %cond3A_115 : i32
    scf.if %cond3A_116 {
      %mul3A_117 = arith.constant 200 : i32
      %mul3A_118 = arith.muli %add3A_111, %mul3A_117 : i32
      %mul3A_119 = arith.constant 10000 : i32
      %mul3A_120 = arith.muli %arg0, %mul3A_119 : i32
      %add3A_121 = arith.addi %mul3A_120, %mul3A_118 : i32
      "tpu.region"() ({
        %run_scoped3A = tpu.sem_alloc : memref<!tpu.dma_semaphore, #tpu.memory_space<semaphore_mem>>
        %dma_start3A_122 = arith.constant 0 : i32
        %dma_start3A_123 = tpu.memref_slice %arg6[%add3A_121, %dma_start3A_122] : memref<20000x128xf32, #tpu.memory_space<hbm>> -> memref<200x128xf32, #tpu.memory_space<hbm>>
        %dma_start3A_124 = arith.constant 0 : i32
        %dma_start3A_125 = tpu.memref_slice %arg15[%mul3A_118, %dma_start3A_124] : memref<10000x128xf32, #tpu.memory_space<vmem_shared>> -> memref<200x128xf32, #tpu.memory_space<vmem_shared>>
        tpu.enqueue_dma source(%dma_start3A_125 : memref<200x128xf32, #tpu.memory_space<vmem_shared>>) target(%dma_start3A_123 : memref<200x128xf32, #tpu.memory_space<hbm>>) target_semaphore(%run_scoped3A : memref<!tpu.dma_semaphore, #tpu.memory_space<semaphore_mem>>)
        %dma_wait3A = arith.constant 0 : i32
        %dma_wait3A_126 = tpu.memref_slice %arg6[%add3A_121, %dma_wait3A] : memref<20000x128xf32, #tpu.memory_space<hbm>> -> memref<200x128xf32, #tpu.memory_space<hbm>>
        %dma_wait3A_127 = arith.constant 0 : i32
        %dma_wait3A_128 = tpu.memref_slice %arg15[%mul3A_118, %dma_wait3A_127] : memref<10000x128xf32, #tpu.memory_space<vmem_shared>> -> memref<200x128xf32, #tpu.memory_space<vmem_shared>>
        tpu.wait_dma2 semaphore(%run_scoped3A : memref<!tpu.dma_semaphore, #tpu.memory_space<semaphore_mem>>) src(%dma_wait3A_128 : memref<200x128xf32, #tpu.memory_space<vmem_shared>>) dst(%dma_wait3A_126 : memref<200x128xf32, #tpu.memory_space<hbm>>)
        tpu.yield
      }) : () -> ()
    } else {
    }
    return
  }
}

module attributes {stable_mosaic.version = 14 : i64} {
  func.func @_h_body(%arg0: i32, %arg1: memref<2000x128xf32, #tpu.memory_space<vmem>>, %arg2: memref<128x128xf32, #tpu.memory_space<vmem>>, %arg3: memref<2000x128xf32, #tpu.memory_space<vmem>>) attributes {dimension_semantics = [#tpu.dimension_semantics<arbitrary>], iteration_bounds = array<i64: 5>, scalar_prefetch = 0 : i64, scratch_operands = 0 : i64, tpu.core_type = #tpu.core_type<tc>, window_params = [{transform_indices = @transform_0, window_bounds = array<i64: 2000, 128>}, {pipeline_mode = #tpu.pipeline_mode<synchronous>, transform_indices = @transform_1, window_bounds = array<i64: 128, 128>}, {transform_indices = @transform_2, window_bounds = array<i64: 2000, 128>}]} {
    %get3A = arith.constant 0 : index
    %get3A_0 = arith.constant 0 : index
    %get3A_1 = vector.load %arg1[%get3A, %get3A_0] : memref<2000x128xf32, #tpu.memory_space<vmem>>, vector<2000x128xf32>
    %get3A_2 = arith.constant 0 : index
    %get3A_3 = arith.constant 0 : index
    %get3A_4 = vector.load %arg2[%get3A_2, %get3A_3] : memref<128x128xf32, #tpu.memory_space<vmem>>, vector<128x128xf32>
    %dot_general3A = arith.constant dense<0.000000e+00> : vector<2000x128xf32>
    %dot_general3A_5 = tpu.matmul %get3A_1, %get3A_4, %dot_general3A {dimension_numbers = #tpu.dot_dimension_numbers<[1], [0], [0], [1], [0, 0, 1, 1], [], []>, transpose_lhs_hint = false} : vector<2000x128xf32>, vector<128x128xf32>, vector<2000x128xf32> -> vector<2000x128xf32>
    %swap3A = arith.constant 0 : index
    %swap3A_6 = arith.constant 0 : index
    %swap3A_7 = vector.load %arg3[%swap3A, %swap3A_6] : memref<2000x128xf32, #tpu.memory_space<vmem>>, vector<2000x128xf32>
    tpu.vector_store %arg3[%swap3A, %swap3A_6], %dot_general3A_5 {strides = array<i32>} : memref<2000x128xf32, #tpu.memory_space<vmem>>, vector<2000x128xf32>,
    return
  }
  func.func @transform_0(%arg0: i32) -> (i32, i32) {
    %c0_i32 = arith.constant 0 : i32
    %c0_i32_0 = arith.constant 0 : i32
    return %arg0, %c0_i32 : i32, i32
  }
  func.func @transform_1(%arg0: i32) -> (i32, i32) {
    %c0_i32 = arith.constant 0 : i32
    %c0_i32_0 = arith.constant 0 : i32
    %c0_i32_1 = arith.constant 0 : i32
    return %c0_i32, %c0_i32_0 : i32, i32
  }
  func.func @transform_2(%arg0: i32) -> (i32, i32) {
    %c0_i32 = arith.constant 0 : i32
    %c0_i32_0 = arith.constant 0 : i32
    return %arg0, %c0_i32 : i32, i32
  }
}

module attributes {stable_mosaic.version = 14 : i64} {
  func.func @_radial_body(%arg0: i32, %arg1: memref<8000x16xf32, #tpu.memory_space<vmem>>, %arg2: memref<8000x1xf32, #tpu.memory_space<vmem>>, %arg3: memref<16x64xf32, #tpu.memory_space<vmem>>, %arg4: memref<64x128xf32, #tpu.memory_space<vmem>>, %arg5: memref<4000x128xi32, #tpu.memory_space<vmem>>) attributes {dimension_semantics = [#tpu.dimension_semantics<arbitrary>], iteration_bounds = array<i64: 40>, scalar_prefetch = 0 : i64, scratch_operands = 0 : i64, tpu.core_type = #tpu.core_type<tc>, window_params = [{transform_indices = @transform_0, window_bounds = array<i64: 8000, 16>}, {transform_indices = @transform_1, window_bounds = array<i64: 8000, 1>}, {pipeline_mode = #tpu.pipeline_mode<synchronous>, transform_indices = @transform_2, window_bounds = array<i64: 16, 64>}, {pipeline_mode = #tpu.pipeline_mode<synchronous>, transform_indices = @transform_3, window_bounds = array<i64: 64, 128>}, {transform_indices = @transform_4, window_bounds = array<i64: 4000, 128>}]} {
    %get3A = arith.constant 0 : index
    %get3A_0 = arith.constant 0 : index
    %get3A_1 = vector.load %arg1[%get3A, %get3A_0] : memref<8000x16xf32, #tpu.memory_space<vmem>>, vector<8000x16xf32>
    %get3A_2 = arith.constant 0 : index
    %get3A_3 = arith.constant 0 : index
    %get3A_4 = vector.load %arg3[%get3A_2, %get3A_3] : memref<16x64xf32, #tpu.memory_space<vmem>>, vector<16x64xf32>
    %dot_general3A = arith.constant dense<0.000000e+00> : vector<8000x64xf32>
    %dot_general3A_5 = tpu.matmul %get3A_1, %get3A_4, %dot_general3A {dimension_numbers = #tpu.dot_dimension_numbers<[1], [0], [0], [1], [0, 0, 1, 1], [], []>, transpose_lhs_hint = false} : vector<8000x16xf32>, vector<16x64xf32>, vector<8000x64xf32> -> vector<8000x64xf32>
    %logistic3A = arith.negf %dot_general3A_5 : vector<8000x64xf32>
    %logistic3A_6 = math.exp %logistic3A : vector<8000x64xf32>
    %logistic3A_7 = arith.constant 1.000000e+00 : f32
    %logistic3A_8 = vector.broadcast %logistic3A_7 : f32 to vector<8000x64xf32>
    %logistic3A_9 = arith.addf %logistic3A_8, %logistic3A_6 : vector<8000x64xf32>
    %logistic3A_10 = arith.divf %logistic3A_8, %logistic3A_9 : vector<8000x64xf32>
    %mul3A = arith.mulf %dot_general3A_5, %logistic3A_10 : vector<8000x64xf32>
    %get3A_11 = arith.constant 0 : index
    %get3A_12 = arith.constant 0 : index
    %get3A_13 = vector.load %arg4[%get3A_11, %get3A_12] : memref<64x128xf32, #tpu.memory_space<vmem>>, vector<64x128xf32>
    %dot_general3A_14 = arith.constant dense<0.000000e+00> : vector<8000x128xf32>
    %dot_general3A_15 = tpu.matmul %mul3A, %get3A_13, %dot_general3A_14 {dimension_numbers = #tpu.dot_dimension_numbers<[1], [0], [0], [1], [0, 0, 1, 1], [], []>, transpose_lhs_hint = false} : vector<8000x64xf32>, vector<64x128xf32>, vector<8000x128xf32> -> vector<8000x128xf32>
    %get3A_16 = arith.constant 0 : index
    %get3A_17 = arith.constant 0 : index
    %get3A_18 = vector.load %arg2[%get3A_16, %get3A_17] : memref<8000x1xf32, #tpu.memory_space<vmem>>, vector<8000x1xf32>
    %mul3A_19 = vector.broadcast %get3A_18 : vector<8000x1xf32> to vector<8000x128xf32>
    %mul3A_20 = arith.mulf %dot_general3A_15, %mul3A_19 : vector<8000x128xf32>
    %convert_element_type3A = arith.truncf %mul3A_20 : vector<8000x128xf32> to vector<8000x128xbf16>
    %bitcast3A = tpu.bitcast %convert_element_type3A : vector<8000x128xbf16> -> vector<4000x128xi32>
    %swap3A = arith.constant 0 : index
    %swap3A_21 = arith.constant 0 : index
    %swap3A_22 = vector.load %arg5[%swap3A, %swap3A_21] : memref<4000x128xi32, #tpu.memory_space<vmem>>, vector<4000x128xi32>
    tpu.vector_store %arg5[%swap3A, %swap3A_21], %bitcast3A {strides = array<i32>} : memref<4000x128xi32, #tpu.memory_space<vmem>>, vector<4000x128xi32>,
    return
  }
  func.func @transform_0(%arg0: i32) -> (i32, i32) {
    %c0_i32 = arith.constant 0 : i32
    %c0_i32_0 = arith.constant 0 : i32
    return %arg0, %c0_i32 : i32, i32
  }
  func.func @transform_1(%arg0: i32) -> (i32, i32) {
    %c0_i32 = arith.constant 0 : i32
    %c0_i32_0 = arith.constant 0 : i32
    return %arg0, %c0_i32 : i32, i32
  }
  func.func @transform_2(%arg0: i32) -> (i32, i32) {
    %c0_i32 = arith.constant 0 : i32
    %c0_i32_0 = arith.constant 0 : i32
    %c0_i32_1 = arith.constant 0 : i32
    return %c0_i32, %c0_i32_0 : i32, i32
  }
  func.func @transform_3(%arg0: i32) -> (i32, i32) {
    %c0_i32 = arith.constant 0 : i32
    %c0_i32_0 = arith.constant 0 : i32
    %c0_i32_1 = arith.constant 0 : i32
    return %c0_i32, %c0_i32_0 : i32, i32
  }
  func.func @transform_4(%arg0: i32) -> (i32, i32) {
    %c0_i32 = arith.constant 0 : i32
    %c0_i32_0 = arith.constant 0 : i32
    return %arg0, %c0_i32 : i32, i32
  }
}

module attributes {stable_mosaic.version = 14 : i64} {
  func.func @_post_body(%arg0: i32, %arg1: memref<2000x128xf32, #tpu.memory_space<vmem>>, %arg2: memref<2000x128xf32, #tpu.memory_space<vmem>>, %arg3: memref<2000x128xf32, #tpu.memory_space<vmem>>, %arg4: memref<128x128xf32, #tpu.memory_space<vmem>>, %arg5: memref<128x128xf32, #tpu.memory_space<vmem>>, %arg6: memref<2000x128xf32, #tpu.memory_space<vmem>>) attributes {dimension_semantics = [#tpu.dimension_semantics<arbitrary>], iteration_bounds = array<i64: 5>, scalar_prefetch = 0 : i64, scratch_operands = 0 : i64, tpu.core_type = #tpu.core_type<tc>, window_params = [{transform_indices = @transform_0, window_bounds = array<i64: 2000, 128>}, {transform_indices = @transform_1, window_bounds = array<i64: 2000, 128>}, {transform_indices = @transform_2, window_bounds = array<i64: 2000, 128>}, {pipeline_mode = #tpu.pipeline_mode<synchronous>, transform_indices = @transform_3, window_bounds = array<i64: 128, 128>}, {pipeline_mode = #tpu.pipeline_mode<synchronous>, transform_indices = @transform_4, window_bounds = array<i64: 128, 128>}, {transform_indices = @transform_5, window_bounds = array<i64: 2000, 128>}]} {
    %get3A = arith.constant 0 : index
    %get3A_0 = arith.constant 0 : index
    %get3A_1 = vector.load %arg2[%get3A, %get3A_0] : memref<2000x128xf32, #tpu.memory_space<vmem>>, vector<2000x128xf32>
    %get3A_2 = arith.constant 0 : index
    %get3A_3 = arith.constant 0 : index
    %get3A_4 = vector.load %arg3[%get3A_2, %get3A_3] : memref<2000x128xf32, #tpu.memory_space<vmem>>, vector<2000x128xf32>
    %add3A = arith.addf %get3A_1, %get3A_4 : vector<2000x128xf32>
    %mul3A = arith.constant 3.125000e-02 : f32
    %mul3A_5 = vector.broadcast %mul3A : f32 to vector<2000x128xf32>
    %mul3A_6 = arith.mulf %add3A, %mul3A_5 : vector<2000x128xf32>
    %get3A_7 = arith.constant 0 : index
    %get3A_8 = arith.constant 0 : index
    %get3A_9 = vector.load %arg1[%get3A_7, %get3A_8] : memref<2000x128xf32, #tpu.memory_space<vmem>>, vector<2000x128xf32>
    %get3A_10 = arith.constant 0 : index
    %get3A_11 = arith.constant 0 : index
    %get3A_12 = vector.load %arg5[%get3A_10, %get3A_11] : memref<128x128xf32, #tpu.memory_space<vmem>>, vector<128x128xf32>
    %dot_general3A = arith.constant dense<0.000000e+00> : vector<2000x128xf32>
    %dot_general3A_13 = tpu.matmul %get3A_9, %get3A_12, %dot_general3A {dimension_numbers = #tpu.dot_dimension_numbers<[1], [0], [0], [1], [0, 0, 1, 1], [], []>, transpose_lhs_hint = false} : vector<2000x128xf32>, vector<128x128xf32>, vector<2000x128xf32> -> vector<2000x128xf32>
    %get3A_14 = arith.constant 0 : index
    %get3A_15 = arith.constant 0 : index
    %get3A_16 = vector.load %arg4[%get3A_14, %get3A_15] : memref<128x128xf32, #tpu.memory_space<vmem>>, vector<128x128xf32>
    %dot_general3A_17 = arith.constant dense<0.000000e+00> : vector<2000x128xf32>
    %dot_general3A_18 = tpu.matmul %mul3A_6, %get3A_16, %dot_general3A_17 {dimension_numbers = #tpu.dot_dimension_numbers<[1], [0], [0], [1], [0, 0, 1, 1], [], []>, transpose_lhs_hint = false} : vector<2000x128xf32>, vector<128x128xf32>, vector<2000x128xf32> -> vector<2000x128xf32>
    %add3A_19 = arith.addf %dot_general3A_13, %dot_general3A_18 : vector<2000x128xf32>
    %get3A_20 = arith.constant 0 : index
    %get3A_21 = arith.constant 0 : index
    %get3A_22 = vector.load %arg1[%get3A_20, %get3A_21] : memref<2000x128xf32, #tpu.memory_space<vmem>>, vector<2000x128xf32>
    %logistic3A = arith.negf %add3A_19 : vector<2000x128xf32>
    %logistic3A_23 = math.exp %logistic3A : vector<2000x128xf32>
    %logistic3A_24 = arith.constant 1.000000e+00 : f32
    %logistic3A_25 = vector.broadcast %logistic3A_24 : f32 to vector<2000x128xf32>
    %logistic3A_26 = arith.addf %logistic3A_25, %logistic3A_23 : vector<2000x128xf32>
    %logistic3A_27 = arith.divf %logistic3A_25, %logistic3A_26 : vector<2000x128xf32>
    %mul3A_28 = arith.mulf %add3A_19, %logistic3A_27 : vector<2000x128xf32>
    %add3A_29 = arith.addf %get3A_22, %mul3A_28 : vector<2000x128xf32>
    %swap3A = arith.constant 0 : index
    %swap3A_30 = arith.constant 0 : index
    %swap3A_31 = vector.load %arg6[%swap3A, %swap3A_30] : memref<2000x128xf32, #tpu.memory_space<vmem>>, vector<2000x128xf32>
    tpu.vector_store %arg6[%swap3A, %swap3A_30], %add3A_29 {strides = array<i32>} : memref<2000x128xf32, #tpu.memory_space<vmem>>, vector<2000x128xf32>,
    return
  }
  func.func @transform_0(%arg0: i32) -> (i32, i32) {
    %c0_i32 = arith.constant 0 : i32
    %c0_i32_0 = arith.constant 0 : i32
    return %arg0, %c0_i32 : i32, i32
  }
  func.func @transform_1(%arg0: i32) -> (i32, i32) {
    %c0_i32 = arith.constant 0 : i32
    %c0_i32_0 = arith.constant 0 : i32
    return %arg0, %c0_i32 : i32, i32
  }
  func.func @transform_2(%arg0: i32) -> (i32, i32) {
    %c0_i32 = arith.constant 0 : i32
    %c0_i32_0 = arith.constant 0 : i32
    return %arg0, %c0_i32 : i32, i32
  }
  func.func @transform_3(%arg0: i32) -> (i32, i32) {
    %c0_i32 = arith.constant 0 : i32
    %c0_i32_0 = arith.constant 0 : i32
    %c0_i32_1 = arith.constant 0 : i32
    return %c0_i32, %c0_i32_0 : i32, i32
  }
  func.func @transform_4(%arg0: i32) -> (i32, i32) {
    %c0_i32 = arith.constant 0 : i32
    %c0_i32_0 = arith.constant 0 : i32
    %c0_i32_1 = arith.constant 0 : i32
    return %c0_i32, %c0_i32_0 : i32, i32
  }
  func.func @transform_5(%arg0: i32) -> (i32, i32) {
    %c0_i32 = arith.constant 0 : i32
    %c0_i32_0 = arith.constant 0 : i32
    return %arg0, %c0_i32 : i32, i32
  }
}

</mosaic_0001>

<sc_bundles>
// kernel: kernel.6.cloned.1.call-start
scs
__scs_entry_jumppad:
0x0: {  	(pc) =	sbr.rel $0x88, $3  }
0x1: {  	(tag) =	ssettag $0x0;
	lr =	simm.s32 $0x1  }
0x2: {  	[smem:$0x3F98] =	sst lr;
	_ =	strace $0xD0000000  }
0x3: {  	_ = 	snop  }
0x4: {  	_ = 	snop  }
0x5: {  	_ = 	snop  }
0x6: {  	_ = 	snop  }
0x7: {  	_ = 	snop  }
__scs_overlays_trampoline_lowered:
0x8: {  	[smem:$0x3FA7] =	sst s0  }
0x9: {  	[smem:$0x3FA8] =	sst s1  }
0xa: {  	[smem:$0x3FA9] =	sst s2  }
0xb: {  	[smem:$0x3FAA] =	sst s3  }
0xc: {  	[smem:$0x3FAB] =	sst s4  }
0xd: {  	[smem:$0x3FAC] =	sst s5  }
0xe: {  	[smem:$0x3FAD] =	sst s6  }
0xf: {  	[smem:$0x3FAE] =	sst s7  }
0x10: {  	[smem:$0x3FAF] =	sst s8  }
0x11: {  	[smem:$0x3FB0] =	sst s9;
	s0 =	simm.s32 @!p0 $0x0  }
0x12: {  	s1 =	sld [smem:$0x3F96];
	s0 =	simm.s32 @p0 $0x1  }
0x13: {  	[smem:$0x3FB1] =	sst s0;
	s0 =	simm.s32 @!p1 $0x0  }
0x14: {  	s2 =	sld [smem:$0x3F95];
	s0 =	simm.s32 @p1 $0x1  }
0x15: {  	[smem:$0x3FB2] =	sst s0;
	s0 =	simm.s32 @!p2 $0x0  }
0x16: {  	s3 =	sld [smem:$0x3FDB];
	s0 =	simm.s32 @p2 $0x1  }
0x17: {  	s4 =	simm.s32 $0x1BF5;
	[smem:$0x3FB4] =	sst s0  }
0x18: {  	s0 =	sld [smem:$0x3F97];
	_ =	swait.ge [sflag:s4], $0x0  }
0x19: {  	s7 =	sld [smem:$0x3F98]  }
0x1a: {  	s8 =	sadd.s32 $0xFFFFE003, lr  }
0x1b: {  	s9 =	sadd.s32 $0xFFFFFEF7, lr;
	s5 =	simm.s32 $0xFFFFFFFF;
	p2 =	slt.u32 s8, $0xFFFFF086  }
0x1c: {  	p1 =	slt.u32 s9, $0xF7A;
	s5 =	simm.s32 @!p2 $0x0  }
0x1d: {  	s5 =	simm.s32 @p1 $0x1;
	p0 =	seq.s32 s7, s2  }
0x1e: {  	s7 =	smul.u32 @!p0 $0xF7A, s2;
	p2 =	seq.s32 @!p0 s5, $0x0  }
0x1f: {  	s9 =	smul.u32 $0xF7A, s1;
	s8 =	simm.s32 @!p0 $0x1BF5;
	p2 =	por !p2, p0  }
0x20: {  	[sflag:s8] =	ssyncset.s32 @!p0 $0xFFFFF086;
	s6 =	sadd.s32 @!p0 s3, s7;
	s7 =	simm.s32 @!p0 $0x108  }
0x21: {  	s3 =	sadd.s32 s3, s9;
	s6 =	sadd.s32 @!p0 $0x88, s6;
	s7 =	simm.s32 @p2 $0x1082  }
0x22: {  	[simem:s7], [sflag:s8] =	dma.local @!p0 [hbm:s6], $0xF7A  }
0x23: {  	s9 =	sor.u32 $0xD0000000, s2;
	s6 =	simm.s32 $0x108;
	_ =	swait.ge @!p0 [sflag:s8], $0x0  }
0x24: {  	s3 =	sadd.s32 $0x88, s3;
	s6 =	simm.s32 @!p1 $0x1082;
	[sflag:s4] =	ssyncset.s32 $0xFFFFF086  }
0x25: {  	[simem:s6], [sflag:s4] =	dma.local [hbm:s3], $0xF7A  }
0x26: {  	[smem:$0x3F98] =	sst s1;
	(tag) =	ssettag s2;
	_ =	strace s9  }
0x27: {  	s1 =	sld [smem:$0x3FA8]  }
0x28: {  	s2 =	sld [smem:$0x3FA9]  }
0x29: {  	s4 =	sld [smem:$0x3FAB]  }
0x2a: {  	p0 =	seq.s32 s5, $0x0;
	s5 =	sld [smem:$0x3FAC]  }
0x2b: {  	s6 =	sld [smem:$0x3FAD]  }
0x2c: {  	s7 =	sld [smem:$0x3FAE]  }
0x2d: {  	s3 =	simm.s32 $0x108;
	s8 =	sld [smem:$0x3FAF]  }
0x2e: {  	s3 =	simm.s32 @!p0 $0x1082;
	s9 =	sld [smem:$0x3FB0]  }
0x2f: {  	lr =	sadd.s32 s0, s3;
	s0 =	sld [smem:$0x3FA7]  }
0x30: {  	s3 =	sld [smem:$0x3FAA]  }
0x31: {  	[smem:$0x3FB3] =	sst s10  }
0x32: {  	s10 =	sld [smem:$0x3FB1];
	_ =	sdelay $0x3  }
0x33: {  	p0 =	seq.s32 s10, $0x1;
	s10 =	sld [smem:$0x3FB3];
	_ =	sdelay $0x3  }
0x34: {  	[smem:$0x3FB3] =	sst s10  }
0x35: {  	s10 =	sld [smem:$0x3FB2];
	_ =	sdelay $0x3  }
0x36: {  	p1 =	seq.s32 s10, $0x1;
	s10 =	sld [smem:$0x3FB3];
	_ =	sdelay $0x3  }
0x37: {  	[smem:$0x3FB3] =	sst s10  }
0x38: {  	s10 =	sld [smem:$0x3FB4]  }
0x39: {  	_ = 	snop;
	(pc) =	sbr.ind lr, $3  }
0x3a: {  	_ = 	snop  }
0x3b: {  	_ = 	snop  }
0x3c: {  	p2 =	seq.s32 s10, $0x1;
	s10 =	sld [smem:$0x3FB3]  }
0x3d: {  	_ =	shalt  }
0x3e: {  	_ =	shalt  }
0x3f: {  	_ =	shalt  }
0x40: {  	_ =	shalt  }
0x41: {  	_ =	shalt  }
0x42: {  	_ =	shalt  }
0x43: {  	_ =	shalt  }
0x44: {  	_ =	shalt  }
0x45: {  	_ =	shalt  }
0x46: {  	_ =	shalt  }
0x47: {  	_ =	shalt  }
0x48: {  	_ =	shalt  }
0x49: {  	_ =	shalt  }
0x4a: {  	_ =	shalt  }
0x4b: {  	_ =	shalt  }
0x4c: {  	_ =	shalt  }
0x4d: {  	_ =	shalt  }
0x4e: {  	_ =	shalt  }
0x4f: {  	_ =	shalt  }
0x50: {  	_ =	shalt  }
0x51: {  	_ =	shalt  }
0x52: {  	_ =	shalt  }
0x53: {  	_ =	shalt  }
0x54: {  	_ =	shalt  }
0x55: {  	_ =	shalt  }
0x56: {  	_ =	shalt  }
0x57: {  	_ =	shalt  }
0x58: {  	_ =	shalt  }
0x59: {  	_ =	shalt  }
0x5a: {  	_ =	shalt  }
0x5b: {  	_ =	shalt  }
0x5c: {  	_ =	shalt  }
0x5d: {  	_ =	shalt  }
0x5e: {  	_ =	shalt  }
0x5f: {  	_ =	shalt  }
0x60: {  	_ =	shalt  }
0x61: {  	_ =	shalt  }
0x62: {  	_ =	shalt  }
0x63: {  	_ =	shalt  }
0x64: {  	_ =	shalt  }
0x65: {  	_ =	shalt  }
0x66: {  	_ =	shalt  }
0x67: {  	_ =	shalt  }
0x68: {  	_ =	shalt  }
0x69: {  	_ =	shalt  }
0x6a: {  	_ =	shalt  }
0x6b: {  	_ =	shalt  }
0x6c: {  	_ =	shalt  }
0x6d: {  	_ =	shalt  }
0x6e: {  	_ =	shalt  }
0x6f: {  	_ =	shalt  }
0x70: {  	_ =	shalt  }
0x71: {  	_ =	shalt  }
0x72: {  	_ =	shalt  }
0x73: {  	_ =	shalt  }
0x74: {  	_ =	shalt  }
0x75: {  	_ =	shalt  }
0x76: {  	_ =	shalt  }
0x77: {  	_ =	shalt  }
0x78: {  	_ =	shalt  }
0x79: {  	_ =	shalt  }
0x7a: {  	_ =	shalt  }
0x7b: {  	_ =	shalt  }
0x7c: {  	_ =	shalt  }
0x7d: {  	_ =	shalt  }
0x7e: {  	_ =	shalt  }
0x7f: {  	_ =	shalt  }
0x80: {  	_ =	shalt  }
0x81: {  	_ =	shalt  }
0x82: {  	_ =	shalt  }
0x83: {  	_ =	shalt  }
0x84: {  	_ =	shalt  }
0x85: {  	_ =	shalt  }
0x86: {  	_ =	shalt  }
0x87: {  	_ =	shalt  }
.Lfunc_end0:
.L_simem_size_0:
called_computation_lowered:
.L_overlay_start_0:
0x88: {  	s2 =	sld [smem:$0x3FD9]  }
0x89: {  	s3 =	sld [smem:$0x3FFE];
	_ =	sdelay $0x1  }
0x8a: {  	s1 =	srdreg.scid  }
0x8b: {  	s0 =	sand.u32 $0x1, s1  }
0x8c: {  	s17 =	sshll.u32 s0, $0xA;
	s2 =	sadd.s32 s3, s2  }
0x8d: {  	s2 =	sadd.s32 s2, s17  }
0x8e: {  	[smem:$0x3FBF] =	sst s2  }
0x8f: {  	_ = 	snop  }
0x90: {  	s2 =	sld [smem:$0x3FD0];
	(tm) =	ssettm $0x1  }
0x91: {  	s18 =	sld [smem:$0x3FFB];
	_ =	sdelay $0x3  }
0x92: {  	_ =	strace s18  }
0x93: {  	s3 =	sld [smem:$0x3FFC];
	_ =	sdelay $0x3  }
0x94: {  	_ =	strace s3  }
0x95: {  	s3 =	sld [smem:$0x3FFD];
	_ =	sdelay $0x3  }
0x96: {  	_ =	strace s3  }
0x97: {  	_ =	strace $0x8FFFFFFF  }
0x98: {  	s19 =	sld [smem:$0x3FDB];
	_ =	sdelay $0x1  }
0x99: {  	s4 =	simm.s32 $_scs_section_size  }
0x9a: {  	s5 =	simm.s32 $_size__tile_overlayer_lowered;
	s6 =	simm.s32 $_tile_overlayer_lowered  }
0x9b: {  	s22 =	simm.s32 $0x1BFF;
	s21 =	sshll.u32 s6, $0x1;
	s3 =	sadd.s32 s4, s19  }
0x9c: {  	s7 =	simm.s32 $0x0;
	s20 =	sshll.u32 s5, $0x1;
	s5 =	sadd.s32 s21, s3  }
0x9d: {  	[timem:s7], [sflag:s22] =	dma.local [hbm:s5], s20  }
0x9e: {  	_ =	swait.ge [sflag:s22], s20  }
0x9f: {  	s4 =	ssub.s32 $0x0, s20;
	[sflag:s22] =	ssyncset.done $0x0  }
0xa0: {  	[sflag:s22] =	ssyncadd.s32 s4;
	_ =	sdelay $0x1  }
0xa1: {  	s23 =	simm.s32 $0x1B8B  }
0xa2: {  	_ =	swait.ge [sflag:s23], $0x1  }
0xa3: {  	[sflag:s23] =	ssyncset.done $0x0  }
0xa4: {  	s25 =	simm.s32 $0x1B8E;
	s24 =	sld [smem:$0x3FFE];
	[sflag:s23] =	ssyncadd.s32 $0xFFFFFFFF  }
0xa5: {  	s26 =	simm.s32 $execute0_lowered;
	[smem:$0x3FD2] =	sst s25  }
0xa6: {  	s5 =	sshll.u32 s26, $0x1;
	_ =	strace $0x80000046;
	[dreg:$0x1] =	wrdreg $0xFFFFFFFF  }
0xa7: {  	s28 =	simm.s32 $_size_execute0_lowered;
	s3 =	sadd.s32 s3, s5;
	[dreg:$0x0] =	wrdreg $0x0  }
0xa8: {  	s5 =	sshll.u32 s28, $0x1;
	[dreg:$0x2] =	wrdreg s3  }
0xa9: {  	[dreg:$0x3] =	wrdreg s5  }
0xaa: {  	[dreg:$0x4] =	wrdreg $0xC0  }
0xab: {  	_ =	task [dreg:s7], $0x5FFFF  }
0xac: {  	[dreg:$0x1] =	wrdreg $0xFFFFFFFF  }
0xad: {  	[dreg:$0x0] =	wrdreg $0x60  }
0xae: {  	[dreg:$0x2] =	wrdreg s2  }
0xaf: {  	[dreg:$0x3] =	wrdreg s24  }
0xb0: {  	[dreg:$0x4] =	wrdreg $0x7A000  }
0xb1: {  	[dreg:$0x5] =	wrdreg $0x9  }
0xb2: {  	_ =	task.clear_ibuf [dreg:s7], $0x6FFFF;
	_ =	strace $0x90000046  }
0xb3: {  	s29 =	simm.s32 $0x9;
	_ =	strace $0x80000048  }
0xb4: {  	_ =	swait.ge [sflag:s29], $0x1  }
0xb5: {  	[sflag:s29] =	ssyncadd.s32 $0xFFFFFFFF  }
0xb6: {  	_ =	strace $0x90000048  }
0xb7: {  	_ =	sfence  }
0xb8: {  	s30 =	sld [smem:$0x0];
	_ =	sdelay $0x2  }
0xb9: {  	s31 =	sshll.u32 s1, $0xD;
	s1 =	sshrl.u32 s1, $0x2  }
0xba: {  	s3 =	sand.u32 $0x4000, s31;
	s1 =	sadd.s32 s1, s30  }
0xbb: {  	s0 =	sor.u32 s3, s0;
	s1 =	sshll.u32 s1, $0x11  }
0xbc: {  	s0 =	sor.u32 s1, s0  }
0xbd: {  	s0 =	sadd.s32 $0x8F2B, s0  }
0xbe: {  	[sflag:s0] =	ssyncadd.remote.s32 $0x1  }
0xbf: {  	_ =	sfence.sel $0xFFFF  }
0xc0: {  	[dreg:$0x0] =	wrdreg $0xFFFFFFFF;
	(pc) =	sbr.abs _section_cstart, $3  }
0xc1: {  	[dreg:$0x1] =	wrdreg $0xFFFFFFFF  }
0xc2: {  	_ =	task.clear_ibuf [dreg:s7], $0x2FFFF;
	_ =	strace $0x9FFFFFFF  }
0xc3: {  	(tm) =	ssettm $0x7FFFFFFF  }
tec
execute0_lowered:
.L_overlay_start_1:
0x0: {  	(tag) =	ssettag $0x1  }
0x1: {  	s23 =	stileid.u32  }
0x2: {  	s0 =	rddreg [dreg:$0x0];
	s8 =	smul.u32 $0xA000, s23  }
0x3: {  	s1 =	srdreg.scid;
	s12 =	sor.u32 $0x10, s23;
	s24 =	smul.u32 $0xC8, s23  }
0x4: {  	s2 =	rddreg [dreg:$0x1];
	s14 =	sor.u32 $0x20, s23;
	s13 =	smul.u32 $0xA000, s12  }
0x5: {  	s3 =	rddreg [dreg:$0x2];
	s16 =	sor.u32 $0x30, s23;
	s15 =	smul.u32 $0xA000, s14  }
0x6: {  	s4 =	simm.s32 $0x0;
	s1 =	sand.u32 $0x1, s1;
	s18 =	smul.u32 $0xA000, s16  }
0x7: {  	s5 =	sshll.u32 s1, $0x4;
	s17 =	ssub.s32 $0x2, s1;
	s1 =	smul.u32 $0x2710, s1  }
0x8: {  	[smem:$0x7FF] =	sst s4;
	s6 =	sadd.s32 $0x1600, s2;
	s20 =	smul.u32 $0xC8, s12  }
0x9: {  	s7 =	sadd.s32 $0x9D9200, s2;
	p0 =	sgt.u32 s23, $0xC;
	s26 =	smul.u32 $0xC8, s14  }
0xa: {  	p1 =	sgt.u32 s23, $0x1;
	_ =	strace $0x80000047;
	s22 =	smul.u32 $0xC8, s16  }
0xb: {  	s9 =	sor.u32 s23, s5;
	s5 =	sadd.s32 $0xB400, s2;
	s2 =	sadd.s32 $0x15200, s2  }
0xc: {  	s19 =	sshrl.u32 s17, $0x1;
	s8 =	sshrl.u32 s8, $0x2;
	s10 =	smul.u32 $0x2710, s9  }
0xd: {  	s11 =	smul.u32 $0x1388, s9;
	s17 =	ssub.s32 s17, s19;
	s8 =	sadd.s32 s8, s3  }
0xe: {  	s13 =	sshrl.u32 s13, $0x2;
	s15 =	sshrl.u32 s15, $0x2;
	s18 =	sshrl.u32 s18, $0x2  }
0xf: {  	s21 =	sadd.s32 s24, s1;
	s20 =	sadd.s32 s1, s20;
	s9 =	smul.u32 $0x13880, s9  }
0x10: {  	s19 =	smul.u32 $0x19000, s23;
	s13 =	sadd.s32 s13, s3;
	s25 =	sadd.s32 s15, s3  }
0x11: {  	s15 =	sadd.s32 s18, s3;
	s18 =	sshll.u32 s21, $0x4;
	[dreg:$0x4] =	wrdreg s13  }
0x12: {  	s29 =	sadd.s32 $0xA0000, s8;
	s30 =	sadd.s32 $0xC8000, s8;
	[dreg:$0x5] =	wrdreg s25  }
0x13: {  	s31 =	sadd.s32 $0xF0000, s8;
	[dreg:$0x6] =	wrdreg s15;
	s24 =	sshrl.u32 s10, $0x3  }
0x14: {  	s13 =	sadd.s32 s1, s26;
	s1 =	sadd.s32 s1, s22;
	s18 =	sadd.s32 s2, s18  }
0x15: {  	s26 =	sshll.u32 s20, $0x4;
	s15 =	smul.u32 $0x19000, s12;
	s9 =	sadd.s32 s7, s9  }
0x16: {  	s21 =	sadd.s32 $0x28, s11;
	s20 =	smul.u32 $0x19000, s14;
	s22 =	sadd.s32 $0xA0, s10  }
0x17: {  	s11 =	simm.s32 $0x180;
	s12 =	simm.s32 $0x50;
	[dreg:$0x8] =	wrdreg s18  }
0x18: {  	s14 =	simm.s32 $0x4;
	s25 =	sadd.s32 s5, s24;
	[dreg:$0xf] =	wrdreg s9  }
0x19: {  	s13 =	sshll.u32 s13, $0x4;
	s18 =	sadd.s32 s2, s26;
	[dreg:$0x7] =	wrdreg s25  }
0x1a: {  	s1 =	sshll.u32 s1, $0x4;
	[dreg:$0x9] =	wrdreg s18;
	s13 =	sadd.s32 s2, s13  }
0x1b: {  	s1 =	sadd.s32 s2, s1;
	s2 =	sadd.s32 s6, s24;
	[dreg:$0xa] =	wrdreg s13  }
0x1c: {  	s9 =	sshrl.u32 s20, $0x2;
	s25 =	smax.u32 s17, $0x1;
	[dreg:$0xb] =	wrdreg s1  }
0x1d: {  	s17 =	simm.s32 $0x3;
	[dreg:$0xc] =	wrdreg s2;
	s13 =	sadd.s32 $0xA, s24  }
0x1e: {  	s24 =	smul.u32 $0x19000, s16;
	s2 =	sshrl.u32 s15, $0x2;
	s9 =	sadd.s32 s9, s3  }
0x1f: {  	[dreg:$0x10] =	wrdreg s25;
	s15 =	simm.s32 $0x2A00;
	s18 =	sadd.s32 s5, s13  }
0x20: {  	s16 =	simm.s32 $0x1;
	s1 =	sadd.s32 s6, s13;
	[dreg:$0xd] =	wrdreg s18  }
0x21: {  	s2 =	sadd.s32 s2, s3;
	s13 =	simm.s32 $0x2;
	[dreg:$0xe] =	wrdreg s1  }
.Ltmp0:
0x22: {  	s1 =	sshrl.u32 s19, $0x2;
	s10 =	sshrl.u32 s24, $0x2;
	(pc) =	sbr.rel .LBB2_1-.Ltmp0, $4  }
0x23: {  	s26 =	sshrl.u32 s2, $0x3;
	s2 =	simm.s32 $0x200;
	s1 =	sadd.s32 s1, s3  }
0x24: {  	s10 =	sadd.s32 s10, s3;
	[dreg:$0x12] =	wrdreg s26;
	s26 =	sshrl.u32 s9, $0x3  }
0x25: {  	s9 =	simm.s32 $0x7;
	s1 =	sshrl.u32 s1, $0x3;
	s28 =	sshrl.u32 @!p1 s10, $0x3  }
0x26: {  	v0 =	vimm.f32 $0.0e+00;
	s10 =	simm.s32 $0x100;
	[dreg:$0x11] =	wrdreg s1;
	s1 =	sadd.s32 $0x118000, s8  }
.LBB2_12:
0x27: {  	s18 =	stileid.u32;
	[bflag:$0x0] =	sbarrier.arrive $0xFFFF  }
0x28: {  	s18 =	sshll.u32 s18, $0x6;
	s19 =	rddreg [dreg:$0x8]  }
0x29: {  	s20 =	rddreg [dreg:$0x11];
	s18 =	sor.u32 $0x1C07, s18  }
0x2a: {  	[hbm:s19], [sflag:s18] =	dma.local [spmem:s20], $0xC80  }
0x2b: {  	_ =	swait.ge [sflag:s9], $0xC80  }
0x2c: {  	[sflag:s9] =	ssyncset.done $0x0;
	s20 =	rddreg [dreg:$0x9]  }
0x2d: {  	s23 =	rddreg [dreg:$0x12];
	[sflag:s9] =	ssyncadd.s32 $0xFFFFF380  }
0x2e: {  	[hbm:s20], [sflag:s18] =	dma.local [spmem:s23], $0xC80  }
0x2f: {  	_ =	swait.ge [sflag:s9], $0xC80  }
0x30: {  	[sflag:s9] =	ssyncset.done $0x0  }
0x31: {  	s24 =	rddreg [dreg:$0xa];
	[sflag:s9] =	ssyncadd.s32 $0xFFFFF380  }
0x32: {  	[hbm:s24], [sflag:s18] =	dma.local [spmem:s26], $0xC80  }
0x33: {  	_ =	swait.ge [sflag:s9], $0xC80  }
0x34: {  	[sflag:s9] =	ssyncset.done $0x0  }
0x35: {  	s19 =	rddreg [dreg:$0xb];
	[sflag:s9] =	ssyncadd.s32 $0xFFFFF380  }
0x36: {  	[hbm:s19], [sflag:s18] =	dma.local @!p1 [spmem:s28], $0xC80  }
0x37: {  	s18 =	simm.s32 @!p1 $0x7  }
0x38: {  	_ =	swait.ge @!p1 [sflag:s18], $0xC80  }
0x39: {  	s4 =	sadd.s32 $0x1, s4;
	s25 =	rddreg [dreg:$0x10]  }
0x3a: {  	p2 =	sne.s32 s4, s25  }
.Ltmp1:
0x3b: {  	_ = 	snop;
	(pc) =	sbr.rel @!p2 .LBB2_13-.Ltmp1, $3  }
0x3c: {  	_ =	sdelay $0x1  }
0x3d: {  	[sflag:s18] =	ssyncset.done @!p1 $0x0  }
0x3e: {  	[sflag:s18] =	ssyncadd.s32 @!p1 $0xFFFFF380  }
.LBB2_1:
0x3f: {  	s18 =	simm.s32 $0x0;
	s19 =	simm.s32 $0x200  }
.LBB2_2:
0x40: {  	p2 =	sne.s32 s19, $0x9E00;
	[tilespmem:s18+$0x270] =	vst v0  }
0x41: {  	[tilespmem:s18+$0x200] =	vst v0  }
0x42: {  	[tilespmem:s18+$0x210] =	vst v0  }
.Ltmp2:
0x43: {  	[tilespmem:s18+$0x220] =	vst v0;
	(pc) =	sbr.rel @p2 .LBB2_2-.Ltmp2, $4  }
0x44: {  	[tilespmem:s18+$0x230] =	vst v0  }
0x45: {  	[tilespmem:s18+$0x240] =	vst v0  }
0x46: {  	[tilespmem:s18+$0x250] =	vst v0  }
0x47: {  	[tilespmem:s18+$0x260] =	vst v0;
	s18 =	sshra.s32 s19, $0x2;
	s19 =	sadd.s32 $0x200, s19  }
0x48: {  	[tilespmem:s18+$0x270] =	vst v0  }
0x49: {  	[tilespmem:s18+$0x200] =	vst v0  }
0x4a: {  	[tilespmem:s18+$0x210] =	vst v0  }
0x4b: {  	[tilespmem:s18+$0x220] =	vst v0  }
0x4c: {  	[tilespmem:s18+$0x230] =	vst v0  }
0x4d: {  	[tilespmem:s18+$0x240] =	vst v0  }
0x4e: {  	[tilespmem:s18+$0x250] =	vst v0  }
0x4f: {  	[tilespmem:s18+$0x260] =	vst v0  }
0x50: {  	[spmem:s8] =	stream.linear.scatter [tilespmem:s2], [sflag:$0x7], $0x2800, $0x38;
	[tilespmem:$0x1B280] =	vst v63  }
0x51: {  	_ =	swait.ge [sflag:s9], $0x2800  }
0x52: {  	[sflag:s9] =	ssyncset.done $0x0  }
0x53: {  	s19 =	rddreg [dreg:$0x4];
	[sflag:s9] =	ssyncadd.s32 $0xFFFFD800  }
0x54: {  	[spmem:s19] =	stream.linear.scatter [tilespmem:s2], [sflag:$0x7], $0x2800, $0x38;
	[tilespmem:$0x1B280] =	vst v63  }
0x55: {  	_ =	swait.ge [sflag:s9], $0x2800  }
0x56: {  	[sflag:s9] =	ssyncset.done $0x0  }
0x57: {  	s20 =	rddreg [dreg:$0x5];
	[sflag:s9] =	ssyncadd.s32 $0xFFFFD800  }
0x58: {  	[spmem:s20] =	stream.linear.scatter [tilespmem:s2], [sflag:$0x7], $0x2800, $0x38;
	[tilespmem:$0x1B280] =	vst v63  }
0x59: {  	_ =	swait.ge [sflag:s9], $0x2800  }
0x5a: {  	[sflag:s9] =	ssyncset.done $0x0  }
0x5b: {  	s23 =	rddreg [dreg:$0x6];
	[sflag:s9] =	ssyncadd.s32 $0xFFFFD800  }
0x5c: {  	[spmem:s23] =	stream.linear.scatter [tilespmem:s2], [sflag:$0x7], $0x2800, $0x38;
	[tilespmem:$0x1B280] =	vst v63  }
0x5d: {  	_ =	swait.ge [sflag:s9], $0x2800  }
0x5e: {  	[sflag:s9] =	ssyncset.done $0x0  }
0x5f: {  	[sflag:s9] =	ssyncadd.s32 $0xFFFFD800  }
0x60: {  	[spmem:s29] =	stream.linear.scatter [tilespmem:s2], [sflag:$0x7], $0x2800, $0x38;
	[tilespmem:$0x1B280] =	vst v63  }
0x61: {  	_ =	swait.ge [sflag:s9], $0x2800  }
0x62: {  	[sflag:s9] =	ssyncset.done $0x0  }
0x63: {  	[sflag:s9] =	ssyncadd.s32 $0xFFFFD800  }
0x64: {  	[spmem:s30] =	stream.linear.scatter [tilespmem:s2], [sflag:$0x7], $0x2800, $0x38;
	[tilespmem:$0x1B280] =	vst v63  }
0x65: {  	_ =	swait.ge [sflag:s9], $0x2800  }
0x66: {  	[sflag:s9] =	ssyncset.done $0x0  }
0x67: {  	[sflag:s9] =	ssyncadd.s32 $0xFFFFD800  }
0x68: {  	[spmem:s31] =	stream.linear.scatter [tilespmem:s2], [sflag:$0x7], $0x2800, $0x38;
	[tilespmem:$0x1B280] =	vst v63  }
0x69: {  	_ =	swait.ge [sflag:s9], $0x2800  }
0x6a: {  	[sflag:s9] =	ssyncset.done $0x0  }
0x6b: {  	s18 =	simm.s32 @!p0 $0x200;
	[sflag:s9] =	ssyncadd.s32 $0xFFFFD800  }
0x6c: {  	[spmem:s1] =	stream.linear.scatter @!p0 [tilespmem:s18], [sflag:$0x7], $0x2800, $0x38;
	[tilespmem:$0x1B280] =	vst v63  }
0x6d: {  	s18 =	simm.s32 @!p0 $0x7  }
0x6e: {  	_ =	swait.ge @!p0 [sflag:s18], $0x2800  }
0x6f: {  	[sflag:s18] =	ssyncset.done @!p0 $0x0  }
0x70: {  	[sflag:s18] =	ssyncadd.s32 @!p0 $0xFFFFD800  }
0x71: {  	[bflag:$0x0] =	sbarrier.arrive $0xFFFF  }
0x72: {  	s18 =	simm.s32 $0x0;
	s19 =	rddreg [dreg:$0x7]  }
0x73: {  	[tilespmem:s18], [sflag:$0x7] =	stream.linear.gather [hbm4b:s19+s18], $0x50, $0x38;
	[tilespmem:$0x1B280] =	vst v63  }
0x74: {  	_ =	swait.ge [sflag:s9], $0x50  }
0x75: {  	[sflag:s9] =	ssyncset.done $0x0  }
0x76: {  	s24 =	rddreg [dreg:$0xc];
	[sflag:s9] =	ssyncadd.s32 $0xFFFFFFB0  }
0x77: {  	[tilespmem:s10], [sflag:$0x7] =	stream.linear.gather [hbm4b:s24+s18], $0x50, $0x38;
	[tilespmem:$0x1B280] =	vst v63  }
0x78: {  	_ =	swait.ge [sflag:s9], $0x50  }
0x79: {  	[sflag:s9] =	ssyncset.done $0x0  }
0x7a: {  	s20 =	simm.s32 $0x80;
	s25 =	rddreg [dreg:$0xd];
	[sflag:s9] =	ssyncadd.s32 $0xFFFFFFB0  }
0x7b: {  	[tilespmem:s20], [sflag:$0x6] =	stream.linear.gather [hbm4b:s25+s18], $0x50, $0x38;
	[tilespmem:$0x1B280] =	vst v63  }
0x7c: {  	s23 =	rddreg [dreg:$0xe]  }
0x7d: {  	[tilespmem:s11], [sflag:$0x6] =	stream.linear.gather [hbm4b:s23+s18], $0x50, $0x38;
	[tilespmem:$0x1B280] =	vst v63  }
.Ltmp3:
0x7e: {  	_ = 	snop;
	(pc) =	sbr.rel .LBB2_4-.Ltmp3, $4  }
0x7f: {  	_ = 	snop  }
0x80: {  	[tilespmem:s2], [sflag:$0x1] =	stream.indirect.gather [hbm4b:s0+s12], $0x80, s18, s12, $0xb8;
	[tilespmem:$0x1B280] =	vst v63  }
0x81: {  	s24 =	rddreg [dreg:$0xf];
	s25 =	simm.s32 $0x5200  }
0x82: {  	[tilespmem:s25], [sflag:$0x3] =	stream.linear.gather [hbm4b:s24+s18], $0x1400, $0x38;
	[tilespmem:$0x1B280] =	vst v63  }
.LBB2_11:
0x83: {  	s18 =	sadd.s32 $0x1, s18  }
0x84: {  	p2 =	sne.s32 s18, $0x7D  }
.Ltmp4:
0x85: {  	_ = 	snop;
	(pc) =	sbr.rel @!p2 .LBB2_12-.Ltmp4, $1  }
0x86: {  	_ =	sdelay $0x3  }
.LBB2_4:
0x87: {  	s19 =	sand.u32 $0x1, s18  }
0x88: {  	p2 =	seq.s32 s19, $0x1  }
.Ltmp5:
0x89: {  	_ = 	snop;
	(pc) =	sbr.rel @p2 .LBB2_8-.Ltmp5, $1  }
0x8a: {  	_ =	sdelay $0x3  }
0x8b: {  	_ =	swait.ge [sflag:s16], $0x2800  }
0x8c: {  	[sflag:s16] =	ssyncset.done $0x0  }
0x8d: {  	[sflag:s16] =	ssyncadd.s32 $0xFFFFD800  }
0x8e: {  	_ =	swait.ge [sflag:s17], $0x1400  }
0x8f: {  	p2 =	seq.s32 s18, $0x7C;
	[sflag:s17] =	ssyncset.done $0x0  }
0x90: {  	s20 =	simm.s32 @!p2 $0x6;
	[sflag:s17] =	ssyncadd.s32 $0xFFFFEC00  }
0x91: {  	_ =	swait.ge @!p2 [sflag:s20], $0x50  }
0x92: {  	[sflag:s20] =	ssyncset.done @!p2 $0x0  }
0x93: {  	[sflag:s20] =	ssyncadd.s32 @!p2 $0xFFFFFFB0  }
0x94: {  	_ =	swait.ge @!p2 [sflag:s20], $0x50  }
0x95: {  	s23 =	simm.s32 @!p2 $0x80;
	s24 =	simm.s32 @!p2 $0x2A00;
	[sflag:s20] =	ssyncset.done @!p2 $0x0  }
0x96: {  	s25 =	smul.u32 @!p2 $0x28, s18;
	[sflag:s20] =	ssyncadd.s32 @!p2 $0xFFFFFFB0;
	s20 =	simm.s32 @!p2 $0x50  }
0x97: {  	[tilespmem:s24], [sflag:$0x2] =	stream.indirect.gather @!p2 [hbm4b:s0+s20], $0x80, s23, s20, $0xb8;
	[tilespmem:$0x1B280] =	vst v63  }
0x98: {  	s20 =	sadd.s32 @!p2 s25, s21  }
0x99: {  	s23 =	simm.s32 @!p2 $0x0;
	s20 =	sshll.u32 @!p2 s20, $0x4  }
0x9a: {  	s24 =	simm.s32 @!p2 $0x6600;
	s25 =	simm.s32 $0x5300;
	s20 =	sadd.s32 @!p2 s7, s20  }
0x9b: {  	[tilespmem:s24], [sflag:$0x4] =	stream.linear.gather @!p2 [hbm4b:s20+s23], $0x1400, $0x38;
	[tilespmem:$0x1B280] =	vst v63  }
0x9c: {  	s20 =	simm.s32 $0x400;
	v1 =	vld [tilespmem:s25+$0x80]  }
0x9d: {  	v2 =	vld [tilespmem:s20+$0x100]  }
0x9e: {  	v3 =	vld [tilespmem:s20+$0x180]  }
0x9f: {  	v4 =	vld [tilespmem:s25+$0xFFFFFF80]  }
0xa0: {  	v5 =	vld [tilespmem:s25+$0x0]  }
0xa1: {  	v6 =	vld [tilespmem:s25+$0xFFFFFF00];
	v7 =	vshll.u32 v1, $0x10  }
0xa2: {  	v8 =	vld [tilespmem:s20+$0xFFFFFE00];
	v1 =	vand.u32 $0xFFFF0000, v1;
	v2 =	vmul.f32 v7, v2  }
0xa3: {  	v7 =	vld [tilespmem:s20+$0xFFFFFE80];
	v1 =	vmul.f32 v1, v3  }
0xa4: {  	v3 =	vld [tilespmem:s20+$0xFFFFFF00];
	[tilespmem:s20+$0x100] =	vst v2  }
0xa5: {  	v2 =	vld [tilespmem:s20+$0xFFFFFF80];
	[tilespmem:s20+$0x180] =	vst v1  }
0xa6: {  	v1 =	vshll.u32 v6, $0x10;
	v9 =	vld [tilespmem:s25+$0x90]  }
0xa7: {  	v6 =	vand.u32 $0xFFFF0000, v6;
	v1 =	vmul.f32 v1, v8;
	v8 =	vld [tilespmem:s20+$0x110]  }
0xa8: {  	v10 =	vshll.u32 v4, $0x10;
	v6 =	vmul.f32 v6, v7;
	v7 =	vld [tilespmem:s20+$0x190]  }
0xa9: {  	v4 =	vand.u32 $0xFFFF0000, v4;
	[tilespmem:s20+$0xFFFFFE00] =	vst v1;
	v1 =	vmul.f32 v10, v3;
	v3 =	vld [tilespmem:s20+$0x0]  }
0xaa: {  	v10 =	vld [tilespmem:s20+$0xFFFFFE10];
	[tilespmem:s20+$0xFFFFFE80] =	vst v6;
	v2 =	vmul.f32 v4, v2  }
0xab: {  	v4 =	vld [tilespmem:s20+$0x80];
	[tilespmem:s20+$0xFFFFFF00] =	vst v1;
	v1 =	vshll.u32 v9, $0x10  }
0xac: {  	v6 =	vld [tilespmem:s25+$0xFFFFFF10];
	[tilespmem:s20+$0xFFFFFF80] =	vst v2;
	v2 =	vand.u32 $0xFFFF0000, v9;
	v1 =	vmul.f32 v1, v8  }
0xad: {  	v9 =	vld [tilespmem:s20+$0xFFFFFE90];
	v2 =	vmul.f32 v2, v7  }
0xae: {  	v8 =	vld [tilespmem:s25+$0xFFFFFF90];
	v7 =	vshll.u32 v5, $0x10;
	[tilespmem:s20+$0x110] =	vst v1  }
0xaf: {  	v1 =	vand.u32 $0xFFFF0000, v5;
	v3 =	vmul.f32 v7, v3;
	v5 =	vld [tilespmem:s20+$0xFFFFFF10];
	[tilespmem:s20+$0x190] =	vst v2  }
0xb0: {  	v1 =	vmul.f32 v1, v4;
	v2 =	vld [tilespmem:s25+$0xA0]  }
0xb1: {  	[tilespmem:s20+$0x0] =	vst v3;
	v3 =	vld [tilespmem:s20+$0x120]  }
0xb2: {  	v4 =	vshll.u32 v6, $0x10;
	v6 =	vand.u32 $0xFFFF0000, v6;
	[tilespmem:s20+$0x80] =	vst v1;
	v1 =	vld [tilespmem:s20+$0x1A0]  }
0xb3: {  	v4 =	vmul.f32 v4, v10;
	v6 =	vmul.f32 v6, v9;
	v9 =	vld [tilespmem:s20+$0xFFFFFF90]  }
0xb4: {  	v7 =	vld [tilespmem:s25+$0x10]  }
0xb5: {  	[tilespmem:s20+$0xFFFFFE10] =	vst v4;
	v4 =	vld [tilespmem:s20+$0x10];
	v10 =	vshll.u32 v2, $0x10  }
0xb6: {  	[tilespmem:s20+$0xFFFFFE90] =	vst v6;
	v6 =	vld [tilespmem:s20+$0x90];
	v2 =	vand.u32 $0xFFFF0000, v2;
	v3 =	vmul.f32 v10, v3  }
0xb7: {  	v11 =	vld [tilespmem:s25+$0xFFFFFF20];
	v10 =	vshll.u32 v8, $0x10;
	v1 =	vmul.f32 v2, v1  }
0xb8: {  	v2 =	vand.u32 $0xFFFF0000, v8;
	v8 =	vld [tilespmem:s20+$0xFFFFFE20];
	v5 =	vmul.f32 v10, v5;
	[tilespmem:s20+$0x120] =	vst v3  }
0xb9: {  	v10 =	vld [tilespmem:s20+$0xFFFFFEA0];
	v2 =	vmul.f32 v2, v9;
	v3 =	vshll.u32 v7, $0x10;
	[tilespmem:s20+$0x1A0] =	vst v1  }
0xba: {  	[tilespmem:s20+$0xFFFFFF10] =	vst v5;
	v3 =	vmul.f32 v3, v4;
	v4 =	vld [tilespmem:s25+$0xB0]  }
0xbb: {  	v1 =	vand.u32 $0xFFFF0000, v7;
	[tilespmem:s20+$0xFFFFFF90] =	vst v2;
	v2 =	vld [tilespmem:s20+$0x130]  }
0xbc: {  	v1 =	vmul.f32 v1, v6;
	v6 =	vld [tilespmem:s25+$0xFFFFFFA0]  }
0xbd: {  	v5 =	vshll.u32 v11, $0x10;
	[tilespmem:s20+$0x10] =	vst v3;
	v3 =	vld [tilespmem:s20+$0x1B0]  }
0xbe: {  	v5 =	vmul.f32 v5, v8;
	v8 =	vld [tilespmem:s20+$0xFFFFFF20]  }
0xbf: {  	[tilespmem:s20+$0x90] =	vst v1;
	v1 =	vand.u32 $0xFFFF0000, v11;
	v11 =	vld [tilespmem:s20+$0xFFFFFF40]  }
0xc0: {  	v7 =	vld [tilespmem:s25+$0x20];
	v1 =	vmul.f32 v1, v10;
	v9 =	vshll.u32 v4, $0x10  }
0xc1: {  	[tilespmem:s20+$0xFFFFFE20] =	vst v5;
	v5 =	vld [tilespmem:s20+$0xFFFFFFA0];
	v4 =	vand.u32 $0xFFFF0000, v4;
	v2 =	vmul.f32 v9, v2  }
0xc2: {  	[tilespmem:s20+$0xFFFFFEA0] =	vst v1;
	v1 =	vld [tilespmem:s20+$0x20];
	v3 =	vmul.f32 v4, v3  }
0xc3: {  	v4 =	vld [tilespmem:s20+$0xA0];
	[tilespmem:s20+$0x130] =	vst v2  }
0xc4: {  	v10 =	vld [tilespmem:s20+$0x30];
	v2 =	vshll.u32 v6, $0x10;
	[tilespmem:s20+$0x1B0] =	vst v3  }
0xc5: {  	v3 =	vand.u32 $0xFFFF0000, v6;
	v2 =	vmul.f32 v2, v8;
	v6 =	vld [tilespmem:s25+$0xC0]  }
0xc6: {  	v8 =	vshll.u32 v7, $0x10;
	v3 =	vmul.f32 v3, v5;
	v5 =	vld [tilespmem:s20+$0x140]  }
0xc7: {  	v7 =	vand.u32 $0xFFFF0000, v7;
	v1 =	vmul.f32 v8, v1;
	[tilespmem:s20+$0xFFFFFF20] =	vst v2;
	v2 =	vld [tilespmem:s20+$0x1C0]  }
0xc8: {  	v9 =	vld [tilespmem:s25+$0xFFFFFF30];
	[tilespmem:s20+$0xFFFFFFA0] =	vst v3;
	v3 =	vmul.f32 v7, v4  }
0xc9: {  	v8 =	vld [tilespmem:s20+$0xFFFFFE30];
	[tilespmem:s20+$0x20] =	vst v1  }
0xca: {  	v1 =	vld [tilespmem:s20+$0xFFFFFEB0];
	[tilespmem:s20+$0xA0] =	vst v3;
	v3 =	vshll.u32 v6, $0x10  }
0xcb: {  	v4 =	vld [tilespmem:s25+$0xFFFFFFB0];
	v6 =	vand.u32 $0xFFFF0000, v6;
	v3 =	vmul.f32 v3, v5  }
0xcc: {  	v5 =	vld [tilespmem:s20+$0xFFFFFF30];
	v2 =	vmul.f32 v6, v2  }
0xcd: {  	v6 =	vld [tilespmem:s20+$0xFFFFFFB0];
	[tilespmem:s20+$0x140] =	vst v3  }
0xce: {  	v7 =	vld [tilespmem:s25+$0x30];
	v3 =	vshll.u32 v9, $0x10;
	[tilespmem:s20+$0x1C0] =	vst v2  }
0xcf: {  	v2 =	vand.u32 $0xFFFF0000, v9;
	v3 =	vmul.f32 v3, v8;
	v8 =	vld [tilespmem:s25+$0xD0]  }
0xd0: {  	v9 =	vshll.u32 v4, $0x10;
	v1 =	vmul.f32 v2, v1;
	v2 =	vld [tilespmem:s20+$0x150]  }
0xd1: {  	v4 =	vand.u32 $0xFFFF0000, v4;
	[tilespmem:s20+$0xFFFFFE30] =	vst v3;
	v3 =	vmul.f32 v9, v5;
	v5 =	vld [tilespmem:s20+$0x1D0]  }
0xd2: {  	[tilespmem:s20+$0xFFFFFEB0] =	vst v1;
	v1 =	vmul.f32 v4, v6;
	v4 =	vld [tilespmem:s20+$0xB0]  }
0xd3: {  	v6 =	vld [tilespmem:s25+$0xFFFFFF40];
	[tilespmem:s20+$0xFFFFFF30] =	vst v3  }
0xd4: {  	v3 =	vld [tilespmem:s20+$0xFFFFFE40];
	[tilespmem:s20+$0xFFFFFFB0] =	vst v1;
	v1 =	vshll.u32 v8, $0x10  }
0xd5: {  	v9 =	vld [tilespmem:s25+$0xFFFFFFC0];
	v8 =	vand.u32 $0xFFFF0000, v8;
	v1 =	vmul.f32 v1, v2  }
0xd6: {  	v2 =	vld [tilespmem:s20+$0xFFFFFEC0];
	v5 =	vmul.f32 v8, v5;
	v8 =	vshll.u32 v7, $0x10  }
0xd7: {  	[tilespmem:s20+$0x150] =	vst v1;
	v1 =	vand.u32 $0xFFFF0000, v7;
	v7 =	vmul.f32 v8, v10;
	v8 =	vld [tilespmem:s20+$0xFFFFFFC0]  }
0xd8: {  	[tilespmem:s20+$0x1D0] =	vst v5;
	v1 =	vmul.f32 v1, v4;
	v5 =	vld [tilespmem:s20+$0x160]  }
0xd9: {  	v4 =	vld [tilespmem:s25+$0xE0];
	[tilespmem:s20+$0x30] =	vst v7  }
0xda: {  	v7 =	vshll.u32 v6, $0x10;
	[tilespmem:s20+$0xB0] =	vst v1;
	v1 =	vld [tilespmem:s20+$0x1E0]  }
0xdb: {  	v6 =	vand.u32 $0xFFFF0000, v6;
	v3 =	vmul.f32 v7, v3;
	v7 =	vld [tilespmem:s25+$0x40]  }
0xdc: {  	v10 =	vshll.u32 v9, $0x10;
	v2 =	vmul.f32 v6, v2;
	v6 =	vld [tilespmem:s20+$0x40]  }
0xdd: {  	v9 =	vand.u32 $0xFFFF0000, v9;
	[tilespmem:s20+$0xFFFFFE40] =	vst v3;
	v3 =	vmul.f32 v10, v11;
	v10 =	vld [tilespmem:s20+$0xC0]  }
0xde: {  	v12 =	vld [tilespmem:s20+$0xFFFFFEF0];
	[tilespmem:s20+$0xFFFFFEC0] =	vst v2;
	v2 =	vmul.f32 v9, v8;
	v8 =	vshll.u32 v4, $0x10  }
0xdf: {  	[tilespmem:s20+$0xFFFFFF40] =	vst v3;
	v3 =	vld [tilespmem:s25+$0xFFFFFF50];
	v4 =	vand.u32 $0xFFFF0000, v4;
	v5 =	vmul.f32 v8, v5  }
0xe0: {  	[tilespmem:s20+$0xFFFFFFC0] =	vst v2;
	v2 =	vld [tilespmem:s20+$0xFFFFFE50];
	v1 =	vmul.f32 v4, v1;
	v4 =	vshll.u32 v7, $0x10  }
0xe1: {  	v7 =	vand.u32 $0xFFFF0000, v7;
	[tilespmem:s20+$0x160] =	vst v5;
	v5 =	vld [tilespmem:s20+$0xFFFFFED0];
	v4 =	vmul.f32 v4, v6  }
0xe2: {  	v11 =	vld [tilespmem:s20+$0xFFFFFEE0];
	[tilespmem:s20+$0x1E0] =	vst v1;
	v1 =	vmul.f32 v7, v10  }
0xe3: {  	v6 =	vld [tilespmem:s25+$0xFFFFFFD0];
	[tilespmem:s20+$0x40] =	vst v4  }
0xe4: {  	v7 =	vld [tilespmem:s20+$0xFFFFFF50];
	v4 =	vshll.u32 v3, $0x10;
	[tilespmem:s20+$0xC0] =	vst v1  }
0xe5: {  	v1 =	vand.u32 $0xFFFF0000, v3;
	v2 =	vmul.f32 v4, v2;
	v3 =	vld [tilespmem:s25+$0x50]  }
0xe6: {  	v4 =	vld [tilespmem:s20+$0xFFFFFFD0];
	v1 =	vmul.f32 v1, v5  }
0xe7: {  	[tilespmem:s20+$0xFFFFFE50] =	vst v2;
	v2 =	vld [tilespmem:s20+$0x50]  }
0xe8: {  	[tilespmem:s20+$0xFFFFFED0] =	vst v1;
	v1 =	vld [tilespmem:s20+$0xD0]  }
0xe9: {  	v5 =	vshll.u32 v6, $0x10;
	v8 =	vld [tilespmem:s25+$0xFFFFFF60]  }
0xea: {  	v6 =	vand.u32 $0xFFFF0000, v6;
	v5 =	vmul.f32 v5, v7;
	v7 =	vld [tilespmem:s20+$0xFFFFFE60]  }
0xeb: {  	v9 =	vld [tilespmem:s25+$0xF0];
	v10 =	vshll.u32 v3, $0x10;
	v4 =	vmul.f32 v6, v4  }
0xec: {  	[tilespmem:s20+$0xFFFFFF50] =	vst v5;
	v3 =	vand.u32 $0xFFFF0000, v3;
	v5 =	vld [tilespmem:s20+$0xFFFFFF60];
	v2 =	vmul.f32 v10, v2  }
0xed: {  	v6 =	vld [tilespmem:s20+$0x1F0];
	[tilespmem:s20+$0xFFFFFFD0] =	vst v4;
	v1 =	vmul.f32 v3, v1  }
0xee: {  	v4 =	vld [tilespmem:s25+$0xFFFFFFE0];
	[tilespmem:s20+$0x50] =	vst v2;
	v3 =	vshll.u32 v8, $0x10  }
0xef: {  	v10 =	vld [tilespmem:s20+$0xFFFFFFE0];
	v2 =	vand.u32 $0xFFFF0000, v8;
	v3 =	vmul.f32 v3, v7;
	[tilespmem:s20+$0xD0] =	vst v1  }
0xf0: {  	v2 =	vmul.f32 v2, v11;
	v7 =	vld [tilespmem:s25+$0x60]  }
0xf1: {  	v1 =	vld [tilespmem:s20+$0x60];
	[tilespmem:s20+$0xFFFFFE60] =	vst v3  }
0xf2: {  	v3 =	vld [tilespmem:s20+$0xE0];
	[tilespmem:s20+$0xFFFFFEE0] =	vst v2  }
0xf3: {  	v2 =	vshll.u32 v4, $0x10;
	v11 =	vld [tilespmem:s25+$0xFFFFFF70]  }
0xf4: {  	v8 =	vld [tilespmem:s20+$0xFFFFFE70];
	v4 =	vand.u32 $0xFFFF0000, v4;
	v5 =	vmul.f32 v2, v5  }
0xf5: {  	v2 =	vld [tilespmem:s20+$0xFFFFFF70];
	v10 =	vmul.f32 v4, v10;
	v4 =	vshll.u32 v7, $0x10  }
0xf6: {  	[tilespmem:s20+$0xFFFFFF60] =	vst v5;
	v5 =	vand.u32 $0xFFFF0000, v7;
	v1 =	vmul.f32 v4, v1;
	v4 =	vld [tilespmem:s20+$0xFFFFFFF0]  }
0xf7: {  	[tilespmem:s20+$0xFFFFFFE0] =	vst v10;
	v7 =	vand.u32 $0xFFFF0000, v9;
	v5 =	vmul.f32 v5, v3;
	v3 =	vld [tilespmem:s20+$0x70]  }
0xf8: {  	[tilespmem:s20+$0x60] =	vst v1;
	v1 =	vmul.f32 v7, v6;
	v6 =	vshll.u32 v11, $0x10;
	v7 =	vld [tilespmem:s25+$0xFFFFFFF0]  }
0xf9: {  	v10 =	vand.u32 $0xFFFF0000, v11;
	[tilespmem:s20+$0xE0] =	vst v5;
	v5 =	vld [tilespmem:s20+$0xF0];
	v6 =	vmul.f32 v6, v8  }
0xfa: {  	v8 =	vld [tilespmem:s25+$0x70];
	[tilespmem:s20+$0x1F0] =	vst v1;
	v1 =	vshll.u32 v9, $0x10;
	v9 =	vmul.f32 v10, v12  }
0xfb: {  	s23 =	simm.s32 $0x0;
	s24 =	simm.s32 $0x5500;
	s25 =	simm.s32 $0x400;
	[tilespmem:s20+$0xFFFFFE70] =	vst v6;
	v6 =	vld [tilespmem:s20+$0x170]  }
.LBB2_6:
0xfc: {  	v10 =	vld [tilespmem:s24+$0x80];
	[tilespmem:s20+$0xFFFFFEF0] =	vst v9;
	s25 =	sadd.s32 $0x400, s25  }
0xfd: {  	v9 =	vld [tilespmem:s25+$0x100];
	v11 =	vshll.u32 v7, $0x10;
	v7 =	vand.u32 $0xFFFF0000, v7  }
0xfe: {  	v12 =	vld [tilespmem:s25+$0x180];
	v2 =	vmul.f32 v11, v2;
	v4 =	vmul.f32 v7, v4  }
0xff: {  	v7 =	vld [tilespmem:s24+$0xFFFFFF80];
	v11 =	vshll.u32 v8, $0x10;
	v8 =	vand.u32 $0xFFFF0000, v8  }
0x100: {  	v13 =	vld [tilespmem:s24+$0x0];
	[tilespmem:s20+$0xFFFFFF70] =	vst v2;
	v2 =	vmul.f32 v11, v3;
	v3 =	vmul.f32 v8, v5  }
0x101: {  	v1 =	vmul.f32 v1, v6;
	v5 =	vld [tilespmem:s24+$0xFFFFFF00];
	v8 =	vshll.u32 v10, $0x10;
	[tilespmem:s20+$0xFFFFFFF0] =	vst v4  }
0x102: {  	v6 =	vand.u32 $0xFFFF0000, v10;
	v4 =	vld [tilespmem:s25+$0xFFFFFE00];
	v8 =	vmul.f32 v8, v9;
	[tilespmem:s20+$0x70] =	vst v2  }
0x103: {  	s23 =	sadd.s32 $0x4, s23;
	v2 =	vld [tilespmem:s25+$0xFFFFFE80];
	v6 =	vmul.f32 v6, v12;
	[tilespmem:s20+$0xF0] =	vst v3  }
0x104: {  	p2 =	slt.u32 s23, $0x24;
	v3 =	vshll.u32 v7, $0x10;
	v7 =	vand.u32 $0xFFFF0000, v7;
	v9 =	vld [tilespmem:s25+$0xFFFFFF00];
	[tilespmem:s25+$0x100] =	vst v8  }
0x105: {  	v8 =	vld [tilespmem:s25+$0xFFFFFF80];
	v10 =	vshll.u32 v13, $0x10;
	v11 =	vand.u32 $0xFFFF0000, v13;
	[tilespmem:s25+$0x180] =	vst v6  }
0x106: {  	v6 =	vshll.u32 v5, $0x10;
	v5 =	vand.u32 $0xFFFF0000, v5;
	v12 =	vld [tilespmem:s24+$0x90];
	[tilespmem:s20+$0x170] =	vst v1;
	s20 =	smov.u32 s25  }
0x107: {  	v1 =	vmul.f32 v6, v4;
	v4 =	vld [tilespmem:s25+$0x110]  }
0x108: {  	v2 =	vmul.f32 v5, v2;
	v5 =	vld [tilespmem:s25+$0x190]  }
0x109: {  	[tilespmem:s25+$0xFFFFFE00] =	vst v1;
	v1 =	vmul.f32 v3, v9;
	v3 =	vld [tilespmem:s25+$0x0]  }
0x10a: {  	[tilespmem:s25+$0xFFFFFE80] =	vst v2;
	v2 =	vmul.f32 v7, v8;
	v6 =	vld [tilespmem:s25+$0x80]  }
0x10b: {  	v7 =	vld [tilespmem:s24+$0xFFFFFF10];
	[tilespmem:s25+$0xFFFFFF00] =	vst v1;
	v1 =	vshll.u32 v12, $0x10  }
0x10c: {  	v8 =	vld [tilespmem:s25+$0xFFFFFE10];
	[tilespmem:s25+$0xFFFFFF80] =	vst v2;
	v2 =	vand.u32 $0xFFFF0000, v12;
	v1 =	vmul.f32 v1, v4  }
0x10d: {  	v4 =	vld [tilespmem:s24+$0xFFFFFF90];
	v2 =	vmul.f32 v2, v5  }
0x10e: {  	v5 =	vld [tilespmem:s25+$0xFFFFFE90];
	v3 =	vmul.f32 v10, v3;
	[tilespmem:s25+$0x110] =	vst v1  }
0x10f: {  	v1 =	vld [tilespmem:s25+$0xFFFFFF10];
	v6 =	vmul.f32 v11, v6;
	[tilespmem:s25+$0x190] =	vst v2  }
0x110: {  	v2 =	vshll.u32 v7, $0x10;
	v7 =	vand.u32 $0xFFFF0000, v7;
	[tilespmem:s25+$0x0] =	vst v3;
	v3 =	vld [tilespmem:s24+$0xA0]  }
0x111: {  	v2 =	vmul.f32 v2, v8;
	[tilespmem:s25+$0x80] =	vst v6;
	v6 =	vld [tilespmem:s25+$0x120]  }
0x112: {  	v8 =	vshll.u32 v4, $0x10;
	v4 =	vand.u32 $0xFFFF0000, v4;
	v9 =	vld [tilespmem:s25+$0x1A0]  }
0x113: {  	[tilespmem:s25+$0xFFFFFE10] =	vst v2;
	v2 =	vmul.f32 v7, v5;
	v5 =	vld [tilespmem:s24+$0x10]  }
0x114: {  	v1 =	vmul.f32 v8, v1;
	v7 =	vld [tilespmem:s25+$0xFFFFFF90]  }
0x115: {  	[tilespmem:s25+$0xFFFFFE90] =	vst v2;
	v2 =	vld [tilespmem:s25+$0x10];
	v8 =	vshll.u32 v3, $0x10  }
0x116: {  	v3 =	vand.u32 $0xFFFF0000, v3;
	[tilespmem:s25+$0xFFFFFF10] =	vst v1;
	v1 =	vld [tilespmem:s25+$0x90];
	v6 =	vmul.f32 v8, v6  }
0x117: {  	v8 =	vld [tilespmem:s24+$0xFFFFFF20];
	v3 =	vmul.f32 v3, v9  }
0x118: {  	v9 =	vld [tilespmem:s25+$0xFFFFFE20];
	v10 =	vshll.u32 v5, $0x10;
	v5 =	vand.u32 $0xFFFF0000, v5;
	[tilespmem:s25+$0x120] =	vst v6  }
0x119: {  	v6 =	vld [tilespmem:s25+$0xFFFFFEA0];
	v4 =	vmul.f32 v4, v7;
	[tilespmem:s25+$0x1A0] =	vst v3  }
0x11a: {  	v2 =	vmul.f32 v10, v2;
	v3 =	vld [tilespmem:s24+$0xB0]  }
0x11b: {  	[tilespmem:s25+$0xFFFFFF90] =	vst v4;
	v1 =	vmul.f32 v5, v1;
	v4 =	vld [tilespmem:s25+$0x130]  }
0x11c: {  	v5 =	vshll.u32 v8, $0x10;
	v7 =	vand.u32 $0xFFFF0000, v8;
	[tilespmem:s25+$0x10] =	vst v2;
	v2 =	vld [tilespmem:s25+$0x1B0]  }
0x11d: {  	v5 =	vmul.f32 v5, v9;
	v8 =	vld [tilespmem:s24+$0xFFFFFFA0];
	[tilespmem:s25+$0x90] =	vst v1  }
0x11e: {  	v1 =	vmul.f32 v7, v6;
	v6 =	vld [tilespmem:s24+$0x20]  }
0x11f: {  	[tilespmem:s25+$0xFFFFFE20] =	vst v5;
	v5 =	vld [tilespmem:s25+$0xFFFFFF20];
	v7 =	vshll.u32 v3, $0x10  }
0x120: {  	v3 =	vand.u32 $0xFFFF0000, v3;
	[tilespmem:s25+$0xFFFFFEA0] =	vst v1;
	v1 =	vld [tilespmem:s25+$0xFFFFFFA0];
	v4 =	vmul.f32 v7, v4  }
0x121: {  	v7 =	vld [tilespmem:s25+$0x20];
	v2 =	vmul.f32 v3, v2  }
0x122: {  	v3 =	vshll.u32 v8, $0x10;
	v8 =	vand.u32 $0xFFFF0000, v8;
	v9 =	vld [tilespmem:s25+$0xA0];
	[tilespmem:s25+$0x130] =	vst v4  }
0x123: {  	v4 =	vld [tilespmem:s24+$0xFFFFFF30];
	v10 =	vshll.u32 v6, $0x10;
	v6 =	vand.u32 $0xFFFF0000, v6;
	[tilespmem:s25+$0x1B0] =	vst v2  }
0x124: {  	v2 =	vmul.f32 v3, v5;
	v3 =	vld [tilespmem:s24+$0xC0]  }
0x125: {  	v1 =	vmul.f32 v8, v1;
	v5 =	vld [tilespmem:s25+$0x140]  }
0x126: {  	[tilespmem:s25+$0xFFFFFF20] =	vst v2;
	v2 =	vmul.f32 v10, v7;
	v7 =	vld [tilespmem:s25+$0x1C0]  }
0x127: {  	v8 =	vld [tilespmem:s25+$0xFFFFFE30];
	[tilespmem:s25+$0xFFFFFFA0] =	vst v1;
	v1 =	vmul.f32 v6, v9  }
0x128: {  	v6 =	vshll.u32 v4, $0x10;
	v4 =	vand.u32 $0xFFFF0000, v4;
	v9 =	vld [tilespmem:s24+$0xFFFFFFB0];
	[tilespmem:s25+$0x20] =	vst v2  }
0x129: {  	v2 =	vld [tilespmem:s25+$0xFFFFFEB0];
	[tilespmem:s25+$0xA0] =	vst v1;
	v1 =	vshll.u32 v3, $0x10  }
0x12a: {  	v3 =	vand.u32 $0xFFFF0000, v3;
	v10 =	vld [tilespmem:s24+$0x30];
	v1 =	vmul.f32 v1, v5  }
0x12b: {  	v5 =	vld [tilespmem:s25+$0xFFFFFF30];
	v3 =	vmul.f32 v3, v7  }
0x12c: {  	v6 =	vmul.f32 v6, v8;
	v7 =	vld [tilespmem:s25+$0xFFFFFFB0];
	[tilespmem:s25+$0x140] =	vst v1  }
0x12d: {  	v1 =	vshll.u32 v9, $0x10;
	v8 =	vand.u32 $0xFFFF0000, v9;
	v9 =	vld [tilespmem:s25+$0x30];
	[tilespmem:s25+$0x1C0] =	vst v3  }
0x12e: {  	[tilespmem:s25+$0xFFFFFE30] =	vst v6;
	v2 =	vmul.f32 v4, v2;
	v3 =	vld [tilespmem:s24+$0xD0]  }
0x12f: {  	v4 =	vshll.u32 v10, $0x10;
	v6 =	vand.u32 $0xFFFF0000, v10;
	v10 =	vld [tilespmem:s25+$0x150]  }
0x130: {  	[tilespmem:s25+$0xFFFFFEB0] =	vst v2;
	v1 =	vmul.f32 v1, v5;
	v2 =	vld [tilespmem:s25+$0x1D0]  }
0x131: {  	v5 =	vmul.f32 v8, v7;
	v7 =	vld [tilespmem:s25+$0xB0]  }
0x132: {  	v8 =	vld [tilespmem:s24+$0xFFFFFF40];
	[tilespmem:s25+$0xFFFFFF30] =	vst v1;
	v1 =	vmul.f32 v4, v9  }
0x133: {  	v4 =	vld [tilespmem:s25+$0xFFFFFE40];
	[tilespmem:s25+$0xFFFFFFB0] =	vst v5;
	v5 =	vshll.u32 v3, $0x10  }
0x134: {  	v9 =	vld [tilespmem:s24+$0xFFFFFFC0];
	[tilespmem:s25+$0x30] =	vst v1;
	v1 =	vand.u32 $0xFFFF0000, v3;
	v3 =	vmul.f32 v5, v10  }
0x135: {  	v5 =	vld [tilespmem:s25+$0xFFFFFEC0];
	v1 =	vmul.f32 v1, v2  }
0x136: {  	v2 =	vld [tilespmem:s25+$0xFFFFFF40];
	v6 =	vmul.f32 v6, v7;
	[tilespmem:s25+$0x150] =	vst v3  }
0x137: {  	v3 =	vshll.u32 v8, $0x10;
	v7 =	vand.u32 $0xFFFF0000, v8;
	v8 =	vld [tilespmem:s25+$0xFFFFFFC0];
	[tilespmem:s25+$0x1D0] =	vst v1  }
0x138: {  	v1 =	vmul.f32 v3, v4;
	[tilespmem:s25+$0xB0] =	vst v6;
	v3 =	vld [tilespmem:s24+$0xE0]  }
0x139: {  	v4 =	vshll.u32 v9, $0x10;
	v6 =	vand.u32 $0xFFFF0000, v9;
	v9 =	vld [tilespmem:s25+$0x160]  }
0x13a: {  	[tilespmem:s25+$0xFFFFFE40] =	vst v1;
	v1 =	vmul.f32 v7, v5;
	v5 =	vld [tilespmem:s25+$0x1E0]  }
0x13b: {  	v2 =	vmul.f32 v4, v2;
	v4 =	vld [tilespmem:s24+$0x40]  }
0x13c: {  	[tilespmem:s25+$0xFFFFFEC0] =	vst v1;
	v1 =	vmul.f32 v6, v8;
	v6 =	vld [tilespmem:s25+$0x40]  }
0x13d: {  	[tilespmem:s25+$0xFFFFFF40] =	vst v2;
	v2 =	vld [tilespmem:s25+$0xC0];
	v7 =	vshll.u32 v3, $0x10  }
0x13e: {  	v8 =	vld [tilespmem:s24+$0xFFFFFF50];
	[tilespmem:s25+$0xFFFFFFC0] =	vst v1;
	v1 =	vand.u32 $0xFFFF0000, v3;
	v3 =	vmul.f32 v7, v9  }
0x13f: {  	v7 =	vld [tilespmem:s24+$0xFFFFFFD0];
	v1 =	vmul.f32 v1, v5  }
0x140: {  	v5 =	vld [tilespmem:s25+$0xFFFFFE50];
	v9 =	vshll.u32 v4, $0x10;
	v4 =	vand.u32 $0xFFFF0000, v4;
	[tilespmem:s25+$0x160] =	vst v3  }
0x141: {  	v3 =	vld [tilespmem:s25+$0xFFFFFED0];
	v6 =	vmul.f32 v9, v6;
	[tilespmem:s25+$0x1E0] =	vst v1  }
0x142: {  	v1 =	vmul.f32 v4, v2;
	v2 =	vld [tilespmem:s24+$0xF0]  }
0x143: {  	v4 =	vshll.u32 v8, $0x10;
	v8 =	vand.u32 $0xFFFF0000, v8;
	[tilespmem:s25+$0x40] =	vst v6;
	v6 =	vld [tilespmem:s25+$0x1F0]  }
0x144: {  	v9 =	vshll.u32 v7, $0x10;
	v7 =	vand.u32 $0xFFFF0000, v7;
	v10 =	vld [tilespmem:s25+$0xFFFFFF50];
	[tilespmem:s25+$0xC0] =	vst v1  }
0x145: {  	v1 =	vmul.f32 v4, v5;
	v4 =	vld [tilespmem:s24+$0x50]  }
0x146: {  	v3 =	vmul.f32 v8, v3;
	v5 =	vld [tilespmem:s25+$0xFFFFFFD0]  }
0x147: {  	[tilespmem:s25+$0xFFFFFE50] =	vst v1;
	v8 =	vld [tilespmem:s25+$0x50];
	v1 =	vshll.u32 v2, $0x10;
	v2 =	vand.u32 $0xFFFF0000, v2  }
0x148: {  	[tilespmem:s25+$0xFFFFFED0] =	vst v3;
	v3 =	vld [tilespmem:s25+$0xD0];
	v2 =	vmul.f32 v2, v6  }
0x149: {  	v6 =	vld [tilespmem:s24+$0xFFFFFF60];
	v9 =	vmul.f32 v9, v10  }
0x14a: {  	v10 =	vld [tilespmem:s25+$0xFFFFFE60];
	v11 =	vshll.u32 v4, $0x10;
	v4 =	vand.u32 $0xFFFF0000, v4;
	[tilespmem:s25+$0x1F0] =	vst v2  }
0x14b: {  	v2 =	vld [tilespmem:s25+$0xFFFFFEE0];
	[tilespmem:s25+$0xFFFFFF50] =	vst v9;
	v5 =	vmul.f32 v7, v5  }
0x14c: {  	v7 =	vld [tilespmem:s25+$0xFFFFFF60];
	v8 =	vmul.f32 v11, v8  }
0x14d: {  	[tilespmem:s25+$0xFFFFFFD0] =	vst v5;
	v5 =	vld [tilespmem:s25+$0xFFFFFFE0];
	v3 =	vmul.f32 v4, v3  }
0x14e: {  	v4 =	vshll.u32 v6, $0x10;
	v6 =	vand.u32 $0xFFFF0000, v6;
	v9 =	vld [tilespmem:s24+$0xFFFFFFE0];
	[tilespmem:s25+$0x50] =	vst v8  }
0x14f: {  	v4 =	vmul.f32 v4, v10;
	[tilespmem:s25+$0xD0] =	vst v3;
	v3 =	vld [tilespmem:s25+$0x60]  }
0x150: {  	v2 =	vmul.f32 v6, v2;
	v6 =	vld [tilespmem:s24+$0x60]  }
0x151: {  	[tilespmem:s25+$0xFFFFFE60] =	vst v4;
	v8 =	vld [tilespmem:s25+$0xE0]  }
0x152: {  	[tilespmem:s25+$0xFFFFFEE0] =	vst v2;
	v10 =	vld [tilespmem:s25+$0xFFFFFE70]  }
0x153: {  	v11 =	vld [tilespmem:s24+$0xFFFFFF70];
	v2 =	vshll.u32 v9, $0x10;
	v4 =	vand.u32 $0xFFFF0000, v9  }
0x154: {  	v9 =	vld [tilespmem:s25+$0xFFFFFEF0];
	v7 =	vmul.f32 v2, v7;
	v5 =	vmul.f32 v4, v5  }
0x155: {  	v2 =	vld [tilespmem:s25+$0xFFFFFF70];
	v12 =	vshll.u32 v6, $0x10;
	v6 =	vand.u32 $0xFFFF0000, v6  }
0x156: {  	[tilespmem:s25+$0xFFFFFF60] =	vst v7;
	v4 =	vld [tilespmem:s25+$0xFFFFFFF0];
	v12 =	vmul.f32 v12, v3;
	v6 =	vmul.f32 v6, v8  }
.Ltmp6:
0x157: {  	[tilespmem:s25+$0xFFFFFFE0] =	vst v5;
	v3 =	vld [tilespmem:s25+$0x70];
	(pc) =	sbr.rel @p2 .LBB2_6-.Ltmp6, $4  }
0x158: {  	v5 =	vshll.u32 v11, $0x10;
	v8 =	vand.u32 $0xFFFF0000, v11;
	v7 =	vld [tilespmem:s24+$0xFFFFFFF0];
	[tilespmem:s25+$0x60] =	vst v12  }
0x159: {  	v10 =	vmul.f32 v5, v10;
	v9 =	vmul.f32 v8, v9;
	[tilespmem:s25+$0xE0] =	vst v6;
	v5 =	vld [tilespmem:s25+$0xF0]  }
0x15a: {  	v8 =	vld [tilespmem:s24+$0x70]  }
0x15b: {  	s24 =	sadd.s32 $0x200, s24;
	[tilespmem:s25+$0xFFFFFE70] =	vst v10;
	v6 =	vld [tilespmem:s25+$0x170]  }
0x15c: {  	_ = 	snop  }
0x15d: {  	v10 =	vshll.u32 v7, $0x10  }
0x15e: {  	v61 =	vand.u32 $0xFFFF0000, v7;
	v2 =	vmul.f32 v10, v2  }
0x15f: {  	[tilespmem:s20+$0xFFFFFEF0] =	vst v9;
	v4 =	vmul.f32 v61, v4;
	v62 =	vshll.u32 v8, $0x10  }
0x160: {  	v63 =	vand.u32 $0xFFFF0000, v8;
	[tilespmem:s20+$0xFFFFFF70] =	vst v2;
	v2 =	vmul.f32 v62, v3  }
0x161: {  	v3 =	vmul.f32 v63, v5;
	[tilespmem:s20+$0xFFFFFFF0] =	vst v4  }
0x162: {  	v1 =	vmul.f32 v1, v6;
	[tilespmem:s20+$0x70] =	vst v2  }
0x163: {  	p2 =	sgt.u32 s18, $0x7A;
	[tilespmem:s20+$0xF0] =	vst v3  }
0x164: {  	[tilespmem:s20+$0x170] =	vst v1;
	s20 =	smul.u32 @!p2 $0x50, s18  }
0x165: {  	[spmem:s3] =	stream.indirect.scatter.add.f32 [tilespmem:s2], [sflag:$0x7], $0x80, s10, s12, $0xb8;
	[tilespmem:$0x1B280] =	vst v63  }
0x166: {  	_ =	swait.ge [sflag:s9], $0x2800;
	s20 =	sadd.s32 @!p2 s20, s22  }
0x167: {  	[sflag:s9] =	ssyncset.done $0x0;
	s20 =	sshrl.u32 @!p2 s20, $0x3  }
0x168: {  	s24 =	simm.s32 @!p2 $0x0;
	[sflag:s9] =	ssyncadd.s32 $0xFFFFD800;
	s23 =	sadd.s32 @!p2 s5, s20  }
0x169: {  	[tilespmem:s24], [sflag:$0x5] =	stream.linear.gather @!p2 [hbm4b:s23+s24], $0x50, $0x38;
	[tilespmem:$0x1B280] =	vst v63  }
0x16a: {  	s20 =	sadd.s32 @!p2 s6, s20;
	s23 =	simm.s32 @!p2 $0x100  }
0x16b: {  	[tilespmem:s23], [sflag:$0x5] =	stream.linear.gather @!p2 [hbm4b:s20+s24], $0x50, $0x38;
	[tilespmem:$0x1B280] =	vst v63  }
0x16c: {  	p2 =	seq.s32 s19, $0x0  }
.Ltmp7:
0x16d: {  	_ = 	snop;
	(pc) =	sbr.rel @p2 .LBB2_11-.Ltmp7, $1  }
0x16e: {  	_ =	sdelay $0x3  }
.LBB2_8:
0x16f: {  	_ =	swait.ge [sflag:s13], $0x2800  }
0x170: {  	[sflag:s13] =	ssyncset.done $0x0  }
0x171: {  	[sflag:s13] =	ssyncadd.s32 $0xFFFFD800  }
0x172: {  	_ =	swait.ge [sflag:s14], $0x1400  }
0x173: {  	p2 =	seq.s32 s18, $0x7C;
	[sflag:s14] =	ssyncset.done $0x0  }
0x174: {  	s19 =	simm.s32 @!p2 $0x5;
	[sflag:s14] =	ssyncadd.s32 $0xFFFFEC00  }
0x175: {  	_ =	swait.ge @!p2 [sflag:s19], $0x50  }
0x176: {  	[sflag:s19] =	ssyncset.done @!p2 $0x0  }
0x177: {  	[sflag:s19] =	ssyncadd.s32 @!p2 $0xFFFFFFB0  }
0x178: {  	_ =	swait.ge @!p2 [sflag:s19], $0x50  }
0x179: {  	s20 =	simm.s32 @!p2 $0x0;
	s23 =	simm.s32 @!p2 $0x200;
	[sflag:s19] =	ssyncset.done @!p2 $0x0  }
0x17a: {  	s24 =	smul.u32 @!p2 $0x28, s18;
	[sflag:s19] =	ssyncadd.s32 @!p2 $0xFFFFFFB0;
	s19 =	simm.s32 @!p2 $0x50  }
0x17b: {  	[tilespmem:s23], [sflag:$0x1] =	stream.indirect.gather @!p2 [hbm4b:s0+s19], $0x80, s20, s19, $0xb8;
	[tilespmem:$0x1B280] =	vst v63  }
0x17c: {  	s19 =	sadd.s32 @!p2 s24, s21  }
0x17d: {  	s19 =	sshll.u32 @!p2 s19, $0x4  }
0x17e: {  	s25 =	simm.s32 $0x6700;
	s23 =	simm.s32 @!p2 $0x5200;
	s19 =	sadd.s32 @!p2 s7, s19  }
0x17f: {  	[tilespmem:s23], [sflag:$0x3] =	stream.linear.gather @!p2 [hbm4b:s19+s20], $0x1400, $0x38;
	[tilespmem:$0x1B280] =	vst v63  }
0x180: {  	s19 =	simm.s32 $0x2C00;
	v1 =	vld [tilespmem:s25+$0x80]  }
0x181: {  	v2 =	vld [tilespmem:s19+$0x100]  }
0x182: {  	v3 =	vld [tilespmem:s19+$0x180]  }
0x183: {  	v4 =	vld [tilespmem:s25+$0xFFFFFF80]  }
0x184: {  	v5 =	vld [tilespmem:s25+$0x0]  }
0x185: {  	v6 =	vld [tilespmem:s25+$0xFFFFFF00];
	v7 =	vshll.u32 v1, $0x10  }
0x186: {  	v8 =	vld [tilespmem:s19+$0xFFFFFE00];
	v1 =	vand.u32 $0xFFFF0000, v1;
	v2 =	vmul.f32 v7, v2  }
0x187: {  	v7 =	vld [tilespmem:s19+$0xFFFFFE80];
	v1 =	vmul.f32 v1, v3  }
0x188: {  	v3 =	vld [tilespmem:s19+$0xFFFFFF00];
	[tilespmem:s19+$0x100] =	vst v2  }
0x189: {  	v2 =	vld [tilespmem:s19+$0xFFFFFF80];
	[tilespmem:s19+$0x180] =	vst v1  }
0x18a: {  	v1 =	vshll.u32 v6, $0x10;
	v9 =	vld [tilespmem:s25+$0x90]  }
0x18b: {  	v6 =	vand.u32 $0xFFFF0000, v6;
	v1 =	vmul.f32 v1, v8;
	v8 =	vld [tilespmem:s19+$0x110]  }
0x18c: {  	v10 =	vshll.u32 v4, $0x10;
	v6 =	vmul.f32 v6, v7;
	v7 =	vld [tilespmem:s19+$0x190]  }
0x18d: {  	v4 =	vand.u32 $0xFFFF0000, v4;
	[tilespmem:s19+$0xFFFFFE00] =	vst v1;
	v1 =	vmul.f32 v10, v3;
	v3 =	vld [tilespmem:s19+$0x0]  }
0x18e: {  	v10 =	vld [tilespmem:s19+$0xFFFFFE10];
	[tilespmem:s19+$0xFFFFFE80] =	vst v6;
	v2 =	vmul.f32 v4, v2  }
0x18f: {  	v4 =	vld [tilespmem:s19+$0x80];
	[tilespmem:s19+$0xFFFFFF00] =	vst v1;
	v1 =	vshll.u32 v9, $0x10  }
0x190: {  	v6 =	vld [tilespmem:s25+$0xFFFFFF10];
	[tilespmem:s19+$0xFFFFFF80] =	vst v2;
	v2 =	vand.u32 $0xFFFF0000, v9;
	v1 =	vmul.f32 v1, v8  }
0x191: {  	v9 =	vld [tilespmem:s19+$0xFFFFFE90];
	v2 =	vmul.f32 v2, v7  }
0x192: {  	v8 =	vld [tilespmem:s25+$0xFFFFFF90];
	v7 =	vshll.u32 v5, $0x10;
	[tilespmem:s19+$0x110] =	vst v1  }
0x193: {  	v1 =	vand.u32 $0xFFFF0000, v5;
	v3 =	vmul.f32 v7, v3;
	v5 =	vld [tilespmem:s19+$0xFFFFFF10];
	[tilespmem:s19+$0x190] =	vst v2  }
0x194: {  	v1 =	vmul.f32 v1, v4;
	v2 =	vld [tilespmem:s25+$0xA0]  }
0x195: {  	[tilespmem:s19+$0x0] =	vst v3;
	v3 =	vld [tilespmem:s19+$0x120]  }
0x196: {  	v4 =	vshll.u32 v6, $0x10;
	v6 =	vand.u32 $0xFFFF0000, v6;
	[tilespmem:s19+$0x80] =	vst v1;
	v1 =	vld [tilespmem:s19+$0x1A0]  }
0x197: {  	v4 =	vmul.f32 v4, v10;
	v6 =	vmul.f32 v6, v9;
	v9 =	vld [tilespmem:s19+$0xFFFFFF90]  }
0x198: {  	v7 =	vld [tilespmem:s25+$0x10]  }
0x199: {  	[tilespmem:s19+$0xFFFFFE10] =	vst v4;
	v4 =	vld [tilespmem:s19+$0x10];
	v10 =	vshll.u32 v2, $0x10  }
0x19a: {  	[tilespmem:s19+$0xFFFFFE90] =	vst v6;
	v6 =	vld [tilespmem:s19+$0x90];
	v2 =	vand.u32 $0xFFFF0000, v2;
	v3 =	vmul.f32 v10, v3  }
0x19b: {  	v11 =	vld [tilespmem:s25+$0xFFFFFF20];
	v10 =	vshll.u32 v8, $0x10;
	v1 =	vmul.f32 v2, v1  }
0x19c: {  	v2 =	vand.u32 $0xFFFF0000, v8;
	v8 =	vld [tilespmem:s19+$0xFFFFFE20];
	v5 =	vmul.f32 v10, v5;
	[tilespmem:s19+$0x120] =	vst v3  }
0x19d: {  	v10 =	vld [tilespmem:s19+$0xFFFFFEA0];
	v2 =	vmul.f32 v2, v9;
	v3 =	vshll.u32 v7, $0x10;
	[tilespmem:s19+$0x1A0] =	vst v1  }
0x19e: {  	[tilespmem:s19+$0xFFFFFF10] =	vst v5;
	v3 =	vmul.f32 v3, v4;
	v4 =	vld [tilespmem:s25+$0xB0]  }
0x19f: {  	v1 =	vand.u32 $0xFFFF0000, v7;
	[tilespmem:s19+$0xFFFFFF90] =	vst v2;
	v2 =	vld [tilespmem:s19+$0x130]  }
0x1a0: {  	v1 =	vmul.f32 v1, v6;
	v6 =	vld [tilespmem:s25+$0xFFFFFFA0]  }
0x1a1: {  	v5 =	vshll.u32 v11, $0x10;
	[tilespmem:s19+$0x10] =	vst v3;
	v3 =	vld [tilespmem:s19+$0x1B0]  }
0x1a2: {  	v5 =	vmul.f32 v5, v8;
	v8 =	vld [tilespmem:s19+$0xFFFFFF20]  }
0x1a3: {  	[tilespmem:s19+$0x90] =	vst v1;
	v1 =	vand.u32 $0xFFFF0000, v11;
	v11 =	vld [tilespmem:s19+$0xFFFFFF40]  }
0x1a4: {  	v7 =	vld [tilespmem:s25+$0x20];
	v1 =	vmul.f32 v1, v10;
	v9 =	vshll.u32 v4, $0x10  }
0x1a5: {  	[tilespmem:s19+$0xFFFFFE20] =	vst v5;
	v5 =	vld [tilespmem:s19+$0xFFFFFFA0];
	v4 =	vand.u32 $0xFFFF0000, v4;
	v2 =	vmul.f32 v9, v2  }
0x1a6: {  	[tilespmem:s19+$0xFFFFFEA0] =	vst v1;
	v1 =	vld [tilespmem:s19+$0x20];
	v3 =	vmul.f32 v4, v3  }
0x1a7: {  	v4 =	vld [tilespmem:s19+$0xA0];
	[tilespmem:s19+$0x130] =	vst v2  }
0x1a8: {  	v10 =	vld [tilespmem:s19+$0x30];
	v2 =	vshll.u32 v6, $0x10;
	[tilespmem:s19+$0x1B0] =	vst v3  }
0x1a9: {  	v3 =	vand.u32 $0xFFFF0000, v6;
	v2 =	vmul.f32 v2, v8;
	v6 =	vld [tilespmem:s25+$0xC0]  }
0x1aa: {  	v8 =	vshll.u32 v7, $0x10;
	v3 =	vmul.f32 v3, v5;
	v5 =	vld [tilespmem:s19+$0x140]  }
0x1ab: {  	v7 =	vand.u32 $0xFFFF0000, v7;
	v1 =	vmul.f32 v8, v1;
	[tilespmem:s19+$0xFFFFFF20] =	vst v2;
	v2 =	vld [tilespmem:s19+$0x1C0]  }
0x1ac: {  	v9 =	vld [tilespmem:s25+$0xFFFFFF30];
	[tilespmem:s19+$0xFFFFFFA0] =	vst v3;
	v3 =	vmul.f32 v7, v4  }
0x1ad: {  	v8 =	vld [tilespmem:s19+$0xFFFFFE30];
	[tilespmem:s19+$0x20] =	vst v1  }
0x1ae: {  	v1 =	vld [tilespmem:s19+$0xFFFFFEB0];
	[tilespmem:s19+$0xA0] =	vst v3;
	v3 =	vshll.u32 v6, $0x10  }
0x1af: {  	v4 =	vld [tilespmem:s25+$0xFFFFFFB0];
	v6 =	vand.u32 $0xFFFF0000, v6;
	v3 =	vmul.f32 v3, v5  }
0x1b0: {  	v5 =	vld [tilespmem:s19+$0xFFFFFF30];
	v2 =	vmul.f32 v6, v2  }
0x1b1: {  	v6 =	vld [tilespmem:s19+$0xFFFFFFB0];
	[tilespmem:s19+$0x140] =	vst v3  }
0x1b2: {  	v7 =	vld [tilespmem:s25+$0x30];
	v3 =	vshll.u32 v9, $0x10;
	[tilespmem:s19+$0x1C0] =	vst v2  }
0x1b3: {  	v2 =	vand.u32 $0xFFFF0000, v9;
	v3 =	vmul.f32 v3, v8;
	v8 =	vld [tilespmem:s25+$0xD0]  }
0x1b4: {  	v9 =	vshll.u32 v4, $0x10;
	v1 =	vmul.f32 v2, v1;
	v2 =	vld [tilespmem:s19+$0x150]  }
0x1b5: {  	v4 =	vand.u32 $0xFFFF0000, v4;
	[tilespmem:s19+$0xFFFFFE30] =	vst v3;
	v3 =	vmul.f32 v9, v5;
	v5 =	vld [tilespmem:s19+$0x1D0]  }
0x1b6: {  	[tilespmem:s19+$0xFFFFFEB0] =	vst v1;
	v1 =	vmul.f32 v4, v6;
	v4 =	vld [tilespmem:s19+$0xB0]  }
0x1b7: {  	v6 =	vld [tilespmem:s25+$0xFFFFFF40];
	[tilespmem:s19+$0xFFFFFF30] =	vst v3  }
0x1b8: {  	v3 =	vld [tilespmem:s19+$0xFFFFFE40];
	[tilespmem:s19+$0xFFFFFFB0] =	vst v1;
	v1 =	vshll.u32 v8, $0x10  }
0x1b9: {  	v9 =	vld [tilespmem:s25+$0xFFFFFFC0];
	v8 =	vand.u32 $0xFFFF0000, v8;
	v1 =	vmul.f32 v1, v2  }
0x1ba: {  	v2 =	vld [tilespmem:s19+$0xFFFFFEC0];
	v5 =	vmul.f32 v8, v5;
	v8 =	vshll.u32 v7, $0x10  }
0x1bb: {  	[tilespmem:s19+$0x150] =	vst v1;
	v1 =	vand.u32 $0xFFFF0000, v7;
	v7 =	vmul.f32 v8, v10;
	v8 =	vld [tilespmem:s19+$0xFFFFFFC0]  }
0x1bc: {  	[tilespmem:s19+$0x1D0] =	vst v5;
	v1 =	vmul.f32 v1, v4;
	v5 =	vld [tilespmem:s19+$0x160]  }
0x1bd: {  	v4 =	vld [tilespmem:s25+$0xE0];
	[tilespmem:s19+$0x30] =	vst v7  }
0x1be: {  	v7 =	vshll.u32 v6, $0x10;
	[tilespmem:s19+$0xB0] =	vst v1;
	v1 =	vld [tilespmem:s19+$0x1E0]  }
0x1bf: {  	v6 =	vand.u32 $0xFFFF0000, v6;
	v3 =	vmul.f32 v7, v3;
	v7 =	vld [tilespmem:s25+$0x40]  }
0x1c0: {  	v10 =	vshll.u32 v9, $0x10;
	v2 =	vmul.f32 v6, v2;
	v6 =	vld [tilespmem:s19+$0x40]  }
0x1c1: {  	v9 =	vand.u32 $0xFFFF0000, v9;
	[tilespmem:s19+$0xFFFFFE40] =	vst v3;
	v3 =	vmul.f32 v10, v11;
	v10 =	vld [tilespmem:s19+$0xC0]  }
0x1c2: {  	v12 =	vld [tilespmem:s19+$0xFFFFFEF0];
	[tilespmem:s19+$0xFFFFFEC0] =	vst v2;
	v2 =	vmul.f32 v9, v8;
	v8 =	vshll.u32 v4, $0x10  }
0x1c3: {  	[tilespmem:s19+$0xFFFFFF40] =	vst v3;
	v3 =	vld [tilespmem:s25+$0xFFFFFF50];
	v4 =	vand.u32 $0xFFFF0000, v4;
	v5 =	vmul.f32 v8, v5  }
0x1c4: {  	[tilespmem:s19+$0xFFFFFFC0] =	vst v2;
	v2 =	vld [tilespmem:s19+$0xFFFFFE50];
	v1 =	vmul.f32 v4, v1;
	v4 =	vshll.u32 v7, $0x10  }
0x1c5: {  	v7 =	vand.u32 $0xFFFF0000, v7;
	[tilespmem:s19+$0x160] =	vst v5;
	v5 =	vld [tilespmem:s19+$0xFFFFFED0];
	v4 =	vmul.f32 v4, v6  }
0x1c6: {  	v11 =	vld [tilespmem:s19+$0xFFFFFEE0];
	[tilespmem:s19+$0x1E0] =	vst v1;
	v1 =	vmul.f32 v7, v10  }
0x1c7: {  	v6 =	vld [tilespmem:s25+$0xFFFFFFD0];
	[tilespmem:s19+$0x40] =	vst v4  }
0x1c8: {  	v7 =	vld [tilespmem:s19+$0xFFFFFF50];
	v4 =	vshll.u32 v3, $0x10;
	[tilespmem:s19+$0xC0] =	vst v1  }
0x1c9: {  	v1 =	vand.u32 $0xFFFF0000, v3;
	v2 =	vmul.f32 v4, v2;
	v3 =	vld [tilespmem:s25+$0x50]  }
0x1ca: {  	v4 =	vld [tilespmem:s19+$0xFFFFFFD0];
	v1 =	vmul.f32 v1, v5  }
0x1cb: {  	[tilespmem:s19+$0xFFFFFE50] =	vst v2;
	v2 =	vld [tilespmem:s19+$0x50]  }
0x1cc: {  	[tilespmem:s19+$0xFFFFFED0] =	vst v1;
	v1 =	vld [tilespmem:s19+$0xD0]  }
0x1cd: {  	v5 =	vshll.u32 v6, $0x10;
	v8 =	vld [tilespmem:s25+$0xFFFFFF60]  }
0x1ce: {  	v6 =	vand.u32 $0xFFFF0000, v6;
	v5 =	vmul.f32 v5, v7;
	v7 =	vld [tilespmem:s19+$0xFFFFFE60]  }
0x1cf: {  	v9 =	vld [tilespmem:s25+$0xF0];
	v10 =	vshll.u32 v3, $0x10;
	v4 =	vmul.f32 v6, v4  }
0x1d0: {  	[tilespmem:s19+$0xFFFFFF50] =	vst v5;
	v3 =	vand.u32 $0xFFFF0000, v3;
	v5 =	vld [tilespmem:s19+$0xFFFFFF60];
	v2 =	vmul.f32 v10, v2  }
0x1d1: {  	v6 =	vld [tilespmem:s19+$0x1F0];
	[tilespmem:s19+$0xFFFFFFD0] =	vst v4;
	v1 =	vmul.f32 v3, v1  }
0x1d2: {  	v4 =	vld [tilespmem:s25+$0xFFFFFFE0];
	[tilespmem:s19+$0x50] =	vst v2;
	v3 =	vshll.u32 v8, $0x10  }
0x1d3: {  	v10 =	vld [tilespmem:s19+$0xFFFFFFE0];
	v2 =	vand.u32 $0xFFFF0000, v8;
	v3 =	vmul.f32 v3, v7;
	[tilespmem:s19+$0xD0] =	vst v1  }
0x1d4: {  	v2 =	vmul.f32 v2, v11;
	v7 =	vld [tilespmem:s25+$0x60]  }
0x1d5: {  	v1 =	vld [tilespmem:s19+$0x60];
	[tilespmem:s19+$0xFFFFFE60] =	vst v3  }
0x1d6: {  	v3 =	vld [tilespmem:s19+$0xE0];
	[tilespmem:s19+$0xFFFFFEE0] =	vst v2  }
0x1d7: {  	v2 =	vshll.u32 v4, $0x10;
	v11 =	vld [tilespmem:s25+$0xFFFFFF70]  }
0x1d8: {  	v8 =	vld [tilespmem:s19+$0xFFFFFE70];
	v4 =	vand.u32 $0xFFFF0000, v4;
	v5 =	vmul.f32 v2, v5  }
0x1d9: {  	v2 =	vld [tilespmem:s19+$0xFFFFFF70];
	v10 =	vmul.f32 v4, v10;
	v4 =	vshll.u32 v7, $0x10  }
0x1da: {  	[tilespmem:s19+$0xFFFFFF60] =	vst v5;
	v5 =	vand.u32 $0xFFFF0000, v7;
	v1 =	vmul.f32 v4, v1;
	v4 =	vld [tilespmem:s19+$0xFFFFFFF0]  }
0x1db: {  	[tilespmem:s19+$0xFFFFFFE0] =	vst v10;
	v7 =	vand.u32 $0xFFFF0000, v9;
	v5 =	vmul.f32 v5, v3;
	v3 =	vld [tilespmem:s19+$0x70]  }
0x1dc: {  	[tilespmem:s19+$0x60] =	vst v1;
	v1 =	vmul.f32 v7, v6;
	v6 =	vshll.u32 v11, $0x10;
	v7 =	vld [tilespmem:s25+$0xFFFFFFF0]  }
0x1dd: {  	v10 =	vand.u32 $0xFFFF0000, v11;
	[tilespmem:s19+$0xE0] =	vst v5;
	v5 =	vld [tilespmem:s19+$0xF0];
	v6 =	vmul.f32 v6, v8  }
0x1de: {  	v8 =	vld [tilespmem:s25+$0x70];
	[tilespmem:s19+$0x1F0] =	vst v1;
	v1 =	vshll.u32 v9, $0x10;
	v9 =	vmul.f32 v10, v12  }
0x1df: {  	s24 =	simm.s32 $0x2C00;
	s20 =	simm.s32 $0x0;
	s23 =	simm.s32 $0x6900;
	[tilespmem:s19+$0xFFFFFE70] =	vst v6;
	v6 =	vld [tilespmem:s19+$0x170]  }
.LBB2_9:
0x1e0: {  	v10 =	vld [tilespmem:s23+$0x80];
	[tilespmem:s19+$0xFFFFFEF0] =	vst v9;
	s24 =	sadd.s32 $0x400, s24  }
0x1e1: {  	v9 =	vld [tilespmem:s24+$0x100];
	v11 =	vshll.u32 v7, $0x10;
	v7 =	vand.u32 $0xFFFF0000, v7  }
0x1e2: {  	v12 =	vld [tilespmem:s24+$0x180];
	v2 =	vmul.f32 v11, v2;
	v4 =	vmul.f32 v7, v4  }
0x1e3: {  	v7 =	vld [tilespmem:s23+$0xFFFFFF80];
	v11 =	vshll.u32 v8, $0x10;
	v8 =	vand.u32 $0xFFFF0000, v8  }
0x1e4: {  	v13 =	vld [tilespmem:s23+$0x0];
	[tilespmem:s19+$0xFFFFFF70] =	vst v2;
	v2 =	vmul.f32 v11, v3;
	v3 =	vmul.f32 v8, v5  }
0x1e5: {  	v1 =	vmul.f32 v1, v6;
	v5 =	vld [tilespmem:s23+$0xFFFFFF00];
	v8 =	vshll.u32 v10, $0x10;
	[tilespmem:s19+$0xFFFFFFF0] =	vst v4  }
0x1e6: {  	v6 =	vand.u32 $0xFFFF0000, v10;
	v4 =	vld [tilespmem:s24+$0xFFFFFE00];
	v8 =	vmul.f32 v8, v9;
	[tilespmem:s19+$0x70] =	vst v2  }
0x1e7: {  	s20 =	sadd.s32 $0x4, s20;
	v2 =	vld [tilespmem:s24+$0xFFFFFE80];
	v6 =	vmul.f32 v6, v12;
	[tilespmem:s19+$0xF0] =	vst v3  }
0x1e8: {  	p2 =	slt.u32 s20, $0x24;
	v3 =	vshll.u32 v7, $0x10;
	v7 =	vand.u32 $0xFFFF0000, v7;
	v9 =	vld [tilespmem:s24+$0xFFFFFF00];
	[tilespmem:s24+$0x100] =	vst v8  }
0x1e9: {  	v8 =	vld [tilespmem:s24+$0xFFFFFF80];
	v10 =	vshll.u32 v13, $0x10;
	v11 =	vand.u32 $0xFFFF0000, v13;
	[tilespmem:s24+$0x180] =	vst v6  }
0x1ea: {  	v6 =	vshll.u32 v5, $0x10;
	v5 =	vand.u32 $0xFFFF0000, v5;
	v12 =	vld [tilespmem:s23+$0x90];
	[tilespmem:s19+$0x170] =	vst v1;
	s19 =	smov.u32 s24  }
0x1eb: {  	v1 =	vmul.f32 v6, v4;
	v4 =	vld [tilespmem:s24+$0x110]  }
0x1ec: {  	v2 =	vmul.f32 v5, v2;
	v5 =	vld [tilespmem:s24+$0x190]  }
0x1ed: {  	[tilespmem:s24+$0xFFFFFE00] =	vst v1;
	v1 =	vmul.f32 v3, v9;
	v3 =	vld [tilespmem:s24+$0x0]  }
0x1ee: {  	[tilespmem:s24+$0xFFFFFE80] =	vst v2;
	v2 =	vmul.f32 v7, v8;
	v6 =	vld [tilespmem:s24+$0x80]  }
0x1ef: {  	v7 =	vld [tilespmem:s23+$0xFFFFFF10];
	[tilespmem:s24+$0xFFFFFF00] =	vst v1;
	v1 =	vshll.u32 v12, $0x10  }
0x1f0: {  	v8 =	vld [tilespmem:s24+$0xFFFFFE10];
	[tilespmem:s24+$0xFFFFFF80] =	vst v2;
	v2 =	vand.u32 $0xFFFF0000, v12;
	v1 =	vmul.f32 v1, v4  }
0x1f1: {  	v4 =	vld [tilespmem:s23+$0xFFFFFF90];
	v2 =	vmul.f32 v2, v5  }
0x1f2: {  	v5 =	vld [tilespmem:s24+$0xFFFFFE90];
	v3 =	vmul.f32 v10, v3;
	[tilespmem:s24+$0x110] =	vst v1  }
0x1f3: {  	v1 =	vld [tilespmem:s24+$0xFFFFFF10];
	v6 =	vmul.f32 v11, v6;
	[tilespmem:s24+$0x190] =	vst v2  }
0x1f4: {  	v2 =	vshll.u32 v7, $0x10;
	v7 =	vand.u32 $0xFFFF0000, v7;
	[tilespmem:s24+$0x0] =	vst v3;
	v3 =	vld [tilespmem:s23+$0xA0]  }
0x1f5: {  	v2 =	vmul.f32 v2, v8;
	[tilespmem:s24+$0x80] =	vst v6;
	v6 =	vld [tilespmem:s24+$0x120]  }
0x1f6: {  	v8 =	vshll.u32 v4, $0x10;
	v4 =	vand.u32 $0xFFFF0000, v4;
	v9 =	vld [tilespmem:s24+$0x1A0]  }
0x1f7: {  	[tilespmem:s24+$0xFFFFFE10] =	vst v2;
	v2 =	vmul.f32 v7, v5;
	v5 =	vld [tilespmem:s23+$0x10]  }
0x1f8: {  	v1 =	vmul.f32 v8, v1;
	v7 =	vld [tilespmem:s24+$0xFFFFFF90]  }
0x1f9: {  	[tilespmem:s24+$0xFFFFFE90] =	vst v2;
	v2 =	vld [tilespmem:s24+$0x10];
	v8 =	vshll.u32 v3, $0x10  }
0x1fa: {  	v3 =	vand.u32 $0xFFFF0000, v3;
	[tilespmem:s24+$0xFFFFFF10] =	vst v1;
	v1 =	vld [tilespmem:s24+$0x90];
	v6 =	vmul.f32 v8, v6  }
0x1fb: {  	v8 =	vld [tilespmem:s23+$0xFFFFFF20];
	v3 =	vmul.f32 v3, v9  }
0x1fc: {  	v9 =	vld [tilespmem:s24+$0xFFFFFE20];
	v10 =	vshll.u32 v5, $0x10;
	v5 =	vand.u32 $0xFFFF0000, v5;
	[tilespmem:s24+$0x120] =	vst v6  }
0x1fd: {  	v6 =	vld [tilespmem:s24+$0xFFFFFEA0];
	v4 =	vmul.f32 v4, v7;
	[tilespmem:s24+$0x1A0] =	vst v3  }
0x1fe: {  	v2 =	vmul.f32 v10, v2;
	v3 =	vld [tilespmem:s23+$0xB0]  }
0x1ff: {  	[tilespmem:s24+$0xFFFFFF90] =	vst v4;
	v1 =	vmul.f32 v5, v1;
	v4 =	vld [tilespmem:s24+$0x130]  }
0x200: {  	v5 =	vshll.u32 v8, $0x10;
	v7 =	vand.u32 $0xFFFF0000, v8;
	[tilespmem:s24+$0x10] =	vst v2;
	v2 =	vld [tilespmem:s24+$0x1B0]  }
0x201: {  	v5 =	vmul.f32 v5, v9;
	v8 =	vld [tilespmem:s23+$0xFFFFFFA0];
	[tilespmem:s24+$0x90] =	vst v1  }
0x202: {  	v1 =	vmul.f32 v7, v6;
	v6 =	vld [tilespmem:s23+$0x20]  }
0x203: {  	[tilespmem:s24+$0xFFFFFE20] =	vst v5;
	v5 =	vld [tilespmem:s24+$0xFFFFFF20];
	v7 =	vshll.u32 v3, $0x10  }
0x204: {  	v3 =	vand.u32 $0xFFFF0000, v3;
	[tilespmem:s24+$0xFFFFFEA0] =	vst v1;
	v1 =	vld [tilespmem:s24+$0xFFFFFFA0];
	v4 =	vmul.f32 v7, v4  }
0x205: {  	v7 =	vld [tilespmem:s24+$0x20];
	v2 =	vmul.f32 v3, v2  }
0x206: {  	v3 =	vshll.u32 v8, $0x10;
	v8 =	vand.u32 $0xFFFF0000, v8;
	v9 =	vld [tilespmem:s24+$0xA0];
	[tilespmem:s24+$0x130] =	vst v4  }
0x207: {  	v4 =	vld [tilespmem:s23+$0xFFFFFF30];
	v10 =	vshll.u32 v6, $0x10;
	v6 =	vand.u32 $0xFFFF0000, v6;
	[tilespmem:s24+$0x1B0] =	vst v2  }
0x208: {  	v2 =	vmul.f32 v3, v5;
	v3 =	vld [tilespmem:s23+$0xC0]  }
0x209: {  	v1 =	vmul.f32 v8, v1;
	v5 =	vld [tilespmem:s24+$0x140]  }
0x20a: {  	[tilespmem:s24+$0xFFFFFF20] =	vst v2;
	v2 =	vmul.f32 v10, v7;
	v7 =	vld [tilespmem:s24+$0x1C0]  }
0x20b: {  	v8 =	vld [tilespmem:s24+$0xFFFFFE30];
	[tilespmem:s24+$0xFFFFFFA0] =	vst v1;
	v1 =	vmul.f32 v6, v9  }
0x20c: {  	v6 =	vshll.u32 v4, $0x10;
	v4 =	vand.u32 $0xFFFF0000, v4;
	v9 =	vld [tilespmem:s23+$0xFFFFFFB0];
	[tilespmem:s24+$0x20] =	vst v2  }
0x20d: {  	v2 =	vld [tilespmem:s24+$0xFFFFFEB0];
	[tilespmem:s24+$0xA0] =	vst v1;
	v1 =	vshll.u32 v3, $0x10  }
0x20e: {  	v3 =	vand.u32 $0xFFFF0000, v3;
	v10 =	vld [tilespmem:s23+$0x30];
	v1 =	vmul.f32 v1, v5  }
0x20f: {  	v5 =	vld [tilespmem:s24+$0xFFFFFF30];
	v3 =	vmul.f32 v3, v7  }
0x210: {  	v6 =	vmul.f32 v6, v8;
	v7 =	vld [tilespmem:s24+$0xFFFFFFB0];
	[tilespmem:s24+$0x140] =	vst v1  }
0x211: {  	v1 =	vshll.u32 v9, $0x10;
	v8 =	vand.u32 $0xFFFF0000, v9;
	v9 =	vld [tilespmem:s24+$0x30];
	[tilespmem:s24+$0x1C0] =	vst v3  }
0x212: {  	[tilespmem:s24+$0xFFFFFE30] =	vst v6;
	v2 =	vmul.f32 v4, v2;
	v3 =	vld [tilespmem:s23+$0xD0]  }
0x213: {  	v4 =	vshll.u32 v10, $0x10;
	v6 =	vand.u32 $0xFFFF0000, v10;
	v10 =	vld [tilespmem:s24+$0x150]  }
0x214: {  	[tilespmem:s24+$0xFFFFFEB0] =	vst v2;
	v1 =	vmul.f32 v1, v5;
	v2 =	vld [tilespmem:s24+$0x1D0]  }
0x215: {  	v5 =	vmul.f32 v8, v7;
	v7 =	vld [tilespmem:s24+$0xB0]  }
0x216: {  	v8 =	vld [tilespmem:s23+$0xFFFFFF40];
	[tilespmem:s24+$0xFFFFFF30] =	vst v1;
	v1 =	vmul.f32 v4, v9  }
0x217: {  	v4 =	vld [tilespmem:s24+$0xFFFFFE40];
	[tilespmem:s24+$0xFFFFFFB0] =	vst v5;
	v5 =	vshll.u32 v3, $0x10  }
0x218: {  	v9 =	vld [tilespmem:s23+$0xFFFFFFC0];
	[tilespmem:s24+$0x30] =	vst v1;
	v1 =	vand.u32 $0xFFFF0000, v3;
	v3 =	vmul.f32 v5, v10  }
0x219: {  	v5 =	vld [tilespmem:s24+$0xFFFFFEC0];
	v1 =	vmul.f32 v1, v2  }
0x21a: {  	v2 =	vld [tilespmem:s24+$0xFFFFFF40];
	v6 =	vmul.f32 v6, v7;
	[tilespmem:s24+$0x150] =	vst v3  }
0x21b: {  	v3 =	vshll.u32 v8, $0x10;
	v7 =	vand.u32 $0xFFFF0000, v8;
	v8 =	vld [tilespmem:s24+$0xFFFFFFC0];
	[tilespmem:s24+$0x1D0] =	vst v1  }
0x21c: {  	v1 =	vmul.f32 v3, v4;
	[tilespmem:s24+$0xB0] =	vst v6;
	v3 =	vld [tilespmem:s23+$0xE0]  }
0x21d: {  	v4 =	vshll.u32 v9, $0x10;
	v6 =	vand.u32 $0xFFFF0000, v9;
	v9 =	vld [tilespmem:s24+$0x160]  }
0x21e: {  	[tilespmem:s24+$0xFFFFFE40] =	vst v1;
	v1 =	vmul.f32 v7, v5;
	v5 =	vld [tilespmem:s24+$0x1E0]  }
0x21f: {  	v2 =	vmul.f32 v4, v2;
	v4 =	vld [tilespmem:s23+$0x40]  }
0x220: {  	[tilespmem:s24+$0xFFFFFEC0] =	vst v1;
	v1 =	vmul.f32 v6, v8;
	v6 =	vld [tilespmem:s24+$0x40]  }
0x221: {  	[tilespmem:s24+$0xFFFFFF40] =	vst v2;
	v2 =	vld [tilespmem:s24+$0xC0];
	v7 =	vshll.u32 v3, $0x10  }
0x222: {  	v8 =	vld [tilespmem:s23+$0xFFFFFF50];
	[tilespmem:s24+$0xFFFFFFC0] =	vst v1;
	v1 =	vand.u32 $0xFFFF0000, v3;
	v3 =	vmul.f32 v7, v9  }
0x223: {  	v7 =	vld [tilespmem:s23+$0xFFFFFFD0];
	v1 =	vmul.f32 v1, v5  }
0x224: {  	v5 =	vld [tilespmem:s24+$0xFFFFFE50];
	v9 =	vshll.u32 v4, $0x10;
	v4 =	vand.u32 $0xFFFF0000, v4;
	[tilespmem:s24+$0x160] =	vst v3  }
0x225: {  	v3 =	vld [tilespmem:s24+$0xFFFFFED0];
	v6 =	vmul.f32 v9, v6;
	[tilespmem:s24+$0x1E0] =	vst v1  }
0x226: {  	v1 =	vmul.f32 v4, v2;
	v2 =	vld [tilespmem:s23+$0xF0]  }
0x227: {  	v4 =	vshll.u32 v8, $0x10;
	v8 =	vand.u32 $0xFFFF0000, v8;
	[tilespmem:s24+$0x40] =	vst v6;
	v6 =	vld [tilespmem:s24+$0x1F0]  }
0x228: {  	v9 =	vshll.u32 v7, $0x10;
	v7 =	vand.u32 $0xFFFF0000, v7;
	v10 =	vld [tilespmem:s24+$0xFFFFFF50];
	[tilespmem:s24+$0xC0] =	vst v1  }
0x229: {  	v1 =	vmul.f32 v4, v5;
	v4 =	vld [tilespmem:s23+$0x50]  }
0x22a: {  	v3 =	vmul.f32 v8, v3;
	v5 =	vld [tilespmem:s24+$0xFFFFFFD0]  }
0x22b: {  	[tilespmem:s24+$0xFFFFFE50] =	vst v1;
	v8 =	vld [tilespmem:s24+$0x50];
	v1 =	vshll.u32 v2, $0x10;
	v2 =	vand.u32 $0xFFFF0000, v2  }
0x22c: {  	[tilespmem:s24+$0xFFFFFED0] =	vst v3;
	v3 =	vld [tilespmem:s24+$0xD0];
	v2 =	vmul.f32 v2, v6  }
0x22d: {  	v6 =	vld [tilespmem:s23+$0xFFFFFF60];
	v9 =	vmul.f32 v9, v10  }
0x22e: {  	v10 =	vld [tilespmem:s24+$0xFFFFFE60];
	v11 =	vshll.u32 v4, $0x10;
	v4 =	vand.u32 $0xFFFF0000, v4;
	[tilespmem:s24+$0x1F0] =	vst v2  }
0x22f: {  	v2 =	vld [tilespmem:s24+$0xFFFFFEE0];
	[tilespmem:s24+$0xFFFFFF50] =	vst v9;
	v5 =	vmul.f32 v7, v5  }
0x230: {  	v7 =	vld [tilespmem:s24+$0xFFFFFF60];
	v8 =	vmul.f32 v11, v8  }
0x231: {  	[tilespmem:s24+$0xFFFFFFD0] =	vst v5;
	v5 =	vld [tilespmem:s24+$0xFFFFFFE0];
	v3 =	vmul.f32 v4, v3  }
0x232: {  	v4 =	vshll.u32 v6, $0x10;
	v6 =	vand.u32 $0xFFFF0000, v6;
	v9 =	vld [tilespmem:s23+$0xFFFFFFE0];
	[tilespmem:s24+$0x50] =	vst v8  }
0x233: {  	v4 =	vmul.f32 v4, v10;
	[tilespmem:s24+$0xD0] =	vst v3;
	v3 =	vld [tilespmem:s24+$0x60]  }
0x234: {  	v2 =	vmul.f32 v6, v2;
	v6 =	vld [tilespmem:s23+$0x60]  }
0x235: {  	[tilespmem:s24+$0xFFFFFE60] =	vst v4;
	v8 =	vld [tilespmem:s24+$0xE0]  }
0x236: {  	[tilespmem:s24+$0xFFFFFEE0] =	vst v2;
	v10 =	vld [tilespmem:s24+$0xFFFFFE70]  }
0x237: {  	v11 =	vld [tilespmem:s23+$0xFFFFFF70];
	v2 =	vshll.u32 v9, $0x10;
	v4 =	vand.u32 $0xFFFF0000, v9  }
0x238: {  	v9 =	vld [tilespmem:s24+$0xFFFFFEF0];
	v7 =	vmul.f32 v2, v7;
	v5 =	vmul.f32 v4, v5  }
0x239: {  	v2 =	vld [tilespmem:s24+$0xFFFFFF70];
	v12 =	vshll.u32 v6, $0x10;
	v6 =	vand.u32 $0xFFFF0000, v6  }
0x23a: {  	[tilespmem:s24+$0xFFFFFF60] =	vst v7;
	v4 =	vld [tilespmem:s24+$0xFFFFFFF0];
	v12 =	vmul.f32 v12, v3;
	v6 =	vmul.f32 v6, v8  }
.Ltmp8:
0x23b: {  	[tilespmem:s24+$0xFFFFFFE0] =	vst v5;
	v3 =	vld [tilespmem:s24+$0x70];
	(pc) =	sbr.rel @p2 .LBB2_9-.Ltmp8, $4  }
0x23c: {  	v5 =	vshll.u32 v11, $0x10;
	v8 =	vand.u32 $0xFFFF0000, v11;
	v7 =	vld [tilespmem:s23+$0xFFFFFFF0];
	[tilespmem:s24+$0x60] =	vst v12  }
0x23d: {  	v10 =	vmul.f32 v5, v10;
	v9 =	vmul.f32 v8, v9;
	[tilespmem:s24+$0xE0] =	vst v6;
	v5 =	vld [tilespmem:s24+$0xF0]  }
0x23e: {  	v8 =	vld [tilespmem:s23+$0x70]  }
0x23f: {  	s23 =	sadd.s32 $0x200, s23;
	[tilespmem:s24+$0xFFFFFE70] =	vst v10;
	v6 =	vld [tilespmem:s24+$0x170]  }
0x240: {  	_ = 	snop  }
0x241: {  	v10 =	vshll.u32 v7, $0x10  }
0x242: {  	v61 =	vand.u32 $0xFFFF0000, v7;
	v2 =	vmul.f32 v10, v2  }
0x243: {  	[tilespmem:s19+$0xFFFFFEF0] =	vst v9;
	v4 =	vmul.f32 v61, v4;
	v62 =	vshll.u32 v8, $0x10  }
0x244: {  	v63 =	vand.u32 $0xFFFF0000, v8;
	[tilespmem:s19+$0xFFFFFF70] =	vst v2;
	v2 =	vmul.f32 v62, v3  }
0x245: {  	v3 =	vmul.f32 v63, v5;
	[tilespmem:s19+$0xFFFFFFF0] =	vst v4  }
0x246: {  	v1 =	vmul.f32 v1, v6;
	[tilespmem:s19+$0x70] =	vst v2  }
0x247: {  	p2 =	sgt.u32 s18, $0x7A;
	[tilespmem:s19+$0xF0] =	vst v3  }
0x248: {  	[tilespmem:s19+$0x170] =	vst v1;
	s19 =	smul.u32 @!p2 $0x50, s18  }
0x249: {  	[spmem:s3] =	stream.indirect.scatter.add.f32 [tilespmem:s15], [sflag:$0x7], $0x80, s11, s12, $0xb8;
	[tilespmem:$0x1B280] =	vst v63  }
0x24a: {  	s23 =	simm.s32 @!p2 $0x0;
	_ =	swait.ge [sflag:s9], $0x2800;
	s19 =	sadd.s32 @!p2 s19, s22  }
.Ltmp9:
0x24b: {  	[sflag:s9] =	ssyncset.done $0x0;
	s19 =	sshrl.u32 @!p2 s19, $0x3;
	(pc) =	sbr.rel .LBB2_11-.Ltmp9, $4  }
0x24c: {  	s24 =	simm.s32 @!p2 $0x80;
	[sflag:s9] =	ssyncadd.s32 $0xFFFFD800;
	s20 =	sadd.s32 @!p2 s5, s19  }
0x24d: {  	[tilespmem:s24], [sflag:$0x6] =	stream.linear.gather @!p2 [hbm4b:s20+s23], $0x50, $0x38;
	[tilespmem:$0x1B280] =	vst v63  }
0x24e: {  	s19 =	sadd.s32 @!p2 s6, s19;
	s20 =	simm.s32 @!p2 $0x180  }
0x24f: {  	[tilespmem:s20], [sflag:$0x6] =	stream.linear.gather @!p2 [hbm4b:s19+s23], $0x50, $0x38;
	[tilespmem:$0x1B280] =	vst v63  }
.LBB2_13:
0x250: {  	_ =	sfence.sel $0x180000  }
0x251: {  	[bflag:$0x0] =	sbarrier.arrive $0xFFFF  }
0x252: {  	_ =	strace $0x90000047  }
0x253: {  	s0 =	stileid.u32;
	[bflag:$0x2] =	sbarrier.arrive $0xFFFF  }
0x254: {  	p0 =	sne.s32 s0, $0x0;
	s0 =	rddreg [dreg:$0x3]  }
0x255: {  	s0 =	sadd.s32 @!p0 $0x100000, s0  }
0x256: {  	[sflag:s0] =	ssyncadd.tile.s32 @!p0 $0x1;
	_ =	shalt  }
.Lfunc_end2:
_tile_overlayer_lowered:
.L_overlay_start_2:
0x257: {  	(tag) =	ssettag $0x2  }
0x258: {  	s0 =	rddreg [dreg:$0x0];
	s2 =	stileid.u32  }
0x259: {  	s1 =	rddreg [dreg:$0x1];
	p0 =	sne.s32 s2, $0x0  }
0x25a: {  	s3 =	rddreg [dreg:$0x2];
	[bflag:$0x3] =	sbarrier.arrive $0xFFFF;
	s2 =	simm.s32 @!p0 $0x1C07  }
0x25b: {  	[timem:s3], [sflag:s2] =	dma.local @!p0 [hbm:s0], s1  }
0x25c: {  	s0 =	simm.s32 @!p0 $0x7  }
0x25d: {  	_ =	swait.ge @!p0 [sflag:s0], s1  }
0x25e: {  	s1 =	ssub.s32 @!p0 $0x0, s1;
	[sflag:s0] =	ssyncset.done @!p0 $0x0  }
0x25f: {  	[sflag:s0] =	ssyncadd.s32 @!p0 s1  }
0x260: {  	[bflag:$0x3] =	sbarrier.arrive $0xFFFF  }
0x261: {  	_ =	shalt  }

</sc_bundles>
